<compile_context>
chip_gen: v7x
topology: tpu7x:2x2x1
jax: 0.10.2.dev20260603
libtpu: 0.0.44.dev20260713+nightly
codegen_flags: <defaults>
</compile_context>

<pallas_src>
import jax
import jax.numpy as jnp
from jax import lax
from jax.experimental import pallas as pl
from jax.experimental.pallas import tpu as pltpu
from jax.experimental.pallas import tpu_sc as plsc

N_U = 10000
N_P = 10000
N_T = 168
N_W = 16
N_S = 4
N_D = 366
N_M = 12
E = 320000
D = 128

NT = 16
EPT = E // NT
B = 160
NCH = EPT // B
MUP_SPLIT = 62
ROWS_PT = 624
ROWS_TAIL_AT = NT * ROWS_PT
ROWS_TAIL = N_U - ROWS_TAIL_AT

_f32 = jnp.float32
_i32 = jnp.int32


def _zero_rows(ref, nrows, zero16):
    def row(r, carry):
        for g in range(D // 16):
            ref[r, pl.ds(g * 16, 16)] = zero16
        return carry
    lax.fori_loop(0, nrows, row, 0)


def _zero_flat(ref, nwords, zero16):
    def blk(i, carry):
        ref[pl.ds(i * 16, 16)] = zero16
        return carry
    lax.fori_loop(0, nwords // 16, blk, 0)


def _sc_body(uemb, pemb, temb, ew, uix, pix, tix,
             us, ps, ucnt, pcnt, mup,
             acc, hist):
    c = lax.axis_index("c")
    s = lax.axis_index("s")
    zero16 = jnp.zeros((16,), _f32)
    ones16 = jnp.ones((16,), _f32)

    iota16 = jnp.arange(16, dtype=_i32)

    def scoped(iu, ip, it, eix, bp, bt, ones_b, zo):
        _zero_rows(bt, B, zero16)
        _zero_flat(zo, ROWS_PT + ROWS_TAIL, zero16)
        for k in range(B // 16):
            ones_b[pl.ds(k * 16, 16)] = ones16

        done = 0
        for k in range((ROWS_PT + B - 1) // B):
            n = min(B, ROWS_PT - done)
            pltpu.sync_copy(bt.at[pl.ds(0, n)],
                            acc.at[pl.ds(s * ROWS_PT + done, n)])
            done += n
        pltpu.sync_copy(zo.at[pl.ds(0, ROWS_PT)],
                        hist.at[pl.ds(s * ROWS_PT, ROWS_PT)])

        @pl.when(s == NT - 1)
        def _():
            pltpu.sync_copy(bt.at[pl.ds(0, ROWS_TAIL)],
                            acc.at[pl.ds(ROWS_TAIL_AT, ROWS_TAIL)])
            pltpu.sync_copy(zo.at[pl.ds(0, ROWS_TAIL)],
                            hist.at[pl.ds(ROWS_TAIL_AT, ROWS_TAIL)])
        plsc.subcore_barrier()

        def chunk(i, carry):
            base = s * EPT + i * B
            pltpu.sync_copy(uix.at[pl.ds(base, B)], iu)
            pltpu.sync_copy(pix.at[pl.ds(base, B)], ip)
            pltpu.sync_copy(tix.at[pl.ds(base, B)], it)
            for k in range(B // 16):
                eix[pl.ds(k * 16, 16)] = iota16 + (base + k * 16)

            @pl.when(c == 0)
            def _():
                pltpu.sync_copy(temb.at[it], bt)
                pltpu.sync_copy(pemb.at[ip], bt, add=True)
                pltpu.sync_copy(ew.at[eix], bt, add=True)
                pltpu.sync_copy(bt, acc.at[iu], add=True)
                pltpu.sync_copy(ones_b, hist.at[iu], add=True)

            @pl.when(c == 1)
            def _():
                pltpu.sync_copy(temb.at[it], bt)
                pltpu.sync_copy(uemb.at[iu], bt, add=True)
                pltpu.sync_copy(ew.at[eix], bt, add=True)
                pltpu.sync_copy(bt, acc.at[ip], add=True)
                pltpu.sync_copy(ones_b, hist.at[ip], add=True)

            do_mup = jnp.logical_or(
                jnp.logical_and(c == 0, i < MUP_SPLIT),
                jnp.logical_and(c == 1, i >= MUP_SPLIT))

            @pl.when(do_mup)
            def _():
                pltpu.sync_copy(pemb.at[ip], bp)
                pltpu.sync_copy(uemb.at[iu], bp, add=True)
                pltpu.sync_copy(bp, mup.at[pl.ds(base, B)])
            return carry

        lax.fori_loop(0, NCH, chunk, 0)
        plsc.subcore_barrier()

        def acc_out(sums_hbm, cnt_hbm):
            done = 0
            for k in range((ROWS_PT + B - 1) // B):
                n = min(B, ROWS_PT - done)
                at = s * ROWS_PT + done
                pltpu.sync_copy(acc.at[pl.ds(at, n)], bt.at[pl.ds(0, n)])
                pltpu.sync_copy(bt.at[pl.ds(0, n)],
                                sums_hbm.at[pl.ds(at, n)])
                done += n
            pltpu.sync_copy(hist.at[pl.ds(s * ROWS_PT, ROWS_PT)],
                            zo.at[pl.ds(0, ROWS_PT)])
            pltpu.sync_copy(zo.at[pl.ds(0, ROWS_PT)],
                            cnt_hbm.at[pl.ds(s * ROWS_PT, ROWS_PT)])

            @pl.when(s == NT - 1)
            def _():
                pltpu.sync_copy(acc.at[pl.ds(ROWS_TAIL_AT, ROWS_TAIL)],
                                bt.at[pl.ds(0, ROWS_TAIL)])
                pltpu.sync_copy(bt.at[pl.ds(0, ROWS_TAIL)],
                                sums_hbm.at[pl.ds(ROWS_TAIL_AT, ROWS_TAIL)])
                pltpu.sync_copy(hist.at[pl.ds(ROWS_TAIL_AT, ROWS_TAIL)],
                                zo.at[pl.ds(0, ROWS_TAIL)])
                pltpu.sync_copy(zo.at[pl.ds(0, ROWS_TAIL)],
                                cnt_hbm.at[pl.ds(ROWS_TAIL_AT, ROWS_TAIL)])

        @pl.when(c == 0)
        def _():
            acc_out(us, ucnt)

        @pl.when(c == 1)
        def _():
            acc_out(ps, pcnt)

    pl.run_scoped(
        scoped,
        pltpu.VMEM((B,), _i32),
        pltpu.VMEM((B,), _i32),
        pltpu.VMEM((B,), _i32),
        pltpu.VMEM((B,), _i32),
        pltpu.VMEM((B, D), _f32),
        pltpu.VMEM((B, D), _f32),
        pltpu.VMEM((B,), _f32),
        pltpu.VMEM((ROWS_PT + ROWS_TAIL,), _f32),
    )


def _sc_scatter_phase(user_emb, poi_emb, time_emb, e_w, uix, pix, tix):
    mesh = plsc.VectorSubcoreMesh(core_axis_name="c", subcore_axis_name="s")
    out_type = (
        jax.ShapeDtypeStruct((N_U, D), _f32),
        jax.ShapeDtypeStruct((N_P, D), _f32),
        jax.ShapeDtypeStruct((N_U,), _f32),
        jax.ShapeDtypeStruct((N_P,), _f32),
        jax.ShapeDtypeStruct((E, D), _f32),
    )
    scratch = [
        pltpu.VMEM_SHARED((N_U, D), _f32),
        pltpu.VMEM_SHARED((N_U,), _f32),
    ]
    f = pl.kernel(_sc_body, out_type=out_type, mesh=mesh,
                  scratch_types=scratch)
    return f(user_emb, poi_emb, time_emb, e_w, uix, pix, tix)


EC = 2560
NSTEP = E // EC


def _a2_body(mup, ti, si, wi, mi, d0, d1, d2,
             tsum, ssum, wsum, dsum, msum,
             tcnt, scnt, wcnt, dcnt, mcnt):
    step = pl.program_id(0)
    m = mup[...]

    def acc2(out, part):
        @pl.when(step == 0)
        def _():
            out[...] = part

        @pl.when(step != 0)
        def _():
            out[...] = out[...] + part

    def tally(oh, sum_out, cnt_out):
        part = jax.lax.dot_general(
            oh, m, (((1,), (0,)), ((), ())), preferred_element_type=_f32)
        acc2(sum_out, part)
        acc2(cnt_out, jnp.sum(oh, axis=1, keepdims=True))

    def onehot(idx_row, nbins):
        rows = lax.broadcasted_iota(_i32, (nbins, EC), 0)
        return (rows == idx_row).astype(_f32)

    tally(onehot(ti[...], N_T), tsum, tcnt)
    tally(onehot(si[...], N_S), ssum, scnt)
    tally(onehot(wi[...], N_W), wsum, wcnt)
    tally(onehot(mi[...], N_M), msum, mcnt)
    ohd = (onehot(d0[...], N_D) + onehot(d1[...], N_D)
           + onehot(d2[...], N_D))
    tally(ohd, dsum, dcnt)


def _small_tables_phase(mup, tix, six, wix, mix, day0, day1, day2):
    out_shape = (
        jax.ShapeDtypeStruct((N_T, D), _f32),
        jax.ShapeDtypeStruct((N_S, D), _f32),
        jax.ShapeDtypeStruct((N_W, D), _f32),
        jax.ShapeDtypeStruct((N_D, D), _f32),
        jax.ShapeDtypeStruct((N_M, D), _f32),
        jax.ShapeDtypeStruct((N_T, 1), _f32),
        jax.ShapeDtypeStruct((N_S, 1), _f32),
        jax.ShapeDtypeStruct((N_W, 1), _f32),
        jax.ShapeDtypeStruct((N_D, 1), _f32),
        jax.ShapeDtypeStruct((N_M, 1), _f32),
    )
    idx2 = lambda a: a.reshape(1, E)
    row_spec = pl.BlockSpec((1, EC), lambda i: (0, i))

    def fix(shape):
        return pl.BlockSpec(shape, lambda i: (0, 0))

    return pl.pallas_call(
        _a2_body,
        grid=(NSTEP,),
        in_specs=[pl.BlockSpec((EC, D), lambda i: (i, 0))] + [row_spec] * 7,
        out_specs=[fix((N_T, D)), fix((N_S, D)), fix((N_W, D)),
                   fix((N_D, D)), fix((N_M, D)),
                   fix((N_T, 1)), fix((N_S, 1)), fix((N_W, 1)),
                   fix((N_D, 1)), fix((N_M, 1))],
        out_shape=out_shape,
    )(mup, idx2(tix), idx2(six), idx2(wix), idx2(mix),
      idx2(day0), idx2(day1), idx2(day2))


def _b1_body(us, ps, ucnt, pcnt, tsum, ssum, wsum, dsum, msum,
             tcnt, scnt, wcnt, dcnt, mcnt,
             unorm, npoi, ntime, nseason, nweather, nday, nmonth):
    eps = 1e-9
    unorm[...] = us[...] / (ucnt[...] + eps)
    npoi[...] = ps[...] / (pcnt[...] + eps)
    ntime[...] = tsum[...] / (tcnt[...] + eps)
    nseason[...] = ssum[...] / (scnt[...] + eps)
    nweather[...] = wsum[...] / (wcnt[...] + eps)
    nday[...] = dsum[...] / (dcnt[...] + eps)
    nmonth[...] = msum[...] / (mcnt[...] + eps)


def _normalize_phase(us, ps, ucnt, pcnt, small):
    out_shape = (
        jax.ShapeDtypeStruct((N_U, D), _f32),
        jax.ShapeDtypeStruct((N_P, D), _f32),
        jax.ShapeDtypeStruct((N_T, D), _f32),
        jax.ShapeDtypeStruct((N_S, D), _f32),
        jax.ShapeDtypeStruct((N_W, D), _f32),
        jax.ShapeDtypeStruct((N_D, D), _f32),
        jax.ShapeDtypeStruct((N_M, D), _f32),
    )
    return pl.pallas_call(_b1_body, out_shape=out_shape)(
        us, ps, ucnt.reshape(N_U, 1), pcnt.reshape(N_P, 1), *small)


RB = 200


def _b2_body(ublk, ufull, ut, out):
    u = ublk[...]
    uf = ufull[...]
    utt = ut[...]
    sq_r = jnp.sum(u * u, axis=1, keepdims=True)
    sq_c = jnp.sum(utt * utt, axis=0, keepdims=True)
    cross = jax.lax.dot_general(
        u, utt, (((1,), (0,)), ((), ())),
        preferred_element_type=_f32)
    d2 = jnp.maximum(sq_r + sq_c - 2.0 * cross, 0.0)
    dist = jnp.sqrt(d2)
    col = lax.broadcasted_iota(_i32, (RB, N_U), 1)
    sel = jnp.zeros((RB, N_U), _f32)
    big = jnp.float32(3.0e38)
    bigi = jnp.int32(2147483647)
    for _ in range(6):
        mn = jnp.min(dist, axis=1, keepdims=True)
        first = jnp.min(jnp.where(dist == mn, col, bigi), axis=1,
                        keepdims=True)
        hit = col == first
        sel = sel + hit.astype(_f32)
        dist = jnp.where(hit, big, dist)
    sel_b = sel.astype(jnp.bfloat16)
    uf_hi = uf.astype(jnp.bfloat16)
    uf_lo = (uf - uf_hi.astype(_f32)).astype(jnp.bfloat16)
    dims = (((1,), (0,)), ((), ()))
    nbr = (jax.lax.dot_general(sel_b, uf_hi, dims,
                               preferred_element_type=_f32)
           + jax.lax.dot_general(sel_b, uf_lo, dims,
                                 preferred_element_type=_f32))
    out[...] = nbr * (1.0 / 6.0)


def _aggregation_phase(unorm):
    ut = unorm.T
    grid = (N_U // RB,)
    return pl.pallas_call(
        _b2_body,
        grid=grid,
        in_specs=[
            pl.BlockSpec((RB, D), lambda i: (i, 0)),
            pl.BlockSpec((N_U, D), lambda i: (0, 0)),
            pl.BlockSpec((D, N_U), lambda i: (0, 0)),
        ],
        out_specs=pl.BlockSpec((RB, D), lambda i: (i, 0)),
        out_shape=jax.ShapeDtypeStruct((N_U, D), _f32),
    )(unorm, unorm, ut)


def kernel(user_emb, poi_emb, time_emb, weather_emb, season_emb,
           day_weather_emb, month_weather_emb,
           user_idxs, poi_idxs, time_idxs, season_idxs, weather_now_idxs,
           weather_day_idxs, weather_month_idxs, e_W_per_edge):
    us, ps, ucnt, pcnt, mup = _sc_scatter_phase(
        user_emb, poi_emb, time_emb, e_W_per_edge,
        user_idxs, poi_idxs, time_idxs)
    small = _small_tables_phase(
        mup, time_idxs, season_idxs, weather_now_idxs, weather_month_idxs,
        weather_day_idxs[:, 0], weather_day_idxs[:, 1],
        weather_day_idxs[:, 2])
    (unorm, new_poi, new_time, new_season, new_weather, new_day,
     new_month) = _normalize_phase(us, ps, ucnt, pcnt, small)
    new_user = _aggregation_phase(unorm)
    return (new_user, new_poi, new_time, new_weather, new_season,
            new_day, new_month)

# --- scband reference (transcript-rebuilt; emitter-appended) ---
"""Pipeline reference for scband-user-graph-layer-23630910063008 (READ-ONLY COPY).

The authoritative reference and input builder live on the scoring server;
editing this copy changes nothing except your own understanding.
"""

import jax, jax.numpy as jnp
import numpy as np

N_U = 10000
N_P = 10000
N_T = 168
N_W = 16
N_S = 4
N_D = 366
N_M = 12
E = 320000
D = 128


def setup_inputs(seed: int = 0) -> dict:
    key = jax.random.key(seed)
    ks = jax.random.split(key, 16)
    return {
        "user_emb": jax.random.normal(ks[0], (N_U, D), dtype=jnp.float32),
        "poi_emb": jax.random.normal(ks[1], (N_P, D), dtype=jnp.float32),
        "time_emb": jax.random.normal(ks[2], (N_T, D), dtype=jnp.float32),
        "weather_emb": jax.random.normal(ks[3], (N_W, D), dtype=jnp.float32),
        "season_emb": jax.random.normal(ks[4], (N_S, D), dtype=jnp.float32),
        "day_weather_emb": jax.random.normal(ks[5], (N_D, D), dtype=jnp.float32),
        "month_weather_emb": jax.random.normal(ks[6], (N_M, D), dtype=jnp.float32),
        "user_idxs": jax.random.randint(ks[7], (E,), 0, N_U, dtype=jnp.int32),
        "poi_idxs": jax.random.randint(ks[8], (E,), 0, N_P, dtype=jnp.int32),
        "time_idxs": jax.random.randint(ks[9], (E,), 0, N_T, dtype=jnp.int32),
        "season_idxs": jax.random.randint(ks[10], (E,), 0, N_S, dtype=jnp.int32),
        "weather_now_idxs": jax.random.randint(ks[11], (E,), 0, N_W, dtype=jnp.int32),
        "weather_day_idxs": jax.random.randint(ks[12], (E, 3), 0, N_D, dtype=jnp.int32),
        "weather_month_idxs": jax.random.randint(ks[13], (E,), 0, N_M, dtype=jnp.int32),
        "e_W_per_edge": jax.random.normal(ks[14], (E, D), dtype=jnp.float32),
    }


def _scatter_mean(msg, idx, num_rows):
    sums = jnp.zeros((num_rows, msg.shape[1]), dtype=msg.dtype).at[idx].add(msg)
    cnts = jnp.zeros((num_rows, 1), dtype=msg.dtype).at[idx].add(
        jnp.ones((idx.shape[0], 1), dtype=msg.dtype))
    return sums / (cnts + 1e-09)


def _aggregation(user_emb, k=5):
    # torch.cdist(user_emb, user_emb, p=2) then topk(k+1, largest=False)
    u = jax.lax.stop_gradient(user_emb)  # topk indices are non-differentiable
    sq = jnp.sum(u * u, axis=1)
    d2 = jnp.maximum(sq[:, None] + sq[None, :] - 2.0 * (u @ u.T), 0.0)
    dist = jnp.sqrt(d2)
    _, indices = jax.lax.top_k(-dist, k + 1)
    neighbor_embs = user_emb[indices]
    return jnp.mean(neighbor_embs, axis=1)


def reference(user_emb, poi_emb, time_emb, weather_emb, season_emb,
              day_weather_emb, month_weather_emb,
              user_idxs, poi_idxs, time_idxs, season_idxs, weather_now_idxs,
              weather_day_idxs, weather_month_idxs, e_W_per_edge):
    msg_for_user = poi_emb[poi_idxs] + time_emb[time_idxs] + e_W_per_edge
    new_user_emb = _scatter_mean(msg_for_user, user_idxs, user_emb.shape[0])

    msg_for_poi = user_emb[user_idxs] + time_emb[time_idxs] + e_W_per_edge
    new_poi_emb = _scatter_mean(msg_for_poi, poi_idxs, poi_emb.shape[0])

    msg_up = user_emb[user_idxs] + poi_emb[poi_idxs]
    new_time_emb = _scatter_mean(msg_up, time_idxs, time_emb.shape[0])
    new_season_emb = _scatter_mean(msg_up, season_idxs, season_emb.shape[0])
    new_weather_emb = _scatter_mean(msg_up, weather_now_idxs, weather_emb.shape[0])

    new_user_emb = _aggregation(new_user_emb, k=5)

    msg_expanded = jnp.repeat(msg_up, 3, axis=0)  # repeat_interleave(3, dim=0)
    day_idx_expanded = weather_day_idxs.reshape(-1)
    new_day_emb = _scatter_mean(msg_expanded, day_idx_expanded, day_weather_emb.shape[0])

    new_month_emb = _scatter_mean(msg_up, weather_month_idxs, month_weather_emb.shape[0])

    return (new_user_emb, new_poi_emb, new_time_emb, new_weather_emb,
            new_season_emb, new_day_emb, new_month_emb)

if __name__ == "__main__":
    import jax
    _d = setup_inputs()
    print(jax.jit(kernel)(*tuple(_d.values())))

</pallas_src>

<mosaic_0001>
#map = affine_map<(d0, d1) -> (0, 0)>
#map1 = affine_map<(d0, d1) -> (0)>
module attributes {stable_mosaic.version = 14 : i64} {
  func.func @_sc_body(%arg0: i32, %arg1: i32, %arg2: memref<10000x128xf32, #tpu.memory_space<hbm>>, %arg3: memref<10000x128xf32, #tpu.memory_space<hbm>>, %arg4: memref<168x128xf32, #tpu.memory_space<hbm>>, %arg5: memref<320000x128xf32, #tpu.memory_space<hbm>>, %arg6: memref<320000xi32, #tpu.memory_space<hbm>>, %arg7: memref<320000xi32, #tpu.memory_space<hbm>>, %arg8: memref<320000xi32, #tpu.memory_space<hbm>>, %arg9: memref<10000x128xf32, #tpu.memory_space<hbm>>, %arg10: memref<10000x128xf32, #tpu.memory_space<hbm>>, %arg11: memref<10000xf32, #tpu.memory_space<hbm>>, %arg12: memref<10000xf32, #tpu.memory_space<hbm>>, %arg13: memref<320000x128xf32, #tpu.memory_space<hbm>>, %arg14: memref<10000x128xf32, #tpu.memory_space<vmem_shared>>, %arg15: memref<10000xf32, #tpu.memory_space<vmem_shared>>) attributes {dimension_semantics = [#tpu.dimension_semantics<core_parallel>, #tpu.dimension_semantics<subcore_parallel>], iteration_bounds = array<i64: 2, 16>, scalar_prefetch = 0 : i64, scratch_operands = 2 : i64, tpu.core_type = #tpu.core_type<sc_vector_subcore>, window_params = [{transform_indices = #map}, {transform_indices = #map}, {transform_indices = #map}, {transform_indices = #map}, {transform_indices = #map1}, {transform_indices = #map1}, {transform_indices = #map1}, {transform_indices = #map}, {transform_indices = #map}, {transform_indices = #map1}, {transform_indices = #map1}, {transform_indices = #map}]} {
    %broadcast_in_dim3A = arith.constant 0.000000e+00 : f32
    %broadcast_in_dim3A_0 = vector.broadcast %broadcast_in_dim3A : f32 to vector<16xf32>
    %broadcast_in_dim3A_1 = arith.constant 1.000000e+00 : f32
    %broadcast_in_dim3A_2 = vector.broadcast %broadcast_in_dim3A_1 : f32 to vector<16xf32>
    %iota3A = tpu.iota {dimensions = array<i32: 0>} : vector<16xi32>
    "tpu.region"() ({
      %run_scoped3A = memref.alloca() : memref<160xi32, #tpu.memory_space<vmem>>
      %run_scoped3A_3 = memref.alloca() : memref<160xi32, #tpu.memory_space<vmem>>
      %run_scoped3A_4 = memref.alloca() : memref<160xi32, #tpu.memory_space<vmem>>
      %run_scoped3A_5 = memref.alloca() : memref<160xi32, #tpu.memory_space<vmem>>
      %run_scoped3A_6 = memref.alloca() : memref<160x128xf32, #tpu.memory_space<vmem>>
      %run_scoped3A_7 = memref.alloca() : memref<160x128xf32, #tpu.memory_space<vmem>>
      %run_scoped3A_8 = memref.alloca() : memref<160xf32, #tpu.memory_space<vmem>>
      %run_scoped3A_9 = memref.alloca() : memref<640xf32, #tpu.memory_space<vmem>>
      %scan3A = arith.constant 0 : i32
      %scan3A_10 = arith.constant 0 : i32
      %scan3A_11 = arith.constant 160 : i32
      %scan3A_12 = arith.addi %scan3A_10, %scan3A_11 : i32
      %scan3A_13 = arith.constant 1 : i32
      scf.for %scan3A_95 = %scan3A_10 to %scan3A_12 step %scan3A_13  : i32 {
        %swap3A_96 = arith.index_cast %scan3A_95 : i32 to index
        %swap3A_97 = arith.constant 0 : index
        %swap3A_98 = tpu.vector_load %run_scoped3A_7[%swap3A_96, %swap3A_97] {strides = array<i32>} : memref<160x128xf32, #tpu.memory_space<vmem>>, vector<1x16xf32>,
        %swap3A_99 = vector.shape_cast %swap3A_98 : vector<1x16xf32> to vector<16xf32>
        %swap3A_100 = vector.shape_cast %broadcast_in_dim3A_0 : vector<16xf32> to vector<1x16xf32>
        tpu.vector_store %run_scoped3A_7[%swap3A_96, %swap3A_97], %swap3A_100 {strides = array<i32>} : memref<160x128xf32, #tpu.memory_space<vmem>>, vector<1x16xf32>,
        %swap3A_101 = arith.index_cast %scan3A_95 : i32 to index
        %swap3A_102 = arith.constant 16 : index
        %swap3A_103 = tpu.vector_load %run_scoped3A_7[%swap3A_101, %swap3A_102] {strides = array<i32>} : memref<160x128xf32, #tpu.memory_space<vmem>>, vector<1x16xf32>,
        %swap3A_104 = vector.shape_cast %swap3A_103 : vector<1x16xf32> to vector<16xf32>
        %swap3A_105 = vector.shape_cast %broadcast_in_dim3A_0 : vector<16xf32> to vector<1x16xf32>
        tpu.vector_store %run_scoped3A_7[%swap3A_101, %swap3A_102], %swap3A_105 {strides = array<i32>} : memref<160x128xf32, #tpu.memory_space<vmem>>, vector<1x16xf32>,
        %swap3A_106 = arith.index_cast %scan3A_95 : i32 to index
        %swap3A_107 = arith.constant 32 : index
        %swap3A_108 = tpu.vector_load %run_scoped3A_7[%swap3A_106, %swap3A_107] {strides = array<i32>} : memref<160x128xf32, #tpu.memory_space<vmem>>, vector<1x16xf32>,
        %swap3A_109 = vector.shape_cast %swap3A_108 : vector<1x16xf32> to vector<16xf32>
        %swap3A_110 = vector.shape_cast %broadcast_in_dim3A_0 : vector<16xf32> to vector<1x16xf32>
        tpu.vector_store %run_scoped3A_7[%swap3A_106, %swap3A_107], %swap3A_110 {strides = array<i32>} : memref<160x128xf32, #tpu.memory_space<vmem>>, vector<1x16xf32>,
        %swap3A_111 = arith.index_cast %scan3A_95 : i32 to index
        %swap3A_112 = arith.constant 48 : index
        %swap3A_113 = tpu.vector_load %run_scoped3A_7[%swap3A_111, %swap3A_112] {strides = array<i32>} : memref<160x128xf32, #tpu.memory_space<vmem>>, vector<1x16xf32>,
        %swap3A_114 = vector.shape_cast %swap3A_113 : vector<1x16xf32> to vector<16xf32>
        %swap3A_115 = vector.shape_cast %broadcast_in_dim3A_0 : vector<16xf32> to vector<1x16xf32>
        tpu.vector_store %run_scoped3A_7[%swap3A_111, %swap3A_112], %swap3A_115 {strides = array<i32>} : memref<160x128xf32, #tpu.memory_space<vmem>>, vector<1x16xf32>,
        %swap3A_116 = arith.index_cast %scan3A_95 : i32 to index
        %swap3A_117 = arith.constant 64 : index
        %swap3A_118 = tpu.vector_load %run_scoped3A_7[%swap3A_116, %swap3A_117] {strides = array<i32>} : memref<160x128xf32, #tpu.memory_space<vmem>>, vector<1x16xf32>,
        %swap3A_119 = vector.shape_cast %swap3A_118 : vector<1x16xf32> to vector<16xf32>
        %swap3A_120 = vector.shape_cast %broadcast_in_dim3A_0 : vector<16xf32> to vector<1x16xf32>
        tpu.vector_store %run_scoped3A_7[%swap3A_116, %swap3A_117], %swap3A_120 {strides = array<i32>} : memref<160x128xf32, #tpu.memory_space<vmem>>, vector<1x16xf32>,
        %swap3A_121 = arith.index_cast %scan3A_95 : i32 to index
        %swap3A_122 = arith.constant 80 : index
        %swap3A_123 = tpu.vector_load %run_scoped3A_7[%swap3A_121, %swap3A_122] {strides = array<i32>} : memref<160x128xf32, #tpu.memory_space<vmem>>, vector<1x16xf32>,
        %swap3A_124 = vector.shape_cast %swap3A_123 : vector<1x16xf32> to vector<16xf32>
        %swap3A_125 = vector.shape_cast %broadcast_in_dim3A_0 : vector<16xf32> to vector<1x16xf32>
        tpu.vector_store %run_scoped3A_7[%swap3A_121, %swap3A_122], %swap3A_125 {strides = array<i32>} : memref<160x128xf32, #tpu.memory_space<vmem>>, vector<1x16xf32>,
        %swap3A_126 = arith.index_cast %scan3A_95 : i32 to index
        %swap3A_127 = arith.constant 96 : index
        %swap3A_128 = tpu.vector_load %run_scoped3A_7[%swap3A_126, %swap3A_127] {strides = array<i32>} : memref<160x128xf32, #tpu.memory_space<vmem>>, vector<1x16xf32>,
        %swap3A_129 = vector.shape_cast %swap3A_128 : vector<1x16xf32> to vector<16xf32>
        %swap3A_130 = vector.shape_cast %broadcast_in_dim3A_0 : vector<16xf32> to vector<1x16xf32>
        tpu.vector_store %run_scoped3A_7[%swap3A_126, %swap3A_127], %swap3A_130 {strides = array<i32>} : memref<160x128xf32, #tpu.memory_space<vmem>>, vector<1x16xf32>,
        %swap3A_131 = arith.index_cast %scan3A_95 : i32 to index
        %swap3A_132 = arith.constant 112 : index
        %swap3A_133 = tpu.vector_load %run_scoped3A_7[%swap3A_131, %swap3A_132] {strides = array<i32>} : memref<160x128xf32, #tpu.memory_space<vmem>>, vector<1x16xf32>,
        %swap3A_134 = vector.shape_cast %swap3A_133 : vector<1x16xf32> to vector<16xf32>
        %swap3A_135 = vector.shape_cast %broadcast_in_dim3A_0 : vector<16xf32> to vector<1x16xf32>
        tpu.vector_store %run_scoped3A_7[%swap3A_131, %swap3A_132], %swap3A_135 {strides = array<i32>} : memref<160x128xf32, #tpu.memory_space<vmem>>, vector<1x16xf32>,
      }
      %scan3A_14 = arith.constant 160 : i32
      %scan3A_15 = arith.constant 0 : i32
      %scan3A_16 = arith.constant 0 : i32
      %scan3A_17 = arith.constant 40 : i32
      %scan3A_18 = arith.addi %scan3A_16, %scan3A_17 : i32
      %scan3A_19 = arith.constant 1 : i32
      scf.for %scan3A_95 = %scan3A_16 to %scan3A_18 step %scan3A_19  : i32 {
        %mul3A_96 = arith.constant 16 : i32
        %mul3A_97 = arith.muli %scan3A_95, %mul3A_96 : i32
        %swap3A_98 = arith.index_cast %mul3A_97 : i32 to index
        %swap3A_99 = tpu.vector_load %run_scoped3A_9[%swap3A_98] {strides = array<i32>} : memref<640xf32, #tpu.memory_space<vmem>>, vector<16xf32>,
        %swap3A_100 = vector.shape_cast %swap3A_99 : vector<16xf32> to vector<16xf32>
        %swap3A_101 = vector.shape_cast %broadcast_in_dim3A_0 : vector<16xf32> to vector<16xf32>
        tpu.vector_store %run_scoped3A_9[%swap3A_98], %swap3A_101 {strides = array<i32>} : memref<640xf32, #tpu.memory_space<vmem>>, vector<16xf32>,
      }
      %scan3A_20 = arith.constant 40 : i32
      %swap3A = arith.constant 0 : index
      %swap3A_21 = tpu.vector_load %run_scoped3A_8[%swap3A] {strides = array<i32>} : memref<160xf32, #tpu.memory_space<vmem>>, vector<16xf32>,
      %swap3A_22 = vector.shape_cast %swap3A_21 : vector<16xf32> to vector<16xf32>
      %swap3A_23 = vector.shape_cast %broadcast_in_dim3A_2 : vector<16xf32> to vector<16xf32>
      tpu.vector_store %run_scoped3A_8[%swap3A], %swap3A_23 {strides = array<i32>} : memref<160xf32, #tpu.memory_space<vmem>>, vector<16xf32>,
      %swap3A_24 = arith.constant 16 : index
      %swap3A_25 = tpu.vector_load %run_scoped3A_8[%swap3A_24] {strides = array<i32>} : memref<160xf32, #tpu.memory_space<vmem>>, vector<16xf32>,
      %swap3A_26 = vector.shape_cast %swap3A_25 : vector<16xf32> to vector<16xf32>
      %swap3A_27 = vector.shape_cast %broadcast_in_dim3A_2 : vector<16xf32> to vector<16xf32>
      tpu.vector_store %run_scoped3A_8[%swap3A_24], %swap3A_27 {strides = array<i32>} : memref<160xf32, #tpu.memory_space<vmem>>, vector<16xf32>,
      %swap3A_28 = arith.constant 32 : index
      %swap3A_29 = tpu.vector_load %run_scoped3A_8[%swap3A_28] {strides = array<i32>} : memref<160xf32, #tpu.memory_space<vmem>>, vector<16xf32>,
      %swap3A_30 = vector.shape_cast %swap3A_29 : vector<16xf32> to vector<16xf32>
      %swap3A_31 = vector.shape_cast %broadcast_in_dim3A_2 : vector<16xf32> to vector<16xf32>
      tpu.vector_store %run_scoped3A_8[%swap3A_28], %swap3A_31 {strides = array<i32>} : memref<160xf32, #tpu.memory_space<vmem>>, vector<16xf32>,
      %swap3A_32 = arith.constant 48 : index
      %swap3A_33 = tpu.vector_load %run_scoped3A_8[%swap3A_32] {strides = array<i32>} : memref<160xf32, #tpu.memory_space<vmem>>, vector<16xf32>,
      %swap3A_34 = vector.shape_cast %swap3A_33 : vector<16xf32> to vector<16xf32>
      %swap3A_35 = vector.shape_cast %broadcast_in_dim3A_2 : vector<16xf32> to vector<16xf32>
      tpu.vector_store %run_scoped3A_8[%swap3A_32], %swap3A_35 {strides = array<i32>} : memref<160xf32, #tpu.memory_space<vmem>>, vector<16xf32>,
      %swap3A_36 = arith.constant 64 : index
      %swap3A_37 = tpu.vector_load %run_scoped3A_8[%swap3A_36] {strides = array<i32>} : memref<160xf32, #tpu.memory_space<vmem>>, vector<16xf32>,
      %swap3A_38 = vector.shape_cast %swap3A_37 : vector<16xf32> to vector<16xf32>
      %swap3A_39 = vector.shape_cast %broadcast_in_dim3A_2 : vector<16xf32> to vector<16xf32>
      tpu.vector_store %run_scoped3A_8[%swap3A_36], %swap3A_39 {strides = array<i32>} : memref<160xf32, #tpu.memory_space<vmem>>, vector<16xf32>,
      %swap3A_40 = arith.constant 80 : index
      %swap3A_41 = tpu.vector_load %run_scoped3A_8[%swap3A_40] {strides = array<i32>} : memref<160xf32, #tpu.memory_space<vmem>>, vector<16xf32>,
      %swap3A_42 = vector.shape_cast %swap3A_41 : vector<16xf32> to vector<16xf32>
      %swap3A_43 = vector.shape_cast %broadcast_in_dim3A_2 : vector<16xf32> to vector<16xf32>
      tpu.vector_store %run_scoped3A_8[%swap3A_40], %swap3A_43 {strides = array<i32>} : memref<160xf32, #tpu.memory_space<vmem>>, vector<16xf32>,
      %swap3A_44 = arith.constant 96 : index
      %swap3A_45 = tpu.vector_load %run_scoped3A_8[%swap3A_44] {strides = array<i32>} : memref<160xf32, #tpu.memory_space<vmem>>, vector<16xf32>,
      %swap3A_46 = vector.shape_cast %swap3A_45 : vector<16xf32> to vector<16xf32>
      %swap3A_47 = vector.shape_cast %broadcast_in_dim3A_2 : vector<16xf32> to vector<16xf32>
      tpu.vector_store %run_scoped3A_8[%swap3A_44], %swap3A_47 {strides = array<i32>} : memref<160xf32, #tpu.memory_space<vmem>>, vector<16xf32>,
      %swap3A_48 = arith.constant 112 : index
      %swap3A_49 = tpu.vector_load %run_scoped3A_8[%swap3A_48] {strides = array<i32>} : memref<160xf32, #tpu.memory_space<vmem>>, vector<16xf32>,
      %swap3A_50 = vector.shape_cast %swap3A_49 : vector<16xf32> to vector<16xf32>
      %swap3A_51 = vector.shape_cast %broadcast_in_dim3A_2 : vector<16xf32> to vector<16xf32>
      tpu.vector_store %run_scoped3A_8[%swap3A_48], %swap3A_51 {strides = array<i32>} : memref<160xf32, #tpu.memory_space<vmem>>, vector<16xf32>,
      %swap3A_52 = arith.constant 128 : index
      %swap3A_53 = tpu.vector_load %run_scoped3A_8[%swap3A_52] {strides = array<i32>} : memref<160xf32, #tpu.memory_space<vmem>>, vector<16xf32>,
      %swap3A_54 = vector.shape_cast %swap3A_53 : vector<16xf32> to vector<16xf32>
      %swap3A_55 = vector.shape_cast %broadcast_in_dim3A_2 : vector<16xf32> to vector<16xf32>
      tpu.vector_store %run_scoped3A_8[%swap3A_52], %swap3A_55 {strides = array<i32>} : memref<160xf32, #tpu.memory_space<vmem>>, vector<16xf32>,
      %swap3A_56 = arith.constant 144 : index
      %swap3A_57 = tpu.vector_load %run_scoped3A_8[%swap3A_56] {strides = array<i32>} : memref<160xf32, #tpu.memory_space<vmem>>, vector<16xf32>,
      %swap3A_58 = vector.shape_cast %swap3A_57 : vector<16xf32> to vector<16xf32>
      %swap3A_59 = vector.shape_cast %broadcast_in_dim3A_2 : vector<16xf32> to vector<16xf32>
      tpu.vector_store %run_scoped3A_8[%swap3A_56], %swap3A_59 {strides = array<i32>} : memref<160xf32, #tpu.memory_space<vmem>>, vector<16xf32>,
      %mul3A = arith.constant 624 : i32
      %mul3A_60 = arith.muli %arg1, %mul3A : i32
      %add3A = arith.constant 0 : i32
      %add3A_61 = arith.addi %mul3A_60, %add3A : i32
      "tpu.region"() ({
        %run_scoped3A_95 = tpu.sem_alloc : memref<!tpu.dma_semaphore, #tpu.memory_space<semaphore_mem>>
        %dma_start3A = arith.constant 0 : i32
        %dma_start3A_96 = arith.constant 0 : i32
        %dma_start3A_97 = tpu.memref_slice %run_scoped3A_7[%dma_start3A, %dma_start3A_96] : memref<160x128xf32, #tpu.memory_space<vmem>> -> memref<160x128xf32, #tpu.memory_space<vmem>>
        %dma_start3A_98 = arith.constant 0 : i32
        %dma_start3A_99 = tpu.memref_slice %arg14[%add3A_61, %dma_start3A_98] : memref<10000x128xf32, #tpu.memory_space<vmem_shared>> -> memref<160x128xf32, #tpu.memory_space<vmem_shared>>
        %dma_start3A_100 = arith.constant 0 : i32
        %dma_start3A_101 = tpu.memref_slice %arg14[%add3A_61, %dma_start3A_100] : memref<10000x128xf32, #tpu.memory_space<vmem_shared>> -> memref<160x128xf32, #tpu.memory_space<vmem_shared>>
        %dma_start3A_102 = arith.constant 0 : i32
        %dma_start3A_103 = arith.constant 0 : i32
        %dma_start3A_104 = tpu.memref_slice %run_scoped3A_7[%dma_start3A_102, %dma_start3A_103] : memref<160x128xf32, #tpu.memory_space<vmem>> -> memref<160x128xf32, #tpu.memory_space<vmem>>
        tpu.enqueue_dma source(%dma_start3A_104 : memref<160x128xf32, #tpu.memory_space<vmem>>) target(%dma_start3A_101 : memref<160x128xf32, #tpu.memory_space<vmem_shared>>) target_semaphore(%run_scoped3A_95 : memref<!tpu.dma_semaphore, #tpu.memory_space<semaphore_mem>>)
        %dma_wait3A = arith.constant 0 : i32
        %dma_wait3A_105 = arith.constant 0 : i32
        %dma_wait3A_106 = tpu.memref_slice %run_scoped3A_7[%dma_wait3A, %dma_wait3A_105] : memref<160x128xf32, #tpu.memory_space<vmem>> -> memref<160x128xf32, #tpu.memory_space<vmem>>
        %dma_wait3A_107 = arith.constant 0 : i32
        %dma_wait3A_108 = tpu.memref_slice %arg14[%add3A_61, %dma_wait3A_107] : memref<10000x128xf32, #tpu.memory_space<vmem_shared>> -> memref<160x128xf32, #tpu.memory_space<vmem_shared>>
        %dma_wait3A_109 = arith.constant 0 : i32
        %dma_wait3A_110 = tpu.memref_slice %arg14[%add3A_61, %dma_wait3A_109] : memref<10000x128xf32, #tpu.memory_space<vmem_shared>> -> memref<160x128xf32, #tpu.memory_space<vmem_shared>>
        %dma_wait3A_111 = arith.constant 0 : i32
        %dma_wait3A_112 = arith.constant 0 : i32
        %dma_wait3A_113 = tpu.memref_slice %run_scoped3A_7[%dma_wait3A_111, %dma_wait3A_112] : memref<160x128xf32, #tpu.memory_space<vmem>> -> memref<160x128xf32, #tpu.memory_space<vmem>>
        tpu.wait_dma2 semaphore(%run_scoped3A_95 : memref<!tpu.dma_semaphore, #tpu.memory_space<semaphore_mem>>) src(%dma_wait3A_113 : memref<160x128xf32, #tpu.memory_space<vmem>>) dst(%dma_wait3A_110 : memref<160x128xf32, #tpu.memory_space<vmem_shared>>)
        tpu.yield
      }) : () -> ()
      %mul3A_62 = arith.constant 624 : i32
      %mul3A_63 = arith.muli %arg1, %mul3A_62 : i32
      %add3A_64 = arith.constant 160 : i32
      %add3A_65 = arith.addi %mul3A_63, %add3A_64 : i32
      "tpu.region"() ({
        %run_scoped3A_95 = tpu.sem_alloc : memref<!tpu.dma_semaphore, #tpu.memory_space<semaphore_mem>>
        %dma_start3A = arith.constant 0 : i32
        %dma_start3A_96 = arith.constant 0 : i32
        %dma_start3A_97 = tpu.memref_slice %run_scoped3A_7[%dma_start3A, %dma_start3A_96] : memref<160x128xf32, #tpu.memory_space<vmem>> -> memref<160x128xf32, #tpu.memory_space<vmem>>
        %dma_start3A_98 = arith.constant 0 : i32
        %dma_start3A_99 = tpu.memref_slice %arg14[%add3A_65, %dma_start3A_98] : memref<10000x128xf32, #tpu.memory_space<vmem_shared>> -> memref<160x128xf32, #tpu.memory_space<vmem_shared>>
        %dma_start3A_100 = arith.constant 0 : i32
        %dma_start3A_101 = tpu.memref_slice %arg14[%add3A_65, %dma_start3A_100] : memref<10000x128xf32, #tpu.memory_space<vmem_shared>> -> memref<160x128xf32, #tpu.memory_space<vmem_shared>>
        %dma_start3A_102 = arith.constant 0 : i32
        %dma_start3A_103 = arith.constant 0 : i32
        %dma_start3A_104 = tpu.memref_slice %run_scoped3A_7[%dma_start3A_102, %dma_start3A_103] : memref<160x128xf32, #tpu.memory_space<vmem>> -> memref<160x128xf32, #tpu.memory_space<vmem>>
        tpu.enqueue_dma source(%dma_start3A_104 : memref<160x128xf32, #tpu.memory_space<vmem>>) target(%dma_start3A_101 : memref<160x128xf32, #tpu.memory_space<vmem_shared>>) target_semaphore(%run_scoped3A_95 : memref<!tpu.dma_semaphore, #tpu.memory_space<semaphore_mem>>)
        %dma_wait3A = arith.constant 0 : i32
        %dma_wait3A_105 = arith.constant 0 : i32
        %dma_wait3A_106 = tpu.memref_slice %run_scoped3A_7[%dma_wait3A, %dma_wait3A_105] : memref<160x128xf32, #tpu.memory_space<vmem>> -> memref<160x128xf32, #tpu.memory_space<vmem>>
        %dma_wait3A_107 = arith.constant 0 : i32
        %dma_wait3A_108 = tpu.memref_slice %arg14[%add3A_65, %dma_wait3A_107] : memref<10000x128xf32, #tpu.memory_space<vmem_shared>> -> memref<160x128xf32, #tpu.memory_space<vmem_shared>>
        %dma_wait3A_109 = arith.constant 0 : i32
        %dma_wait3A_110 = tpu.memref_slice %arg14[%add3A_65, %dma_wait3A_109] : memref<10000x128xf32, #tpu.memory_space<vmem_shared>> -> memref<160x128xf32, #tpu.memory_space<vmem_shared>>
        %dma_wait3A_111 = arith.constant 0 : i32
        %dma_wait3A_112 = arith.constant 0 : i32
        %dma_wait3A_113 = tpu.memref_slice %run_scoped3A_7[%dma_wait3A_111, %dma_wait3A_112] : memref<160x128xf32, #tpu.memory_space<vmem>> -> memref<160x128xf32, #tpu.memory_space<vmem>>
        tpu.wait_dma2 semaphore(%run_scoped3A_95 : memref<!tpu.dma_semaphore, #tpu.memory_space<semaphore_mem>>) src(%dma_wait3A_113 : memref<160x128xf32, #tpu.memory_space<vmem>>) dst(%dma_wait3A_110 : memref<160x128xf32, #tpu.memory_space<vmem_shared>>)
        tpu.yield
      }) : () -> ()
      %mul3A_66 = arith.constant 624 : i32
      %mul3A_67 = arith.muli %arg1, %mul3A_66 : i32
      %add3A_68 = arith.constant 320 : i32
      %add3A_69 = arith.addi %mul3A_67, %add3A_68 : i32
      "tpu.region"() ({
        %run_scoped3A_95 = tpu.sem_alloc : memref<!tpu.dma_semaphore, #tpu.memory_space<semaphore_mem>>
        %dma_start3A = arith.constant 0 : i32
        %dma_start3A_96 = arith.constant 0 : i32
        %dma_start3A_97 = tpu.memref_slice %run_scoped3A_7[%dma_start3A, %dma_start3A_96] : memref<160x128xf32, #tpu.memory_space<vmem>> -> memref<160x128xf32, #tpu.memory_space<vmem>>
        %dma_start3A_98 = arith.constant 0 : i32
        %dma_start3A_99 = tpu.memref_slice %arg14[%add3A_69, %dma_start3A_98] : memref<10000x128xf32, #tpu.memory_space<vmem_shared>> -> memref<160x128xf32, #tpu.memory_space<vmem_shared>>
        %dma_start3A_100 = arith.constant 0 : i32
        %dma_start3A_101 = tpu.memref_slice %arg14[%add3A_69, %dma_start3A_100] : memref<10000x128xf32, #tpu.memory_space<vmem_shared>> -> memref<160x128xf32, #tpu.memory_space<vmem_shared>>
        %dma_start3A_102 = arith.constant 0 : i32
        %dma_start3A_103 = arith.constant 0 : i32
        %dma_start3A_104 = tpu.memref_slice %run_scoped3A_7[%dma_start3A_102, %dma_start3A_103] : memref<160x128xf32, #tpu.memory_space<vmem>> -> memref<160x128xf32, #tpu.memory_space<vmem>>
        tpu.enqueue_dma source(%dma_start3A_104 : memref<160x128xf32, #tpu.memory_space<vmem>>) target(%dma_start3A_101 : memref<160x128xf32, #tpu.memory_space<vmem_shared>>) target_semaphore(%run_scoped3A_95 : memref<!tpu.dma_semaphore, #tpu.memory_space<semaphore_mem>>)
        %dma_wait3A = arith.constant 0 : i32
        %dma_wait3A_105 = arith.constant 0 : i32
        %dma_wait3A_106 = tpu.memref_slice %run_scoped3A_7[%dma_wait3A, %dma_wait3A_105] : memref<160x128xf32, #tpu.memory_space<vmem>> -> memref<160x128xf32, #tpu.memory_space<vmem>>
        %dma_wait3A_107 = arith.constant 0 : i32
        %dma_wait3A_108 = tpu.memref_slice %arg14[%add3A_69, %dma_wait3A_107] : memref<10000x128xf32, #tpu.memory_space<vmem_shared>> -> memref<160x128xf32, #tpu.memory_space<vmem_shared>>
        %dma_wait3A_109 = arith.constant 0 : i32
        %dma_wait3A_110 = tpu.memref_slice %arg14[%add3A_69, %dma_wait3A_109] : memref<10000x128xf32, #tpu.memory_space<vmem_shared>> -> memref<160x128xf32, #tpu.memory_space<vmem_shared>>
        %dma_wait3A_111 = arith.constant 0 : i32
        %dma_wait3A_112 = arith.constant 0 : i32
        %dma_wait3A_113 = tpu.memref_slice %run_scoped3A_7[%dma_wait3A_111, %dma_wait3A_112] : memref<160x128xf32, #tpu.memory_space<vmem>> -> memref<160x128xf32, #tpu.memory_space<vmem>>
        tpu.wait_dma2 semaphore(%run_scoped3A_95 : memref<!tpu.dma_semaphore, #tpu.memory_space<semaphore_mem>>) src(%dma_wait3A_113 : memref<160x128xf32, #tpu.memory_space<vmem>>) dst(%dma_wait3A_110 : memref<160x128xf32, #tpu.memory_space<vmem_shared>>)
        tpu.yield
      }) : () -> ()
      %mul3A_70 = arith.constant 624 : i32
      %mul3A_71 = arith.muli %arg1, %mul3A_70 : i32
      %add3A_72 = arith.constant 480 : i32
      %add3A_73 = arith.addi %mul3A_71, %add3A_72 : i32
      "tpu.region"() ({
        %run_scoped3A_95 = tpu.sem_alloc : memref<!tpu.dma_semaphore, #tpu.memory_space<semaphore_mem>>
        %dma_start3A = arith.constant 0 : i32
        %dma_start3A_96 = arith.constant 0 : i32
        %dma_start3A_97 = tpu.memref_slice %run_scoped3A_7[%dma_start3A, %dma_start3A_96] : memref<160x128xf32, #tpu.memory_space<vmem>> -> memref<144x128xf32, #tpu.memory_space<vmem>>
        %dma_start3A_98 = arith.constant 0 : i32
        %dma_start3A_99 = tpu.memref_slice %arg14[%add3A_73, %dma_start3A_98] : memref<10000x128xf32, #tpu.memory_space<vmem_shared>> -> memref<144x128xf32, #tpu.memory_space<vmem_shared>>
        %dma_start3A_100 = arith.constant 0 : i32
        %dma_start3A_101 = tpu.memref_slice %arg14[%add3A_73, %dma_start3A_100] : memref<10000x128xf32, #tpu.memory_space<vmem_shared>> -> memref<144x128xf32, #tpu.memory_space<vmem_shared>>
        %dma_start3A_102 = arith.constant 0 : i32
        %dma_start3A_103 = arith.constant 0 : i32
        %dma_start3A_104 = tpu.memref_slice %run_scoped3A_7[%dma_start3A_102, %dma_start3A_103] : memref<160x128xf32, #tpu.memory_space<vmem>> -> memref<144x128xf32, #tpu.memory_space<vmem>>
        tpu.enqueue_dma source(%dma_start3A_104 : memref<144x128xf32, #tpu.memory_space<vmem>>) target(%dma_start3A_101 : memref<144x128xf32, #tpu.memory_space<vmem_shared>>) target_semaphore(%run_scoped3A_95 : memref<!tpu.dma_semaphore, #tpu.memory_space<semaphore_mem>>)
        %dma_wait3A = arith.constant 0 : i32
        %dma_wait3A_105 = arith.constant 0 : i32
        %dma_wait3A_106 = tpu.memref_slice %run_scoped3A_7[%dma_wait3A, %dma_wait3A_105] : memref<160x128xf32, #tpu.memory_space<vmem>> -> memref<144x128xf32, #tpu.memory_space<vmem>>
        %dma_wait3A_107 = arith.constant 0 : i32
        %dma_wait3A_108 = tpu.memref_slice %arg14[%add3A_73, %dma_wait3A_107] : memref<10000x128xf32, #tpu.memory_space<vmem_shared>> -> memref<144x128xf32, #tpu.memory_space<vmem_shared>>
        %dma_wait3A_109 = arith.constant 0 : i32
        %dma_wait3A_110 = tpu.memref_slice %arg14[%add3A_73, %dma_wait3A_109] : memref<10000x128xf32, #tpu.memory_space<vmem_shared>> -> memref<144x128xf32, #tpu.memory_space<vmem_shared>>
        %dma_wait3A_111 = arith.constant 0 : i32
        %dma_wait3A_112 = arith.constant 0 : i32
        %dma_wait3A_113 = tpu.memref_slice %run_scoped3A_7[%dma_wait3A_111, %dma_wait3A_112] : memref<160x128xf32, #tpu.memory_space<vmem>> -> memref<144x128xf32, #tpu.memory_space<vmem>>
        tpu.wait_dma2 semaphore(%run_scoped3A_95 : memref<!tpu.dma_semaphore, #tpu.memory_space<semaphore_mem>>) src(%dma_wait3A_113 : memref<144x128xf32, #tpu.memory_space<vmem>>) dst(%dma_wait3A_110 : memref<144x128xf32, #tpu.memory_space<vmem_shared>>)
        tpu.yield
      }) : () -> ()
      %mul3A_74 = arith.constant 624 : i32
      %mul3A_75 = arith.muli %arg1, %mul3A_74 : i32
      "tpu.region"() ({
        %run_scoped3A_95 = tpu.sem_alloc : memref<!tpu.dma_semaphore, #tpu.memory_space<semaphore_mem>>
        %dma_start3A = arith.constant 0 : i32
        %dma_start3A_96 = tpu.memref_slice %run_scoped3A_9[%dma_start3A] : memref<640xf32, #tpu.memory_space<vmem>> -> memref<624xf32, #tpu.memory_space<vmem>>
        %dma_start3A_97 = tpu.memref_slice %arg15[%mul3A_75] : memref<10000xf32, #tpu.memory_space<vmem_shared>> -> memref<624xf32, #tpu.memory_space<vmem_shared>>
        %dma_start3A_98 = tpu.memref_slice %arg15[%mul3A_75] : memref<10000xf32, #tpu.memory_space<vmem_shared>> -> memref<624xf32, #tpu.memory_space<vmem_shared>>
        %dma_start3A_99 = arith.constant 0 : i32
        %dma_start3A_100 = tpu.memref_slice %run_scoped3A_9[%dma_start3A_99] : memref<640xf32, #tpu.memory_space<vmem>> -> memref<624xf32, #tpu.memory_space<vmem>>
        tpu.enqueue_dma source(%dma_start3A_100 : memref<624xf32, #tpu.memory_space<vmem>>) target(%dma_start3A_98 : memref<624xf32, #tpu.memory_space<vmem_shared>>) target_semaphore(%run_scoped3A_95 : memref<!tpu.dma_semaphore, #tpu.memory_space<semaphore_mem>>)
        %dma_wait3A = arith.constant 0 : i32
        %dma_wait3A_101 = tpu.memref_slice %run_scoped3A_9[%dma_wait3A] : memref<640xf32, #tpu.memory_space<vmem>> -> memref<624xf32, #tpu.memory_space<vmem>>
        %dma_wait3A_102 = tpu.memref_slice %arg15[%mul3A_75] : memref<10000xf32, #tpu.memory_space<vmem_shared>> -> memref<624xf32, #tpu.memory_space<vmem_shared>>
        %dma_wait3A_103 = tpu.memref_slice %arg15[%mul3A_75] : memref<10000xf32, #tpu.memory_space<vmem_shared>> -> memref<624xf32, #tpu.memory_space<vmem_shared>>
        %dma_wait3A_104 = arith.constant 0 : i32
        %dma_wait3A_105 = tpu.memref_slice %run_scoped3A_9[%dma_wait3A_104] : memref<640xf32, #tpu.memory_space<vmem>> -> memref<624xf32, #tpu.memory_space<vmem>>
        tpu.wait_dma2 semaphore(%run_scoped3A_95 : memref<!tpu.dma_semaphore, #tpu.memory_space<semaphore_mem>>) src(%dma_wait3A_105 : memref<624xf32, #tpu.memory_space<vmem>>) dst(%dma_wait3A_103 : memref<624xf32, #tpu.memory_space<vmem_shared>>)
        tpu.yield
      }) : () -> ()
      %eq3A = arith.constant 15 : i32
      %eq3A_76 = arith.cmpi eq, %arg1, %eq3A : i32
      %convert_element_type3A = arith.extui %eq3A_76 : i1 to i32
      %cond3A = arith.constant 0 : i32
      %cond3A_77 = arith.cmpi ne, %convert_element_type3A, %cond3A : i32
      scf.if %cond3A_77 {
        "tpu.region"() ({
          %run_scoped3A_95 = tpu.sem_alloc : memref<!tpu.dma_semaphore, #tpu.memory_space<semaphore_mem>>
          %dma_start3A = arith.constant 0 : i32
          %dma_start3A_96 = arith.constant 0 : i32
          %dma_start3A_97 = tpu.memref_slice %run_scoped3A_7[%dma_start3A, %dma_start3A_96] : memref<160x128xf32, #tpu.memory_space<vmem>> -> memref<16x128xf32, #tpu.memory_space<vmem>>
          %dma_start3A_98 = arith.constant 9984 : i32
          %dma_start3A_99 = arith.constant 0 : i32
          %dma_start3A_100 = tpu.memref_slice %arg14[%dma_start3A_98, %dma_start3A_99] : memref<10000x128xf32, #tpu.memory_space<vmem_shared>> -> memref<16x128xf32, #tpu.memory_space<vmem_shared>>
          %dma_start3A_101 = arith.constant 9984 : i32
          %dma_start3A_102 = arith.constant 0 : i32
          %dma_start3A_103 = tpu.memref_slice %arg14[%dma_start3A_101, %dma_start3A_102] : memref<10000x128xf32, #tpu.memory_space<vmem_shared>> -> memref<16x128xf32, #tpu.memory_space<vmem_shared>>
          %dma_start3A_104 = arith.constant 0 : i32
          %dma_start3A_105 = arith.constant 0 : i32
          %dma_start3A_106 = tpu.memref_slice %run_scoped3A_7[%dma_start3A_104, %dma_start3A_105] : memref<160x128xf32, #tpu.memory_space<vmem>> -> memref<16x128xf32, #tpu.memory_space<vmem>>
          tpu.enqueue_dma source(%dma_start3A_106 : memref<16x128xf32, #tpu.memory_space<vmem>>) target(%dma_start3A_103 : memref<16x128xf32, #tpu.memory_space<vmem_shared>>) target_semaphore(%run_scoped3A_95 : memref<!tpu.dma_semaphore, #tpu.memory_space<semaphore_mem>>)
          %dma_wait3A = arith.constant 0 : i32
          %dma_wait3A_107 = arith.constant 0 : i32
          %dma_wait3A_108 = tpu.memref_slice %run_scoped3A_7[%dma_wait3A, %dma_wait3A_107] : memref<160x128xf32, #tpu.memory_space<vmem>> -> memref<16x128xf32, #tpu.memory_space<vmem>>
          %dma_wait3A_109 = arith.constant 9984 : i32
          %dma_wait3A_110 = arith.constant 0 : i32
          %dma_wait3A_111 = tpu.memref_slice %arg14[%dma_wait3A_109, %dma_wait3A_110] : memref<10000x128xf32, #tpu.memory_space<vmem_shared>> -> memref<16x128xf32, #tpu.memory_space<vmem_shared>>
          %dma_wait3A_112 = arith.constant 9984 : i32
          %dma_wait3A_113 = arith.constant 0 : i32
          %dma_wait3A_114 = tpu.memref_slice %arg14[%dma_wait3A_112, %dma_wait3A_113] : memref<10000x128xf32, #tpu.memory_space<vmem_shared>> -> memref<16x128xf32, #tpu.memory_space<vmem_shared>>
          %dma_wait3A_115 = arith.constant 0 : i32
          %dma_wait3A_116 = arith.constant 0 : i32
          %dma_wait3A_117 = tpu.memref_slice %run_scoped3A_7[%dma_wait3A_115, %dma_wait3A_116] : memref<160x128xf32, #tpu.memory_space<vmem>> -> memref<16x128xf32, #tpu.memory_space<vmem>>
          tpu.wait_dma2 semaphore(%run_scoped3A_95 : memref<!tpu.dma_semaphore, #tpu.memory_space<semaphore_mem>>) src(%dma_wait3A_117 : memref<16x128xf32, #tpu.memory_space<vmem>>) dst(%dma_wait3A_114 : memref<16x128xf32, #tpu.memory_space<vmem_shared>>)
          tpu.yield
        }) : () -> ()
        "tpu.region"() ({
          %run_scoped3A_95 = tpu.sem_alloc : memref<!tpu.dma_semaphore, #tpu.memory_space<semaphore_mem>>
          %dma_start3A = arith.constant 0 : i32
          %dma_start3A_96 = tpu.memref_slice %run_scoped3A_9[%dma_start3A] : memref<640xf32, #tpu.memory_space<vmem>> -> memref<16xf32, #tpu.memory_space<vmem>>
          %dma_start3A_97 = arith.constant 9984 : i32
          %dma_start3A_98 = tpu.memref_slice %arg15[%dma_start3A_97] : memref<10000xf32, #tpu.memory_space<vmem_shared>> -> memref<16xf32, #tpu.memory_space<vmem_shared>>
          %dma_start3A_99 = arith.constant 9984 : i32
          %dma_start3A_100 = tpu.memref_slice %arg15[%dma_start3A_99] : memref<10000xf32, #tpu.memory_space<vmem_shared>> -> memref<16xf32, #tpu.memory_space<vmem_shared>>
          %dma_start3A_101 = arith.constant 0 : i32
          %dma_start3A_102 = tpu.memref_slice %run_scoped3A_9[%dma_start3A_101] : memref<640xf32, #tpu.memory_space<vmem>> -> memref<16xf32, #tpu.memory_space<vmem>>
          tpu.enqueue_dma source(%dma_start3A_102 : memref<16xf32, #tpu.memory_space<vmem>>) target(%dma_start3A_100 : memref<16xf32, #tpu.memory_space<vmem_shared>>) target_semaphore(%run_scoped3A_95 : memref<!tpu.dma_semaphore, #tpu.memory_space<semaphore_mem>>)
          %dma_wait3A = arith.constant 0 : i32
          %dma_wait3A_103 = tpu.memref_slice %run_scoped3A_9[%dma_wait3A] : memref<640xf32, #tpu.memory_space<vmem>> -> memref<16xf32, #tpu.memory_space<vmem>>
          %dma_wait3A_104 = arith.constant 9984 : i32
          %dma_wait3A_105 = tpu.memref_slice %arg15[%dma_wait3A_104] : memref<10000xf32, #tpu.memory_space<vmem_shared>> -> memref<16xf32, #tpu.memory_space<vmem_shared>>
          %dma_wait3A_106 = arith.constant 9984 : i32
          %dma_wait3A_107 = tpu.memref_slice %arg15[%dma_wait3A_106] : memref<10000xf32, #tpu.memory_space<vmem_shared>> -> memref<16xf32, #tpu.memory_space<vmem_shared>>
          %dma_wait3A_108 = arith.constant 0 : i32
          %dma_wait3A_109 = tpu.memref_slice %run_scoped3A_9[%dma_wait3A_108] : memref<640xf32, #tpu.memory_space<vmem>> -> memref<16xf32, #tpu.memory_space<vmem>>
          tpu.wait_dma2 semaphore(%run_scoped3A_95 : memref<!tpu.dma_semaphore, #tpu.memory_space<semaphore_mem>>) src(%dma_wait3A_109 : memref<16xf32, #tpu.memory_space<vmem>>) dst(%dma_wait3A_107 : memref<16xf32, #tpu.memory_space<vmem_shared>>)
          tpu.yield
        }) : () -> ()
      } else {
      }
      %barrier3A = arith.constant 0 : index
      tpu.barrier barrier_id(%barrier3A)
      %scan3A_78 = arith.constant 0 : i32
      %scan3A_79 = arith.constant 0 : i32
      %scan3A_80 = arith.constant 125 : i32
      %scan3A_81 = arith.addi %scan3A_79, %scan3A_80 : i32
      %scan3A_82 = arith.constant 1 : i32
      scf.for %scan3A_95 = %scan3A_79 to %scan3A_81 step %scan3A_82  : i32 {
        %mul3A_96 = arith.constant 20000 : i32
        %mul3A_97 = arith.muli %arg1, %mul3A_96 : i32
        %mul3A_98 = arith.constant 160 : i32
        %mul3A_99 = arith.muli %scan3A_95, %mul3A_98 : i32
        %add3A_100 = arith.addi %mul3A_97, %mul3A_99 : i32
        "tpu.region"() ({
          %run_scoped3A_201 = tpu.sem_alloc : memref<!tpu.dma_semaphore, #tpu.memory_space<semaphore_mem>>
          %dma_start3A = tpu.memref_slice %arg6[%add3A_100] : memref<320000xi32, #tpu.memory_space<hbm>> -> memref<160xi32, #tpu.memory_space<hbm>>
          %dma_start3A_202 = tpu.memref_slice %arg6[%add3A_100] : memref<320000xi32, #tpu.memory_space<hbm>> -> memref<160xi32, #tpu.memory_space<hbm>>
          tpu.enqueue_dma source(%dma_start3A_202 : memref<160xi32, #tpu.memory_space<hbm>>) target(%run_scoped3A : memref<160xi32, #tpu.memory_space<vmem>>) target_semaphore(%run_scoped3A_201 : memref<!tpu.dma_semaphore, #tpu.memory_space<semaphore_mem>>)
          %dma_wait3A = tpu.memref_slice %arg6[%add3A_100] : memref<320000xi32, #tpu.memory_space<hbm>> -> memref<160xi32, #tpu.memory_space<hbm>>
          %dma_wait3A_203 = tpu.memref_slice %arg6[%add3A_100] : memref<320000xi32, #tpu.memory_space<hbm>> -> memref<160xi32, #tpu.memory_space<hbm>>
          tpu.wait_dma2 semaphore(%run_scoped3A_201 : memref<!tpu.dma_semaphore, #tpu.memory_space<semaphore_mem>>) src(%dma_wait3A_203 : memref<160xi32, #tpu.memory_space<hbm>>) dst(%run_scoped3A : memref<160xi32, #tpu.memory_space<vmem>>)
          tpu.yield
        }) : () -> ()
        "tpu.region"() ({
          %run_scoped3A_201 = tpu.sem_alloc : memref<!tpu.dma_semaphore, #tpu.memory_space<semaphore_mem>>
          %dma_start3A = tpu.memref_slice %arg7[%add3A_100] : memref<320000xi32, #tpu.memory_space<hbm>> -> memref<160xi32, #tpu.memory_space<hbm>>
          %dma_start3A_202 = tpu.memref_slice %arg7[%add3A_100] : memref<320000xi32, #tpu.memory_space<hbm>> -> memref<160xi32, #tpu.memory_space<hbm>>
          tpu.enqueue_dma source(%dma_start3A_202 : memref<160xi32, #tpu.memory_space<hbm>>) target(%run_scoped3A_3 : memref<160xi32, #tpu.memory_space<vmem>>) target_semaphore(%run_scoped3A_201 : memref<!tpu.dma_semaphore, #tpu.memory_space<semaphore_mem>>)
          %dma_wait3A = tpu.memref_slice %arg7[%add3A_100] : memref<320000xi32, #tpu.memory_space<hbm>> -> memref<160xi32, #tpu.memory_space<hbm>>
          %dma_wait3A_203 = tpu.memref_slice %arg7[%add3A_100] : memref<320000xi32, #tpu.memory_space<hbm>> -> memref<160xi32, #tpu.memory_space<hbm>>
          tpu.wait_dma2 semaphore(%run_scoped3A_201 : memref<!tpu.dma_semaphore, #tpu.memory_space<semaphore_mem>>) src(%dma_wait3A_203 : memref<160xi32, #tpu.memory_space<hbm>>) dst(%run_scoped3A_3 : memref<160xi32, #tpu.memory_space<vmem>>)
          tpu.yield
        }) : () -> ()
        "tpu.region"() ({
          %run_scoped3A_201 = tpu.sem_alloc : memref<!tpu.dma_semaphore, #tpu.memory_space<semaphore_mem>>
          %dma_start3A = tpu.memref_slice %arg8[%add3A_100] : memref<320000xi32, #tpu.memory_space<hbm>> -> memref<160xi32, #tpu.memory_space<hbm>>
          %dma_start3A_202 = tpu.memref_slice %arg8[%add3A_100] : memref<320000xi32, #tpu.memory_space<hbm>> -> memref<160xi32, #tpu.memory_space<hbm>>
          tpu.enqueue_dma source(%dma_start3A_202 : memref<160xi32, #tpu.memory_space<hbm>>) target(%run_scoped3A_4 : memref<160xi32, #tpu.memory_space<vmem>>) target_semaphore(%run_scoped3A_201 : memref<!tpu.dma_semaphore, #tpu.memory_space<semaphore_mem>>)
          %dma_wait3A = tpu.memref_slice %arg8[%add3A_100] : memref<320000xi32, #tpu.memory_space<hbm>> -> memref<160xi32, #tpu.memory_space<hbm>>
          %dma_wait3A_203 = tpu.memref_slice %arg8[%add3A_100] : memref<320000xi32, #tpu.memory_space<hbm>> -> memref<160xi32, #tpu.memory_space<hbm>>
          tpu.wait_dma2 semaphore(%run_scoped3A_201 : memref<!tpu.dma_semaphore, #tpu.memory_space<semaphore_mem>>) src(%dma_wait3A_203 : memref<160xi32, #tpu.memory_space<hbm>>) dst(%run_scoped3A_4 : memref<160xi32, #tpu.memory_space<vmem>>)
          tpu.yield
        }) : () -> ()
        %add3A_101 = arith.constant 0 : i32
        %add3A_102 = arith.addi %add3A_100, %add3A_101 : i32
        %add3A_103 = vector.broadcast %add3A_102 : i32 to vector<16xi32>
        %add3A_104 = arith.addi %iota3A, %add3A_103 : vector<16xi32>
        %swap3A_105 = arith.constant 0 : index
        %swap3A_106 = tpu.vector_load %run_scoped3A_5[%swap3A_105] {strides = array<i32>} : memref<160xi32, #tpu.memory_space<vmem>>, vector<16xi32>,
        %swap3A_107 = vector.shape_cast %swap3A_106 : vector<16xi32> to vector<16xi32>
        %swap3A_108 = vector.shape_cast %add3A_104 : vector<16xi32> to vector<16xi32>
        tpu.vector_store %run_scoped3A_5[%swap3A_105], %swap3A_108 {strides = array<i32>} : memref<160xi32, #tpu.memory_space<vmem>>, vector<16xi32>,
        %add3A_109 = arith.constant 16 : i32
        %add3A_110 = arith.addi %add3A_100, %add3A_109 : i32
        %add3A_111 = vector.broadcast %add3A_110 : i32 to vector<16xi32>
        %add3A_112 = arith.addi %iota3A, %add3A_111 : vector<16xi32>
        %swap3A_113 = arith.constant 16 : index
        %swap3A_114 = tpu.vector_load %run_scoped3A_5[%swap3A_113] {strides = array<i32>} : memref<160xi32, #tpu.memory_space<vmem>>, vector<16xi32>,
        %swap3A_115 = vector.shape_cast %swap3A_114 : vector<16xi32> to vector<16xi32>
        %swap3A_116 = vector.shape_cast %add3A_112 : vector<16xi32> to vector<16xi32>
        tpu.vector_store %run_scoped3A_5[%swap3A_113], %swap3A_116 {strides = array<i32>} : memref<160xi32, #tpu.memory_space<vmem>>, vector<16xi32>,
        %add3A_117 = arith.constant 32 : i32
        %add3A_118 = arith.addi %add3A_100, %add3A_117 : i32
        %add3A_119 = vector.broadcast %add3A_118 : i32 to vector<16xi32>
        %add3A_120 = arith.addi %iota3A, %add3A_119 : vector<16xi32>
        %swap3A_121 = arith.constant 32 : index
        %swap3A_122 = tpu.vector_load %run_scoped3A_5[%swap3A_121] {strides = array<i32>} : memref<160xi32, #tpu.memory_space<vmem>>, vector<16xi32>,
        %swap3A_123 = vector.shape_cast %swap3A_122 : vector<16xi32> to vector<16xi32>
        %swap3A_124 = vector.shape_cast %add3A_120 : vector<16xi32> to vector<16xi32>
        tpu.vector_store %run_scoped3A_5[%swap3A_121], %swap3A_124 {strides = array<i32>} : memref<160xi32, #tpu.memory_space<vmem>>, vector<16xi32>,
        %add3A_125 = arith.constant 48 : i32
        %add3A_126 = arith.addi %add3A_100, %add3A_125 : i32
        %add3A_127 = vector.broadcast %add3A_126 : i32 to vector<16xi32>
        %add3A_128 = arith.addi %iota3A, %add3A_127 : vector<16xi32>
        %swap3A_129 = arith.constant 48 : index
        %swap3A_130 = tpu.vector_load %run_scoped3A_5[%swap3A_129] {strides = array<i32>} : memref<160xi32, #tpu.memory_space<vmem>>, vector<16xi32>,
        %swap3A_131 = vector.shape_cast %swap3A_130 : vector<16xi32> to vector<16xi32>
        %swap3A_132 = vector.shape_cast %add3A_128 : vector<16xi32> to vector<16xi32>
        tpu.vector_store %run_scoped3A_5[%swap3A_129], %swap3A_132 {strides = array<i32>} : memref<160xi32, #tpu.memory_space<vmem>>, vector<16xi32>,
        %add3A_133 = arith.constant 64 : i32
        %add3A_134 = arith.addi %add3A_100, %add3A_133 : i32
        %add3A_135 = vector.broadcast %add3A_134 : i32 to vector<16xi32>
        %add3A_136 = arith.addi %iota3A, %add3A_135 : vector<16xi32>
        %swap3A_137 = arith.constant 64 : index
        %swap3A_138 = tpu.vector_load %run_scoped3A_5[%swap3A_137] {strides = array<i32>} : memref<160xi32, #tpu.memory_space<vmem>>, vector<16xi32>,
        %swap3A_139 = vector.shape_cast %swap3A_138 : vector<16xi32> to vector<16xi32>
        %swap3A_140 = vector.shape_cast %add3A_136 : vector<16xi32> to vector<16xi32>
        tpu.vector_store %run_scoped3A_5[%swap3A_137], %swap3A_140 {strides = array<i32>} : memref<160xi32, #tpu.memory_space<vmem>>, vector<16xi32>,
        %add3A_141 = arith.constant 80 : i32
        %add3A_142 = arith.addi %add3A_100, %add3A_141 : i32
        %add3A_143 = vector.broadcast %add3A_142 : i32 to vector<16xi32>
        %add3A_144 = arith.addi %iota3A, %add3A_143 : vector<16xi32>
        %swap3A_145 = arith.constant 80 : index
        %swap3A_146 = tpu.vector_load %run_scoped3A_5[%swap3A_145] {strides = array<i32>} : memref<160xi32, #tpu.memory_space<vmem>>, vector<16xi32>,
        %swap3A_147 = vector.shape_cast %swap3A_146 : vector<16xi32> to vector<16xi32>
        %swap3A_148 = vector.shape_cast %add3A_144 : vector<16xi32> to vector<16xi32>
        tpu.vector_store %run_scoped3A_5[%swap3A_145], %swap3A_148 {strides = array<i32>} : memref<160xi32, #tpu.memory_space<vmem>>, vector<16xi32>,
        %add3A_149 = arith.constant 96 : i32
        %add3A_150 = arith.addi %add3A_100, %add3A_149 : i32
        %add3A_151 = vector.broadcast %add3A_150 : i32 to vector<16xi32>
        %add3A_152 = arith.addi %iota3A, %add3A_151 : vector<16xi32>
        %swap3A_153 = arith.constant 96 : index
        %swap3A_154 = tpu.vector_load %run_scoped3A_5[%swap3A_153] {strides = array<i32>} : memref<160xi32, #tpu.memory_space<vmem>>, vector<16xi32>,
        %swap3A_155 = vector.shape_cast %swap3A_154 : vector<16xi32> to vector<16xi32>
        %swap3A_156 = vector.shape_cast %add3A_152 : vector<16xi32> to vector<16xi32>
        tpu.vector_store %run_scoped3A_5[%swap3A_153], %swap3A_156 {strides = array<i32>} : memref<160xi32, #tpu.memory_space<vmem>>, vector<16xi32>,
        %add3A_157 = arith.constant 112 : i32
        %add3A_158 = arith.addi %add3A_100, %add3A_157 : i32
        %add3A_159 = vector.broadcast %add3A_158 : i32 to vector<16xi32>
        %add3A_160 = arith.addi %iota3A, %add3A_159 : vector<16xi32>
        %swap3A_161 = arith.constant 112 : index
        %swap3A_162 = tpu.vector_load %run_scoped3A_5[%swap3A_161] {strides = array<i32>} : memref<160xi32, #tpu.memory_space<vmem>>, vector<16xi32>,
        %swap3A_163 = vector.shape_cast %swap3A_162 : vector<16xi32> to vector<16xi32>
        %swap3A_164 = vector.shape_cast %add3A_160 : vector<16xi32> to vector<16xi32>
        tpu.vector_store %run_scoped3A_5[%swap3A_161], %swap3A_164 {strides = array<i32>} : memref<160xi32, #tpu.memory_space<vmem>>, vector<16xi32>,
        %add3A_165 = arith.constant 128 : i32
        %add3A_166 = arith.addi %add3A_100, %add3A_165 : i32
        %add3A_167 = vector.broadcast %add3A_166 : i32 to vector<16xi32>
        %add3A_168 = arith.addi %iota3A, %add3A_167 : vector<16xi32>
        %swap3A_169 = arith.constant 128 : index
        %swap3A_170 = tpu.vector_load %run_scoped3A_5[%swap3A_169] {strides = array<i32>} : memref<160xi32, #tpu.memory_space<vmem>>, vector<16xi32>,
        %swap3A_171 = vector.shape_cast %swap3A_170 : vector<16xi32> to vector<16xi32>
        %swap3A_172 = vector.shape_cast %add3A_168 : vector<16xi32> to vector<16xi32>
        tpu.vector_store %run_scoped3A_5[%swap3A_169], %swap3A_172 {strides = array<i32>} : memref<160xi32, #tpu.memory_space<vmem>>, vector<16xi32>,
        %add3A_173 = arith.constant 144 : i32
        %add3A_174 = arith.addi %add3A_100, %add3A_173 : i32
        %add3A_175 = vector.broadcast %add3A_174 : i32 to vector<16xi32>
        %add3A_176 = arith.addi %iota3A, %add3A_175 : vector<16xi32>
        %swap3A_177 = arith.constant 144 : index
        %swap3A_178 = tpu.vector_load %run_scoped3A_5[%swap3A_177] {strides = array<i32>} : memref<160xi32, #tpu.memory_space<vmem>>, vector<16xi32>,
        %swap3A_179 = vector.shape_cast %swap3A_178 : vector<16xi32> to vector<16xi32>
        %swap3A_180 = vector.shape_cast %add3A_176 : vector<16xi32> to vector<16xi32>
        tpu.vector_store %run_scoped3A_5[%swap3A_177], %swap3A_180 {strides = array<i32>} : memref<160xi32, #tpu.memory_space<vmem>>, vector<16xi32>,
        %eq3A_181 = arith.constant 0 : i32
        %eq3A_182 = arith.cmpi eq, %arg0, %eq3A_181 : i32
        %convert_element_type3A_183 = arith.extui %eq3A_182 : i1 to i32
        %cond3A_184 = arith.constant 0 : i32
        %cond3A_185 = arith.cmpi ne, %convert_element_type3A_183, %cond3A_184 : i32
        scf.if %cond3A_185 {
          "tpu.region"() ({
            %run_scoped3A_201 = tpu.sem_alloc : memref<!tpu.dma_semaphore, #tpu.memory_space<semaphore_mem>>
            %dma_start3A = arith.constant 0 : i32
            %dma_start3A_202 = arith.constant 0 : i32
            %dma_start3A_203 = tpu.memref_slice %arg4[%dma_start3A, %dma_start3A_202] : memref<168x128xf32, #tpu.memory_space<hbm>> -> memref<168x128xf32, #tpu.memory_space<hbm>>
            tpu.enqueue_indirect_dma source(%dma_start3A_203 : memref<168x128xf32, #tpu.memory_space<hbm>>) target(%run_scoped3A_7 : memref<160x128xf32, #tpu.memory_space<vmem>>) offsets(%run_scoped3A_4 : memref<160xi32, #tpu.memory_space<vmem>>) semaphore(%run_scoped3A_201 : memref<!tpu.dma_semaphore, #tpu.memory_space<semaphore_mem>>)
            %dma_wait3A = arith.constant 0 : i32
            %dma_wait3A_204 = arith.constant 0 : i32
            %dma_wait3A_205 = tpu.memref_slice %arg4[%dma_wait3A, %dma_wait3A_204] : memref<168x128xf32, #tpu.memory_space<hbm>> -> memref<168x128xf32, #tpu.memory_space<hbm>>
            tpu.wait_indirect_dma semaphore(%run_scoped3A_201 : memref<!tpu.dma_semaphore, #tpu.memory_space<semaphore_mem>>) src(%dma_wait3A_205 : memref<168x128xf32, #tpu.memory_space<hbm>>) dst(%run_scoped3A_7 : memref<160x128xf32, #tpu.memory_space<vmem>>)
            tpu.yield
          }) : () -> ()
          "tpu.region"() ({
            %run_scoped3A_201 = tpu.sem_alloc : memref<!tpu.dma_semaphore, #tpu.memory_space<semaphore_mem>>
            %dma_start3A = arith.constant 0 : i32
            %dma_start3A_202 = arith.constant 0 : i32
            %dma_start3A_203 = tpu.memref_slice %arg3[%dma_start3A, %dma_start3A_202] : memref<10000x128xf32, #tpu.memory_space<hbm>> -> memref<10000x128xf32, #tpu.memory_space<hbm>>
            tpu.enqueue_indirect_dma source(%dma_start3A_203 : memref<10000x128xf32, #tpu.memory_space<hbm>>) target(%run_scoped3A_7 : memref<160x128xf32, #tpu.memory_space<vmem>>) offsets(%run_scoped3A_3 : memref<160xi32, #tpu.memory_space<vmem>>) semaphore(%run_scoped3A_201 : memref<!tpu.dma_semaphore, #tpu.memory_space<semaphore_mem>>) {add = true}
            %dma_wait3A = arith.constant 0 : i32
            %dma_wait3A_204 = arith.constant 0 : i32
            %dma_wait3A_205 = tpu.memref_slice %arg3[%dma_wait3A, %dma_wait3A_204] : memref<10000x128xf32, #tpu.memory_space<hbm>> -> memref<10000x128xf32, #tpu.memory_space<hbm>>
            tpu.wait_indirect_dma semaphore(%run_scoped3A_201 : memref<!tpu.dma_semaphore, #tpu.memory_space<semaphore_mem>>) src(%dma_wait3A_205 : memref<10000x128xf32, #tpu.memory_space<hbm>>) dst(%run_scoped3A_7 : memref<160x128xf32, #tpu.memory_space<vmem>>)
            tpu.yield
          }) : () -> ()
          "tpu.region"() ({
            %run_scoped3A_201 = tpu.sem_alloc : memref<!tpu.dma_semaphore, #tpu.memory_space<semaphore_mem>>
            %dma_start3A = arith.constant 0 : i32
            %dma_start3A_202 = arith.constant 0 : i32
            %dma_start3A_203 = tpu.memref_slice %arg5[%dma_start3A, %dma_start3A_202] : memref<320000x128xf32, #tpu.memory_space<hbm>> -> memref<320000x128xf32, #tpu.memory_space<hbm>>
            tpu.enqueue_indirect_dma source(%dma_start3A_203 : memref<320000x128xf32, #tpu.memory_space<hbm>>) target(%run_scoped3A_7 : memref<160x128xf32, #tpu.memory_space<vmem>>) offsets(%run_scoped3A_5 : memref<160xi32, #tpu.memory_space<vmem>>) semaphore(%run_scoped3A_201 : memref<!tpu.dma_semaphore, #tpu.memory_space<semaphore_mem>>) {add = true}
            %dma_wait3A = arith.constant 0 : i32
            %dma_wait3A_204 = arith.constant 0 : i32
            %dma_wait3A_205 = tpu.memref_slice %arg5[%dma_wait3A, %dma_wait3A_204] : memref<320000x128xf32, #tpu.memory_space<hbm>> -> memref<320000x128xf32, #tpu.memory_space<hbm>>
            tpu.wait_indirect_dma semaphore(%run_scoped3A_201 : memref<!tpu.dma_semaphore, #tpu.memory_space<semaphore_mem>>) src(%dma_wait3A_205 : memref<320000x128xf32, #tpu.memory_space<hbm>>) dst(%run_scoped3A_7 : memref<160x128xf32, #tpu.memory_space<vmem>>)
            tpu.yield
          }) : () -> ()
          "tpu.region"() ({
            %run_scoped3A_201 = tpu.sem_alloc : memref<!tpu.dma_semaphore, #tpu.memory_space<semaphore_mem>>
            %dma_start3A = arith.constant 0 : i32
            %dma_start3A_202 = arith.constant 0 : i32
            %dma_start3A_203 = tpu.memref_slice %arg14[%dma_start3A, %dma_start3A_202] : memref<10000x128xf32, #tpu.memory_space<vmem_shared>> -> memref<10000x128xf32, #tpu.memory_space<vmem_shared>>
            tpu.enqueue_indirect_dma source(%run_scoped3A_7 : memref<160x128xf32, #tpu.memory_space<vmem>>) target(%dma_start3A_203 : memref<10000x128xf32, #tpu.memory_space<vmem_shared>>) offsets(%run_scoped3A : memref<160xi32, #tpu.memory_space<vmem>>) semaphore(%run_scoped3A_201 : memref<!tpu.dma_semaphore, #tpu.memory_space<semaphore_mem>>) {add = true}
            %dma_wait3A = arith.constant 0 : i32
            %dma_wait3A_204 = arith.constant 0 : i32
            %dma_wait3A_205 = tpu.memref_slice %arg14[%dma_wait3A, %dma_wait3A_204] : memref<10000x128xf32, #tpu.memory_space<vmem_shared>> -> memref<10000x128xf32, #tpu.memory_space<vmem_shared>>
            tpu.wait_indirect_dma semaphore(%run_scoped3A_201 : memref<!tpu.dma_semaphore, #tpu.memory_space<semaphore_mem>>) src(%run_scoped3A_7 : memref<160x128xf32, #tpu.memory_space<vmem>>) dst(%dma_wait3A_205 : memref<10000x128xf32, #tpu.memory_space<vmem_shared>>)
            tpu.yield
          }) : () -> ()
          "tpu.region"() ({
            %run_scoped3A_201 = tpu.sem_alloc : memref<!tpu.dma_semaphore, #tpu.memory_space<semaphore_mem>>
            %dma_start3A = arith.constant 0 : i32
            %dma_start3A_202 = tpu.memref_slice %arg15[%dma_start3A] : memref<10000xf32, #tpu.memory_space<vmem_shared>> -> memref<10000xf32, #tpu.memory_space<vmem_shared>>
            tpu.enqueue_indirect_dma source(%run_scoped3A_8 : memref<160xf32, #tpu.memory_space<vmem>>) target(%dma_start3A_202 : memref<10000xf32, #tpu.memory_space<vmem_shared>>) offsets(%run_scoped3A : memref<160xi32, #tpu.memory_space<vmem>>) semaphore(%run_scoped3A_201 : memref<!tpu.dma_semaphore, #tpu.memory_space<semaphore_mem>>) {add = true}
            %dma_wait3A = arith.constant 0 : i32
            %dma_wait3A_203 = tpu.memref_slice %arg15[%dma_wait3A] : memref<10000xf32, #tpu.memory_space<vmem_shared>> -> memref<10000xf32, #tpu.memory_space<vmem_shared>>
            tpu.wait_indirect_dma semaphore(%run_scoped3A_201 : memref<!tpu.dma_semaphore, #tpu.memory_space<semaphore_mem>>) src(%run_scoped3A_8 : memref<160xf32, #tpu.memory_space<vmem>>) dst(%dma_wait3A_203 : memref<10000xf32, #tpu.memory_space<vmem_shared>>)
            tpu.yield
          }) : () -> ()
        } else {
        }
        %eq3A_186 = arith.constant 1 : i32
        %eq3A_187 = arith.cmpi eq, %arg0, %eq3A_186 : i32
        %convert_element_type3A_188 = arith.extui %eq3A_187 : i1 to i32
        %cond3A_189 = arith.constant 0 : i32
        %cond3A_190 = arith.cmpi ne, %convert_element_type3A_188, %cond3A_189 : i32
        scf.if %cond3A_190 {
          "tpu.region"() ({
            %run_scoped3A_201 = tpu.sem_alloc : memref<!tpu.dma_semaphore, #tpu.memory_space<semaphore_mem>>
            %dma_start3A = arith.constant 0 : i32
            %dma_start3A_202 = arith.constant 0 : i32
            %dma_start3A_203 = tpu.memref_slice %arg4[%dma_start3A, %dma_start3A_202] : memref<168x128xf32, #tpu.memory_space<hbm>> -> memref<168x128xf32, #tpu.memory_space<hbm>>
            tpu.enqueue_indirect_dma source(%dma_start3A_203 : memref<168x128xf32, #tpu.memory_space<hbm>>) target(%run_scoped3A_7 : memref<160x128xf32, #tpu.memory_space<vmem>>) offsets(%run_scoped3A_4 : memref<160xi32, #tpu.memory_space<vmem>>) semaphore(%run_scoped3A_201 : memref<!tpu.dma_semaphore, #tpu.memory_space<semaphore_mem>>)
            %dma_wait3A = arith.constant 0 : i32
            %dma_wait3A_204 = arith.constant 0 : i32
            %dma_wait3A_205 = tpu.memref_slice %arg4[%dma_wait3A, %dma_wait3A_204] : memref<168x128xf32, #tpu.memory_space<hbm>> -> memref<168x128xf32, #tpu.memory_space<hbm>>
            tpu.wait_indirect_dma semaphore(%run_scoped3A_201 : memref<!tpu.dma_semaphore, #tpu.memory_space<semaphore_mem>>) src(%dma_wait3A_205 : memref<168x128xf32, #tpu.memory_space<hbm>>) dst(%run_scoped3A_7 : memref<160x128xf32, #tpu.memory_space<vmem>>)
            tpu.yield
          }) : () -> ()
          "tpu.region"() ({
            %run_scoped3A_201 = tpu.sem_alloc : memref<!tpu.dma_semaphore, #tpu.memory_space<semaphore_mem>>
            %dma_start3A = arith.constant 0 : i32
            %dma_start3A_202 = arith.constant 0 : i32
            %dma_start3A_203 = tpu.memref_slice %arg2[%dma_start3A, %dma_start3A_202] : memref<10000x128xf32, #tpu.memory_space<hbm>> -> memref<10000x128xf32, #tpu.memory_space<hbm>>
            tpu.enqueue_indirect_dma source(%dma_start3A_203 : memref<10000x128xf32, #tpu.memory_space<hbm>>) target(%run_scoped3A_7 : memref<160x128xf32, #tpu.memory_space<vmem>>) offsets(%run_scoped3A : memref<160xi32, #tpu.memory_space<vmem>>) semaphore(%run_scoped3A_201 : memref<!tpu.dma_semaphore, #tpu.memory_space<semaphore_mem>>) {add = true}
            %dma_wait3A = arith.constant 0 : i32
            %dma_wait3A_204 = arith.constant 0 : i32
            %dma_wait3A_205 = tpu.memref_slice %arg2[%dma_wait3A, %dma_wait3A_204] : memref<10000x128xf32, #tpu.memory_space<hbm>> -> memref<10000x128xf32, #tpu.memory_space<hbm>>
            tpu.wait_indirect_dma semaphore(%run_scoped3A_201 : memref<!tpu.dma_semaphore, #tpu.memory_space<semaphore_mem>>) src(%dma_wait3A_205 : memref<10000x128xf32, #tpu.memory_space<hbm>>) dst(%run_scoped3A_7 : memref<160x128xf32, #tpu.memory_space<vmem>>)
            tpu.yield
          }) : () -> ()
          "tpu.region"() ({
            %run_scoped3A_201 = tpu.sem_alloc : memref<!tpu.dma_semaphore, #tpu.memory_space<semaphore_mem>>
            %dma_start3A = arith.constant 0 : i32
            %dma_start3A_202 = arith.constant 0 : i32
            %dma_start3A_203 = tpu.memref_slice %arg5[%dma_start3A, %dma_start3A_202] : memref<320000x128xf32, #tpu.memory_space<hbm>> -> memref<320000x128xf32, #tpu.memory_space<hbm>>
            tpu.enqueue_indirect_dma source(%dma_start3A_203 : memref<320000x128xf32, #tpu.memory_space<hbm>>) target(%run_scoped3A_7 : memref<160x128xf32, #tpu.memory_space<vmem>>) offsets(%run_scoped3A_5 : memref<160xi32, #tpu.memory_space<vmem>>) semaphore(%run_scoped3A_201 : memref<!tpu.dma_semaphore, #tpu.memory_space<semaphore_mem>>) {add = true}
            %dma_wait3A = arith.constant 0 : i32
            %dma_wait3A_204 = arith.constant 0 : i32
            %dma_wait3A_205 = tpu.memref_slice %arg5[%dma_wait3A, %dma_wait3A_204] : memref<320000x128xf32, #tpu.memory_space<hbm>> -> memref<320000x128xf32, #tpu.memory_space<hbm>>
            tpu.wait_indirect_dma semaphore(%run_scoped3A_201 : memref<!tpu.dma_semaphore, #tpu.memory_space<semaphore_mem>>) src(%dma_wait3A_205 : memref<320000x128xf32, #tpu.memory_space<hbm>>) dst(%run_scoped3A_7 : memref<160x128xf32, #tpu.memory_space<vmem>>)
            tpu.yield
          }) : () -> ()
          "tpu.region"() ({
            %run_scoped3A_201 = tpu.sem_alloc : memref<!tpu.dma_semaphore, #tpu.memory_space<semaphore_mem>>
            %dma_start3A = arith.constant 0 : i32
            %dma_start3A_202 = arith.constant 0 : i32
            %dma_start3A_203 = tpu.memref_slice %arg14[%dma_start3A, %dma_start3A_202] : memref<10000x128xf32, #tpu.memory_space<vmem_shared>> -> memref<10000x128xf32, #tpu.memory_space<vmem_shared>>
            tpu.enqueue_indirect_dma source(%run_scoped3A_7 : memref<160x128xf32, #tpu.memory_space<vmem>>) target(%dma_start3A_203 : memref<10000x128xf32, #tpu.memory_space<vmem_shared>>) offsets(%run_scoped3A_3 : memref<160xi32, #tpu.memory_space<vmem>>) semaphore(%run_scoped3A_201 : memref<!tpu.dma_semaphore, #tpu.memory_space<semaphore_mem>>) {add = true}
            %dma_wait3A = arith.constant 0 : i32
            %dma_wait3A_204 = arith.constant 0 : i32
            %dma_wait3A_205 = tpu.memref_slice %arg14[%dma_wait3A, %dma_wait3A_204] : memref<10000x128xf32, #tpu.memory_space<vmem_shared>> -> memref<10000x128xf32, #tpu.memory_space<vmem_shared>>
            tpu.wait_indirect_dma semaphore(%run_scoped3A_201 : memref<!tpu.dma_semaphore, #tpu.memory_space<semaphore_mem>>) src(%run_scoped3A_7 : memref<160x128xf32, #tpu.memory_space<vmem>>) dst(%dma_wait3A_205 : memref<10000x128xf32, #tpu.memory_space<vmem_shared>>)
            tpu.yield
          }) : () -> ()
          "tpu.region"() ({
            %run_scoped3A_201 = tpu.sem_alloc : memref<!tpu.dma_semaphore, #tpu.memory_space<semaphore_mem>>
            %dma_start3A = arith.constant 0 : i32
            %dma_start3A_202 = tpu.memref_slice %arg15[%dma_start3A] : memref<10000xf32, #tpu.memory_space<vmem_shared>> -> memref<10000xf32, #tpu.memory_space<vmem_shared>>
            tpu.enqueue_indirect_dma source(%run_scoped3A_8 : memref<160xf32, #tpu.memory_space<vmem>>) target(%dma_start3A_202 : memref<10000xf32, #tpu.memory_space<vmem_shared>>) offsets(%run_scoped3A_3 : memref<160xi32, #tpu.memory_space<vmem>>) semaphore(%run_scoped3A_201 : memref<!tpu.dma_semaphore, #tpu.memory_space<semaphore_mem>>) {add = true}
            %dma_wait3A = arith.constant 0 : i32
            %dma_wait3A_203 = tpu.memref_slice %arg15[%dma_wait3A] : memref<10000xf32, #tpu.memory_space<vmem_shared>> -> memref<10000xf32, #tpu.memory_space<vmem_shared>>
            tpu.wait_indirect_dma semaphore(%run_scoped3A_201 : memref<!tpu.dma_semaphore, #tpu.memory_space<semaphore_mem>>) src(%run_scoped3A_8 : memref<160xf32, #tpu.memory_space<vmem>>) dst(%dma_wait3A_203 : memref<10000xf32, #tpu.memory_space<vmem_shared>>)
            tpu.yield
          }) : () -> ()
        } else {
        }
        %eq3A_191 = arith.constant 0 : i32
        %eq3A_192 = arith.cmpi eq, %arg0, %eq3A_191 : i32
        %lt3A = arith.constant 62 : i32
        %lt3A_193 = arith.cmpi slt, %scan3A_95, %lt3A : i32
        %and3A = arith.andi %eq3A_192, %lt3A_193 : i1
        %eq3A_194 = arith.constant 1 : i32
        %eq3A_195 = arith.cmpi eq, %arg0, %eq3A_194 : i32
        %ge3A = arith.constant 62 : i32
        %ge3A_196 = arith.cmpi sge, %scan3A_95, %ge3A : i32
        %and3A_197 = arith.andi %eq3A_195, %ge3A_196 : i1
        %or3A = arith.ori %and3A, %and3A_197 : i1
        %convert_element_type3A_198 = arith.extui %or3A : i1 to i32
        %cond3A_199 = arith.constant 0 : i32
        %cond3A_200 = arith.cmpi ne, %convert_element_type3A_198, %cond3A_199 : i32
        scf.if %cond3A_200 {
          "tpu.region"() ({
            %run_scoped3A_201 = tpu.sem_alloc : memref<!tpu.dma_semaphore, #tpu.memory_space<semaphore_mem>>
            %dma_start3A = arith.constant 0 : i32
            %dma_start3A_202 = arith.constant 0 : i32
            %dma_start3A_203 = tpu.memref_slice %arg3[%dma_start3A, %dma_start3A_202] : memref<10000x128xf32, #tpu.memory_space<hbm>> -> memref<10000x128xf32, #tpu.memory_space<hbm>>
            tpu.enqueue_indirect_dma source(%dma_start3A_203 : memref<10000x128xf32, #tpu.memory_space<hbm>>) target(%run_scoped3A_6 : memref<160x128xf32, #tpu.memory_space<vmem>>) offsets(%run_scoped3A_3 : memref<160xi32, #tpu.memory_space<vmem>>) semaphore(%run_scoped3A_201 : memref<!tpu.dma_semaphore, #tpu.memory_space<semaphore_mem>>)
            %dma_wait3A = arith.constant 0 : i32
            %dma_wait3A_204 = arith.constant 0 : i32
            %dma_wait3A_205 = tpu.memref_slice %arg3[%dma_wait3A, %dma_wait3A_204] : memref<10000x128xf32, #tpu.memory_space<hbm>> -> memref<10000x128xf32, #tpu.memory_space<hbm>>
            tpu.wait_indirect_dma semaphore(%run_scoped3A_201 : memref<!tpu.dma_semaphore, #tpu.memory_space<semaphore_mem>>) src(%dma_wait3A_205 : memref<10000x128xf32, #tpu.memory_space<hbm>>) dst(%run_scoped3A_6 : memref<160x128xf32, #tpu.memory_space<vmem>>)
            tpu.yield
          }) : () -> ()
          "tpu.region"() ({
            %run_scoped3A_201 = tpu.sem_alloc : memref<!tpu.dma_semaphore, #tpu.memory_space<semaphore_mem>>
            %dma_start3A = arith.constant 0 : i32
            %dma_start3A_202 = arith.constant 0 : i32
            %dma_start3A_203 = tpu.memref_slice %arg2[%dma_start3A, %dma_start3A_202] : memref<10000x128xf32, #tpu.memory_space<hbm>> -> memref<10000x128xf32, #tpu.memory_space<hbm>>
            tpu.enqueue_indirect_dma source(%dma_start3A_203 : memref<10000x128xf32, #tpu.memory_space<hbm>>) target(%run_scoped3A_6 : memref<160x128xf32, #tpu.memory_space<vmem>>) offsets(%run_scoped3A : memref<160xi32, #tpu.memory_space<vmem>>) semaphore(%run_scoped3A_201 : memref<!tpu.dma_semaphore, #tpu.memory_space<semaphore_mem>>) {add = true}
            %dma_wait3A = arith.constant 0 : i32
            %dma_wait3A_204 = arith.constant 0 : i32
            %dma_wait3A_205 = tpu.memref_slice %arg2[%dma_wait3A, %dma_wait3A_204] : memref<10000x128xf32, #tpu.memory_space<hbm>> -> memref<10000x128xf32, #tpu.memory_space<hbm>>
            tpu.wait_indirect_dma semaphore(%run_scoped3A_201 : memref<!tpu.dma_semaphore, #tpu.memory_space<semaphore_mem>>) src(%dma_wait3A_205 : memref<10000x128xf32, #tpu.memory_space<hbm>>) dst(%run_scoped3A_6 : memref<160x128xf32, #tpu.memory_space<vmem>>)
            tpu.yield
          }) : () -> ()
          "tpu.region"() ({
            %run_scoped3A_201 = tpu.sem_alloc : memref<!tpu.dma_semaphore, #tpu.memory_space<semaphore_mem>>
            %dma_start3A = arith.constant 0 : i32
            %dma_start3A_202 = tpu.memref_slice %arg13[%add3A_100, %dma_start3A] : memref<320000x128xf32, #tpu.memory_space<hbm>> -> memref<160x128xf32, #tpu.memory_space<hbm>>
            %dma_start3A_203 = arith.constant 0 : i32
            %dma_start3A_204 = tpu.memref_slice %arg13[%add3A_100, %dma_start3A_203] : memref<320000x128xf32, #tpu.memory_space<hbm>> -> memref<160x128xf32, #tpu.memory_space<hbm>>
            tpu.enqueue_dma source(%run_scoped3A_6 : memref<160x128xf32, #tpu.memory_space<vmem>>) target(%dma_start3A_204 : memref<160x128xf32, #tpu.memory_space<hbm>>) target_semaphore(%run_scoped3A_201 : memref<!tpu.dma_semaphore, #tpu.memory_space<semaphore_mem>>)
            %dma_wait3A = arith.constant 0 : i32
            %dma_wait3A_205 = tpu.memref_slice %arg13[%add3A_100, %dma_wait3A] : memref<320000x128xf32, #tpu.memory_space<hbm>> -> memref<160x128xf32, #tpu.memory_space<hbm>>
            %dma_wait3A_206 = arith.constant 0 : i32
            %dma_wait3A_207 = tpu.memref_slice %arg13[%add3A_100, %dma_wait3A_206] : memref<320000x128xf32, #tpu.memory_space<hbm>> -> memref<160x128xf32, #tpu.memory_space<hbm>>
            tpu.wait_dma2 semaphore(%run_scoped3A_201 : memref<!tpu.dma_semaphore, #tpu.memory_space<semaphore_mem>>) src(%run_scoped3A_6 : memref<160x128xf32, #tpu.memory_space<vmem>>) dst(%dma_wait3A_207 : memref<160x128xf32, #tpu.memory_space<hbm>>)
            tpu.yield
          }) : () -> ()
        } else {
        }
      }
      %scan3A_83 = arith.constant 125 : i32
      %barrier3A_84 = arith.constant 0 : index
      tpu.barrier barrier_id(%barrier3A_84)
      %eq3A_85 = arith.constant 0 : i32
      %eq3A_86 = arith.cmpi eq, %arg0, %eq3A_85 : i32
      %convert_element_type3A_87 = arith.extui %eq3A_86 : i1 to i32
      %cond3A_88 = arith.constant 0 : i32
      %cond3A_89 = arith.cmpi ne, %convert_element_type3A_87, %cond3A_88 : i32
      scf.if %cond3A_89 {
        %mul3A_95 = arith.constant 624 : i32
        %mul3A_96 = arith.muli %arg1, %mul3A_95 : i32
        %add3A_97 = arith.constant 0 : i32
        %add3A_98 = arith.addi %mul3A_96, %add3A_97 : i32
        "tpu.region"() ({
          %run_scoped3A_120 = tpu.sem_alloc : memref<!tpu.dma_semaphore, #tpu.memory_space<semaphore_mem>>
          %dma_start3A = arith.constant 0 : i32
          %dma_start3A_121 = arith.constant 0 : i32
          %dma_start3A_122 = tpu.memref_slice %run_scoped3A_7[%dma_start3A, %dma_start3A_121] : memref<160x128xf32, #tpu.memory_space<vmem>> -> memref<160x128xf32, #tpu.memory_space<vmem>>
          %dma_start3A_123 = arith.constant 0 : i32
          %dma_start3A_124 = tpu.memref_slice %arg14[%add3A_98, %dma_start3A_123] : memref<10000x128xf32, #tpu.memory_space<vmem_shared>> -> memref<160x128xf32, #tpu.memory_space<vmem_shared>>
          %dma_start3A_125 = arith.constant 0 : i32
          %dma_start3A_126 = arith.constant 0 : i32
          %dma_start3A_127 = tpu.memref_slice %run_scoped3A_7[%dma_start3A_125, %dma_start3A_126] : memref<160x128xf32, #tpu.memory_space<vmem>> -> memref<160x128xf32, #tpu.memory_space<vmem>>
          %dma_start3A_128 = arith.constant 0 : i32
          %dma_start3A_129 = tpu.memref_slice %arg14[%add3A_98, %dma_start3A_128] : memref<10000x128xf32, #tpu.memory_space<vmem_shared>> -> memref<160x128xf32, #tpu.memory_space<vmem_shared>>
          tpu.enqueue_dma source(%dma_start3A_129 : memref<160x128xf32, #tpu.memory_space<vmem_shared>>) target(%dma_start3A_127 : memref<160x128xf32, #tpu.memory_space<vmem>>) target_semaphore(%run_scoped3A_120 : memref<!tpu.dma_semaphore, #tpu.memory_space<semaphore_mem>>)
          %dma_wait3A = arith.constant 0 : i32
          %dma_wait3A_130 = arith.constant 0 : i32
          %dma_wait3A_131 = tpu.memref_slice %run_scoped3A_7[%dma_wait3A, %dma_wait3A_130] : memref<160x128xf32, #tpu.memory_space<vmem>> -> memref<160x128xf32, #tpu.memory_space<vmem>>
          %dma_wait3A_132 = arith.constant 0 : i32
          %dma_wait3A_133 = tpu.memref_slice %arg14[%add3A_98, %dma_wait3A_132] : memref<10000x128xf32, #tpu.memory_space<vmem_shared>> -> memref<160x128xf32, #tpu.memory_space<vmem_shared>>
          %dma_wait3A_134 = arith.constant 0 : i32
          %dma_wait3A_135 = arith.constant 0 : i32
          %dma_wait3A_136 = tpu.memref_slice %run_scoped3A_7[%dma_wait3A_134, %dma_wait3A_135] : memref<160x128xf32, #tpu.memory_space<vmem>> -> memref<160x128xf32, #tpu.memory_space<vmem>>
          %dma_wait3A_137 = arith.constant 0 : i32
          %dma_wait3A_138 = tpu.memref_slice %arg14[%add3A_98, %dma_wait3A_137] : memref<10000x128xf32, #tpu.memory_space<vmem_shared>> -> memref<160x128xf32, #tpu.memory_space<vmem_shared>>
          tpu.wait_dma2 semaphore(%run_scoped3A_120 : memref<!tpu.dma_semaphore, #tpu.memory_space<semaphore_mem>>) src(%dma_wait3A_138 : memref<160x128xf32, #tpu.memory_space<vmem_shared>>) dst(%dma_wait3A_136 : memref<160x128xf32, #tpu.memory_space<vmem>>)
          tpu.yield
        }) : () -> ()
        "tpu.region"() ({
          %run_scoped3A_120 = tpu.sem_alloc : memref<!tpu.dma_semaphore, #tpu.memory_space<semaphore_mem>>
          %dma_start3A = arith.constant 0 : i32
          %dma_start3A_121 = arith.constant 0 : i32
          %dma_start3A_122 = tpu.memref_slice %run_scoped3A_7[%dma_start3A, %dma_start3A_121] : memref<160x128xf32, #tpu.memory_space<vmem>> -> memref<160x128xf32, #tpu.memory_space<vmem>>
          %dma_start3A_123 = arith.constant 0 : i32
          %dma_start3A_124 = tpu.memref_slice %arg9[%add3A_98, %dma_start3A_123] : memref<10000x128xf32, #tpu.memory_space<hbm>> -> memref<160x128xf32, #tpu.memory_space<hbm>>
          %dma_start3A_125 = arith.constant 0 : i32
          %dma_start3A_126 = tpu.memref_slice %arg9[%add3A_98, %dma_start3A_125] : memref<10000x128xf32, #tpu.memory_space<hbm>> -> memref<160x128xf32, #tpu.memory_space<hbm>>
          %dma_start3A_127 = arith.constant 0 : i32
          %dma_start3A_128 = arith.constant 0 : i32
          %dma_start3A_129 = tpu.memref_slice %run_scoped3A_7[%dma_start3A_127, %dma_start3A_128] : memref<160x128xf32, #tpu.memory_space<vmem>> -> memref<160x128xf32, #tpu.memory_space<vmem>>
          tpu.enqueue_dma source(%dma_start3A_129 : memref<160x128xf32, #tpu.memory_space<vmem>>) target(%dma_start3A_126 : memref<160x128xf32, #tpu.memory_space<hbm>>) target_semaphore(%run_scoped3A_120 : memref<!tpu.dma_semaphore, #tpu.memory_space<semaphore_mem>>)
          %dma_wait3A = arith.constant 0 : i32
          %dma_wait3A_130 = arith.constant 0 : i32
          %dma_wait3A_131 = tpu.memref_slice %run_scoped3A_7[%dma_wait3A, %dma_wait3A_130] : memref<160x128xf32, #tpu.memory_space<vmem>> -> memref<160x128xf32, #tpu.memory_space<vmem>>
          %dma_wait3A_132 = arith.constant 0 : i32
          %dma_wait3A_133 = tpu.memref_slice %arg9[%add3A_98, %dma_wait3A_132] : memref<10000x128xf32, #tpu.memory_space<hbm>> -> memref<160x128xf32, #tpu.memory_space<hbm>>
          %dma_wait3A_134 = arith.constant 0 : i32
          %dma_wait3A_135 = tpu.memref_slice %arg9[%add3A_98, %dma_wait3A_134] : memref<10000x128xf32, #tpu.memory_space<hbm>> -> memref<160x128xf32, #tpu.memory_space<hbm>>
          %dma_wait3A_136 = arith.constant 0 : i32
          %dma_wait3A_137 = arith.constant 0 : i32
          %dma_wait3A_138 = tpu.memref_slice %run_scoped3A_7[%dma_wait3A_136, %dma_wait3A_137] : memref<160x128xf32, #tpu.memory_space<vmem>> -> memref<160x128xf32, #tpu.memory_space<vmem>>
          tpu.wait_dma2 semaphore(%run_scoped3A_120 : memref<!tpu.dma_semaphore, #tpu.memory_space<semaphore_mem>>) src(%dma_wait3A_138 : memref<160x128xf32, #tpu.memory_space<vmem>>) dst(%dma_wait3A_135 : memref<160x128xf32, #tpu.memory_space<hbm>>)
          tpu.yield
        }) : () -> ()
        %mul3A_99 = arith.constant 624 : i32
        %mul3A_100 = arith.muli %arg1, %mul3A_99 : i32
        %add3A_101 = arith.constant 160 : i32
        %add3A_102 = arith.addi %mul3A_100, %add3A_101 : i32
        "tpu.region"() ({
          %run_scoped3A_120 = tpu.sem_alloc : memref<!tpu.dma_semaphore, #tpu.memory_space<semaphore_mem>>
          %dma_start3A = arith.constant 0 : i32
          %dma_start3A_121 = arith.constant 0 : i32
          %dma_start3A_122 = tpu.memref_slice %run_scoped3A_7[%dma_start3A, %dma_start3A_121] : memref<160x128xf32, #tpu.memory_space<vmem>> -> memref<160x128xf32, #tpu.memory_space<vmem>>
          %dma_start3A_123 = arith.constant 0 : i32
          %dma_start3A_124 = tpu.memref_slice %arg14[%add3A_102, %dma_start3A_123] : memref<10000x128xf32, #tpu.memory_space<vmem_shared>> -> memref<160x128xf32, #tpu.memory_space<vmem_shared>>
          %dma_start3A_125 = arith.constant 0 : i32
          %dma_start3A_126 = arith.constant 0 : i32
          %dma_start3A_127 = tpu.memref_slice %run_scoped3A_7[%dma_start3A_125, %dma_start3A_126] : memref<160x128xf32, #tpu.memory_space<vmem>> -> memref<160x128xf32, #tpu.memory_space<vmem>>
          %dma_start3A_128 = arith.constant 0 : i32
          %dma_start3A_129 = tpu.memref_slice %arg14[%add3A_102, %dma_start3A_128] : memref<10000x128xf32, #tpu.memory_space<vmem_shared>> -> memref<160x128xf32, #tpu.memory_space<vmem_shared>>
          tpu.enqueue_dma source(%dma_start3A_129 : memref<160x128xf32, #tpu.memory_space<vmem_shared>>) target(%dma_start3A_127 : memref<160x128xf32, #tpu.memory_space<vmem>>) target_semaphore(%run_scoped3A_120 : memref<!tpu.dma_semaphore, #tpu.memory_space<semaphore_mem>>)
          %dma_wait3A = arith.constant 0 : i32
          %dma_wait3A_130 = arith.constant 0 : i32
          %dma_wait3A_131 = tpu.memref_slice %run_scoped3A_7[%dma_wait3A, %dma_wait3A_130] : memref<160x128xf32, #tpu.memory_space<vmem>> -> memref<160x128xf32, #tpu.memory_space<vmem>>
          %dma_wait3A_132 = arith.constant 0 : i32
          %dma_wait3A_133 = tpu.memref_slice %arg14[%add3A_102, %dma_wait3A_132] : memref<10000x128xf32, #tpu.memory_space<vmem_shared>> -> memref<160x128xf32, #tpu.memory_space<vmem_shared>>
          %dma_wait3A_134 = arith.constant 0 : i32
          %dma_wait3A_135 = arith.constant 0 : i32
          %dma_wait3A_136 = tpu.memref_slice %run_scoped3A_7[%dma_wait3A_134, %dma_wait3A_135] : memref<160x128xf32, #tpu.memory_space<vmem>> -> memref<160x128xf32, #tpu.memory_space<vmem>>
          %dma_wait3A_137 = arith.constant 0 : i32
          %dma_wait3A_138 = tpu.memref_slice %arg14[%add3A_102, %dma_wait3A_137] : memref<10000x128xf32, #tpu.memory_space<vmem_shared>> -> memref<160x128xf32, #tpu.memory_space<vmem_shared>>
          tpu.wait_dma2 semaphore(%run_scoped3A_120 : memref<!tpu.dma_semaphore, #tpu.memory_space<semaphore_mem>>) src(%dma_wait3A_138 : memref<160x128xf32, #tpu.memory_space<vmem_shared>>) dst(%dma_wait3A_136 : memref<160x128xf32, #tpu.memory_space<vmem>>)
          tpu.yield
        }) : () -> ()
        "tpu.region"() ({
          %run_scoped3A_120 = tpu.sem_alloc : memref<!tpu.dma_semaphore, #tpu.memory_space<semaphore_mem>>
          %dma_start3A = arith.constant 0 : i32
          %dma_start3A_121 = arith.constant 0 : i32
          %dma_start3A_122 = tpu.memref_slice %run_scoped3A_7[%dma_start3A, %dma_start3A_121] : memref<160x128xf32, #tpu.memory_space<vmem>> -> memref<160x128xf32, #tpu.memory_space<vmem>>
          %dma_start3A_123 = arith.constant 0 : i32
          %dma_start3A_124 = tpu.memref_slice %arg9[%add3A_102, %dma_start3A_123] : memref<10000x128xf32, #tpu.memory_space<hbm>> -> memref<160x128xf32, #tpu.memory_space<hbm>>
          %dma_start3A_125 = arith.constant 0 : i32
          %dma_start3A_126 = tpu.memref_slice %arg9[%add3A_102, %dma_start3A_125] : memref<10000x128xf32, #tpu.memory_space<hbm>> -> memref<160x128xf32, #tpu.memory_space<hbm>>
          %dma_start3A_127 = arith.constant 0 : i32
          %dma_start3A_128 = arith.constant 0 : i32
          %dma_start3A_129 = tpu.memref_slice %run_scoped3A_7[%dma_start3A_127, %dma_start3A_128] : memref<160x128xf32, #tpu.memory_space<vmem>> -> memref<160x128xf32, #tpu.memory_space<vmem>>
          tpu.enqueue_dma source(%dma_start3A_129 : memref<160x128xf32, #tpu.memory_space<vmem>>) target(%dma_start3A_126 : memref<160x128xf32, #tpu.memory_space<hbm>>) target_semaphore(%run_scoped3A_120 : memref<!tpu.dma_semaphore, #tpu.memory_space<semaphore_mem>>)
          %dma_wait3A = arith.constant 0 : i32
          %dma_wait3A_130 = arith.constant 0 : i32
          %dma_wait3A_131 = tpu.memref_slice %run_scoped3A_7[%dma_wait3A, %dma_wait3A_130] : memref<160x128xf32, #tpu.memory_space<vmem>> -> memref<160x128xf32, #tpu.memory_space<vmem>>
          %dma_wait3A_132 = arith.constant 0 : i32
          %dma_wait3A_133 = tpu.memref_slice %arg9[%add3A_102, %dma_wait3A_132] : memref<10000x128xf32, #tpu.memory_space<hbm>> -> memref<160x128xf32, #tpu.memory_space<hbm>>
          %dma_wait3A_134 = arith.constant 0 : i32
          %dma_wait3A_135 = tpu.memref_slice %arg9[%add3A_102, %dma_wait3A_134] : memref<10000x128xf32, #tpu.memory_space<hbm>> -> memref<160x128xf32, #tpu.memory_space<hbm>>
          %dma_wait3A_136 = arith.constant 0 : i32
          %dma_wait3A_137 = arith.constant 0 : i32
          %dma_wait3A_138 = tpu.memref_slice %run_scoped3A_7[%dma_wait3A_136, %dma_wait3A_137] : memref<160x128xf32, #tpu.memory_space<vmem>> -> memref<160x128xf32, #tpu.memory_space<vmem>>
          tpu.wait_dma2 semaphore(%run_scoped3A_120 : memref<!tpu.dma_semaphore, #tpu.memory_space<semaphore_mem>>) src(%dma_wait3A_138 : memref<160x128xf32, #tpu.memory_space<vmem>>) dst(%dma_wait3A_135 : memref<160x128xf32, #tpu.memory_space<hbm>>)
          tpu.yield
        }) : () -> ()
        %mul3A_103 = arith.constant 624 : i32
        %mul3A_104 = arith.muli %arg1, %mul3A_103 : i32
        %add3A_105 = arith.constant 320 : i32
        %add3A_106 = arith.addi %mul3A_104, %add3A_105 : i32
        "tpu.region"() ({
          %run_scoped3A_120 = tpu.sem_alloc : memref<!tpu.dma_semaphore, #tpu.memory_space<semaphore_mem>>
          %dma_start3A = arith.constant 0 : i32
          %dma_start3A_121 = arith.constant 0 : i32
          %dma_start3A_122 = tpu.memref_slice %run_scoped3A_7[%dma_start3A, %dma_start3A_121] : memref<160x128xf32, #tpu.memory_space<vmem>> -> memref<160x128xf32, #tpu.memory_space<vmem>>
          %dma_start3A_123 = arith.constant 0 : i32
          %dma_start3A_124 = tpu.memref_slice %arg14[%add3A_106, %dma_start3A_123] : memref<10000x128xf32, #tpu.memory_space<vmem_shared>> -> memref<160x128xf32, #tpu.memory_space<vmem_shared>>
          %dma_start3A_125 = arith.constant 0 : i32
          %dma_start3A_126 = arith.constant 0 : i32
          %dma_start3A_127 = tpu.memref_slice %run_scoped3A_7[%dma_start3A_125, %dma_start3A_126] : memref<160x128xf32, #tpu.memory_space<vmem>> -> memref<160x128xf32, #tpu.memory_space<vmem>>
          %dma_start3A_128 = arith.constant 0 : i32
          %dma_start3A_129 = tpu.memref_slice %arg14[%add3A_106, %dma_start3A_128] : memref<10000x128xf32, #tpu.memory_space<vmem_shared>> -> memref<160x128xf32, #tpu.memory_space<vmem_shared>>
          tpu.enqueue_dma source(%dma_start3A_129 : memref<160x128xf32, #tpu.memory_space<vmem_shared>>) target(%dma_start3A_127 : memref<160x128xf32, #tpu.memory_space<vmem>>) target_semaphore(%run_scoped3A_120 : memref<!tpu.dma_semaphore, #tpu.memory_space<semaphore_mem>>)
          %dma_wait3A = arith.constant 0 : i32
          %dma_wait3A_130 = arith.constant 0 : i32
          %dma_wait3A_131 = tpu.memref_slice %run_scoped3A_7[%dma_wait3A, %dma_wait3A_130] : memref<160x128xf32, #tpu.memory_space<vmem>> -> memref<160x128xf32, #tpu.memory_space<vmem>>
          %dma_wait3A_132 = arith.constant 0 : i32
          %dma_wait3A_133 = tpu.memref_slice %arg14[%add3A_106, %dma_wait3A_132] : memref<10000x128xf32, #tpu.memory_space<vmem_shared>> -> memref<160x128xf32, #tpu.memory_space<vmem_shared>>
          %dma_wait3A_134 = arith.constant 0 : i32
          %dma_wait3A_135 = arith.constant 0 : i32
          %dma_wait3A_136 = tpu.memref_slice %run_scoped3A_7[%dma_wait3A_134, %dma_wait3A_135] : memref<160x128xf32, #tpu.memory_space<vmem>> -> memref<160x128xf32, #tpu.memory_space<vmem>>
          %dma_wait3A_137 = arith.constant 0 : i32
          %dma_wait3A_138 = tpu.memref_slice %arg14[%add3A_106, %dma_wait3A_137] : memref<10000x128xf32, #tpu.memory_space<vmem_shared>> -> memref<160x128xf32, #tpu.memory_space<vmem_shared>>
          tpu.wait_dma2 semaphore(%run_scoped3A_120 : memref<!tpu.dma_semaphore, #tpu.memory_space<semaphore_mem>>) src(%dma_wait3A_138 : memref<160x128xf32, #tpu.memory_space<vmem_shared>>) dst(%dma_wait3A_136 : memref<160x128xf32, #tpu.memory_space<vmem>>)
          tpu.yield
        }) : () -> ()
        "tpu.region"() ({
          %run_scoped3A_120 = tpu.sem_alloc : memref<!tpu.dma_semaphore, #tpu.memory_space<semaphore_mem>>
          %dma_start3A = arith.constant 0 : i32
          %dma_start3A_121 = arith.constant 0 : i32
          %dma_start3A_122 = tpu.memref_slice %run_scoped3A_7[%dma_start3A, %dma_start3A_121] : memref<160x128xf32, #tpu.memory_space<vmem>> -> memref<160x128xf32, #tpu.memory_space<vmem>>
          %dma_start3A_123 = arith.constant 0 : i32
          %dma_start3A_124 = tpu.memref_slice %arg9[%add3A_106, %dma_start3A_123] : memref<10000x128xf32, #tpu.memory_space<hbm>> -> memref<160x128xf32, #tpu.memory_space<hbm>>
          %dma_start3A_125 = arith.constant 0 : i32
          %dma_start3A_126 = tpu.memref_slice %arg9[%add3A_106, %dma_start3A_125] : memref<10000x128xf32, #tpu.memory_space<hbm>> -> memref<160x128xf32, #tpu.memory_space<hbm>>
          %dma_start3A_127 = arith.constant 0 : i32
          %dma_start3A_128 = arith.constant 0 : i32
          %dma_start3A_129 = tpu.memref_slice %run_scoped3A_7[%dma_start3A_127, %dma_start3A_128] : memref<160x128xf32, #tpu.memory_space<vmem>> -> memref<160x128xf32, #tpu.memory_space<vmem>>
          tpu.enqueue_dma source(%dma_start3A_129 : memref<160x128xf32, #tpu.memory_space<vmem>>) target(%dma_start3A_126 : memref<160x128xf32, #tpu.memory_space<hbm>>) target_semaphore(%run_scoped3A_120 : memref<!tpu.dma_semaphore, #tpu.memory_space<semaphore_mem>>)
          %dma_wait3A = arith.constant 0 : i32
          %dma_wait3A_130 = arith.constant 0 : i32
          %dma_wait3A_131 = tpu.memref_slice %run_scoped3A_7[%dma_wait3A, %dma_wait3A_130] : memref<160x128xf32, #tpu.memory_space<vmem>> -> memref<160x128xf32, #tpu.memory_space<vmem>>
          %dma_wait3A_132 = arith.constant 0 : i32
          %dma_wait3A_133 = tpu.memref_slice %arg9[%add3A_106, %dma_wait3A_132] : memref<10000x128xf32, #tpu.memory_space<hbm>> -> memref<160x128xf32, #tpu.memory_space<hbm>>
          %dma_wait3A_134 = arith.constant 0 : i32
          %dma_wait3A_135 = tpu.memref_slice %arg9[%add3A_106, %dma_wait3A_134] : memref<10000x128xf32, #tpu.memory_space<hbm>> -> memref<160x128xf32, #tpu.memory_space<hbm>>
          %dma_wait3A_136 = arith.constant 0 : i32
          %dma_wait3A_137 = arith.constant 0 : i32
          %dma_wait3A_138 = tpu.memref_slice %run_scoped3A_7[%dma_wait3A_136, %dma_wait3A_137] : memref<160x128xf32, #tpu.memory_space<vmem>> -> memref<160x128xf32, #tpu.memory_space<vmem>>
          tpu.wait_dma2 semaphore(%run_scoped3A_120 : memref<!tpu.dma_semaphore, #tpu.memory_space<semaphore_mem>>) src(%dma_wait3A_138 : memref<160x128xf32, #tpu.memory_space<vmem>>) dst(%dma_wait3A_135 : memref<160x128xf32, #tpu.memory_space<hbm>>)
          tpu.yield
        }) : () -> ()
        %mul3A_107 = arith.constant 624 : i32
        %mul3A_108 = arith.muli %arg1, %mul3A_107 : i32
        %add3A_109 = arith.constant 480 : i32
        %add3A_110 = arith.addi %mul3A_108, %add3A_109 : i32
        "tpu.region"() ({
          %run_scoped3A_120 = tpu.sem_alloc : memref<!tpu.dma_semaphore, #tpu.memory_space<semaphore_mem>>
          %dma_start3A = arith.constant 0 : i32
          %dma_start3A_121 = arith.constant 0 : i32
          %dma_start3A_122 = tpu.memref_slice %run_scoped3A_7[%dma_start3A, %dma_start3A_121] : memref<160x128xf32, #tpu.memory_space<vmem>> -> memref<144x128xf32, #tpu.memory_space<vmem>>
          %dma_start3A_123 = arith.constant 0 : i32
          %dma_start3A_124 = tpu.memref_slice %arg14[%add3A_110, %dma_start3A_123] : memref<10000x128xf32, #tpu.memory_space<vmem_shared>> -> memref<144x128xf32, #tpu.memory_space<vmem_shared>>
          %dma_start3A_125 = arith.constant 0 : i32
          %dma_start3A_126 = arith.constant 0 : i32
          %dma_start3A_127 = tpu.memref_slice %run_scoped3A_7[%dma_start3A_125, %dma_start3A_126] : memref<160x128xf32, #tpu.memory_space<vmem>> -> memref<144x128xf32, #tpu.memory_space<vmem>>
          %dma_start3A_128 = arith.constant 0 : i32
          %dma_start3A_129 = tpu.memref_slice %arg14[%add3A_110, %dma_start3A_128] : memref<10000x128xf32, #tpu.memory_space<vmem_shared>> -> memref<144x128xf32, #tpu.memory_space<vmem_shared>>
          tpu.enqueue_dma source(%dma_start3A_129 : memref<144x128xf32, #tpu.memory_space<vmem_shared>>) target(%dma_start3A_127 : memref<144x128xf32, #tpu.memory_space<vmem>>) target_semaphore(%run_scoped3A_120 : memref<!tpu.dma_semaphore, #tpu.memory_space<semaphore_mem>>)
          %dma_wait3A = arith.constant 0 : i32
          %dma_wait3A_130 = arith.constant 0 : i32
          %dma_wait3A_131 = tpu.memref_slice %run_scoped3A_7[%dma_wait3A, %dma_wait3A_130] : memref<160x128xf32, #tpu.memory_space<vmem>> -> memref<144x128xf32, #tpu.memory_space<vmem>>
          %dma_wait3A_132 = arith.constant 0 : i32
          %dma_wait3A_133 = tpu.memref_slice %arg14[%add3A_110, %dma_wait3A_132] : memref<10000x128xf32, #tpu.memory_space<vmem_shared>> -> memref<144x128xf32, #tpu.memory_space<vmem_shared>>
          %dma_wait3A_134 = arith.constant 0 : i32
          %dma_wait3A_135 = arith.constant 0 : i32
          %dma_wait3A_136 = tpu.memref_slice %run_scoped3A_7[%dma_wait3A_134, %dma_wait3A_135] : memref<160x128xf32, #tpu.memory_space<vmem>> -> memref<144x128xf32, #tpu.memory_space<vmem>>
          %dma_wait3A_137 = arith.constant 0 : i32
          %dma_wait3A_138 = tpu.memref_slice %arg14[%add3A_110, %dma_wait3A_137] : memref<10000x128xf32, #tpu.memory_space<vmem_shared>> -> memref<144x128xf32, #tpu.memory_space<vmem_shared>>
          tpu.wait_dma2 semaphore(%run_scoped3A_120 : memref<!tpu.dma_semaphore, #tpu.memory_space<semaphore_mem>>) src(%dma_wait3A_138 : memref<144x128xf32, #tpu.memory_space<vmem_shared>>) dst(%dma_wait3A_136 : memref<144x128xf32, #tpu.memory_space<vmem>>)
          tpu.yield
        }) : () -> ()
        "tpu.region"() ({
          %run_scoped3A_120 = tpu.sem_alloc : memref<!tpu.dma_semaphore, #tpu.memory_space<semaphore_mem>>
          %dma_start3A = arith.constant 0 : i32
          %dma_start3A_121 = arith.constant 0 : i32
          %dma_start3A_122 = tpu.memref_slice %run_scoped3A_7[%dma_start3A, %dma_start3A_121] : memref<160x128xf32, #tpu.memory_space<vmem>> -> memref<144x128xf32, #tpu.memory_space<vmem>>
          %dma_start3A_123 = arith.constant 0 : i32
          %dma_start3A_124 = tpu.memref_slice %arg9[%add3A_110, %dma_start3A_123] : memref<10000x128xf32, #tpu.memory_space<hbm>> -> memref<144x128xf32, #tpu.memory_space<hbm>>
          %dma_start3A_125 = arith.constant 0 : i32
          %dma_start3A_126 = tpu.memref_slice %arg9[%add3A_110, %dma_start3A_125] : memref<10000x128xf32, #tpu.memory_space<hbm>> -> memref<144x128xf32, #tpu.memory_space<hbm>>
          %dma_start3A_127 = arith.constant 0 : i32
          %dma_start3A_128 = arith.constant 0 : i32
          %dma_start3A_129 = tpu.memref_slice %run_scoped3A_7[%dma_start3A_127, %dma_start3A_128] : memref<160x128xf32, #tpu.memory_space<vmem>> -> memref<144x128xf32, #tpu.memory_space<vmem>>
          tpu.enqueue_dma source(%dma_start3A_129 : memref<144x128xf32, #tpu.memory_space<vmem>>) target(%dma_start3A_126 : memref<144x128xf32, #tpu.memory_space<hbm>>) target_semaphore(%run_scoped3A_120 : memref<!tpu.dma_semaphore, #tpu.memory_space<semaphore_mem>>)
          %dma_wait3A = arith.constant 0 : i32
          %dma_wait3A_130 = arith.constant 0 : i32
          %dma_wait3A_131 = tpu.memref_slice %run_scoped3A_7[%dma_wait3A, %dma_wait3A_130] : memref<160x128xf32, #tpu.memory_space<vmem>> -> memref<144x128xf32, #tpu.memory_space<vmem>>
          %dma_wait3A_132 = arith.constant 0 : i32
          %dma_wait3A_133 = tpu.memref_slice %arg9[%add3A_110, %dma_wait3A_132] : memref<10000x128xf32, #tpu.memory_space<hbm>> -> memref<144x128xf32, #tpu.memory_space<hbm>>
          %dma_wait3A_134 = arith.constant 0 : i32
          %dma_wait3A_135 = tpu.memref_slice %arg9[%add3A_110, %dma_wait3A_134] : memref<10000x128xf32, #tpu.memory_space<hbm>> -> memref<144x128xf32, #tpu.memory_space<hbm>>
          %dma_wait3A_136 = arith.constant 0 : i32
          %dma_wait3A_137 = arith.constant 0 : i32
          %dma_wait3A_138 = tpu.memref_slice %run_scoped3A_7[%dma_wait3A_136, %dma_wait3A_137] : memref<160x128xf32, #tpu.memory_space<vmem>> -> memref<144x128xf32, #tpu.memory_space<vmem>>
          tpu.wait_dma2 semaphore(%run_scoped3A_120 : memref<!tpu.dma_semaphore, #tpu.memory_space<semaphore_mem>>) src(%dma_wait3A_138 : memref<144x128xf32, #tpu.memory_space<vmem>>) dst(%dma_wait3A_135 : memref<144x128xf32, #tpu.memory_space<hbm>>)
          tpu.yield
        }) : () -> ()
        %mul3A_111 = arith.constant 624 : i32
        %mul3A_112 = arith.muli %arg1, %mul3A_111 : i32
        "tpu.region"() ({
          %run_scoped3A_120 = tpu.sem_alloc : memref<!tpu.dma_semaphore, #tpu.memory_space<semaphore_mem>>
          %dma_start3A = arith.constant 0 : i32
          %dma_start3A_121 = tpu.memref_slice %run_scoped3A_9[%dma_start3A] : memref<640xf32, #tpu.memory_space<vmem>> -> memref<624xf32, #tpu.memory_space<vmem>>
          %dma_start3A_122 = tpu.memref_slice %arg15[%mul3A_112] : memref<10000xf32, #tpu.memory_space<vmem_shared>> -> memref<624xf32, #tpu.memory_space<vmem_shared>>
          %dma_start3A_123 = arith.constant 0 : i32
          %dma_start3A_124 = tpu.memref_slice %run_scoped3A_9[%dma_start3A_123] : memref<640xf32, #tpu.memory_space<vmem>> -> memref<624xf32, #tpu.memory_space<vmem>>
          %dma_start3A_125 = tpu.memref_slice %arg15[%mul3A_112] : memref<10000xf32, #tpu.memory_space<vmem_shared>> -> memref<624xf32, #tpu.memory_space<vmem_shared>>
          tpu.enqueue_dma source(%dma_start3A_125 : memref<624xf32, #tpu.memory_space<vmem_shared>>) target(%dma_start3A_124 : memref<624xf32, #tpu.memory_space<vmem>>) target_semaphore(%run_scoped3A_120 : memref<!tpu.dma_semaphore, #tpu.memory_space<semaphore_mem>>)
          %dma_wait3A = arith.constant 0 : i32
          %dma_wait3A_126 = tpu.memref_slice %run_scoped3A_9[%dma_wait3A] : memref<640xf32, #tpu.memory_space<vmem>> -> memref<624xf32, #tpu.memory_space<vmem>>
          %dma_wait3A_127 = tpu.memref_slice %arg15[%mul3A_112] : memref<10000xf32, #tpu.memory_space<vmem_shared>> -> memref<624xf32, #tpu.memory_space<vmem_shared>>
          %dma_wait3A_128 = arith.constant 0 : i32
          %dma_wait3A_129 = tpu.memref_slice %run_scoped3A_9[%dma_wait3A_128] : memref<640xf32, #tpu.memory_space<vmem>> -> memref<624xf32, #tpu.memory_space<vmem>>
          %dma_wait3A_130 = tpu.memref_slice %arg15[%mul3A_112] : memref<10000xf32, #tpu.memory_space<vmem_shared>> -> memref<624xf32, #tpu.memory_space<vmem_shared>>
          tpu.wait_dma2 semaphore(%run_scoped3A_120 : memref<!tpu.dma_semaphore, #tpu.memory_space<semaphore_mem>>) src(%dma_wait3A_130 : memref<624xf32, #tpu.memory_space<vmem_shared>>) dst(%dma_wait3A_129 : memref<624xf32, #tpu.memory_space<vmem>>)
          tpu.yield
        }) : () -> ()
        %mul3A_113 = arith.constant 624 : i32
        %mul3A_114 = arith.muli %arg1, %mul3A_113 : i32
        "tpu.region"() ({
          %run_scoped3A_120 = tpu.sem_alloc : memref<!tpu.dma_semaphore, #tpu.memory_space<semaphore_mem>>
          %dma_start3A = arith.constant 0 : i32
          %dma_start3A_121 = tpu.memref_slice %run_scoped3A_9[%dma_start3A] : memref<640xf32, #tpu.memory_space<vmem>> -> memref<624xf32, #tpu.memory_space<vmem>>
          %dma_start3A_122 = tpu.memref_slice %arg11[%mul3A_114] : memref<10000xf32, #tpu.memory_space<hbm>> -> memref<624xf32, #tpu.memory_space<hbm>>
          %dma_start3A_123 = tpu.memref_slice %arg11[%mul3A_114] : memref<10000xf32, #tpu.memory_space<hbm>> -> memref<624xf32, #tpu.memory_space<hbm>>
          %dma_start3A_124 = arith.constant 0 : i32
          %dma_start3A_125 = tpu.memref_slice %run_scoped3A_9[%dma_start3A_124] : memref<640xf32, #tpu.memory_space<vmem>> -> memref<624xf32, #tpu.memory_space<vmem>>
          tpu.enqueue_dma source(%dma_start3A_125 : memref<624xf32, #tpu.memory_space<vmem>>) target(%dma_start3A_123 : memref<624xf32, #tpu.memory_space<hbm>>) target_semaphore(%run_scoped3A_120 : memref<!tpu.dma_semaphore, #tpu.memory_space<semaphore_mem>>)
          %dma_wait3A = arith.constant 0 : i32
          %dma_wait3A_126 = tpu.memref_slice %run_scoped3A_9[%dma_wait3A] : memref<640xf32, #tpu.memory_space<vmem>> -> memref<624xf32, #tpu.memory_space<vmem>>
          %dma_wait3A_127 = tpu.memref_slice %arg11[%mul3A_114] : memref<10000xf32, #tpu.memory_space<hbm>> -> memref<624xf32, #tpu.memory_space<hbm>>
          %dma_wait3A_128 = tpu.memref_slice %arg11[%mul3A_114] : memref<10000xf32, #tpu.memory_space<hbm>> -> memref<624xf32, #tpu.memory_space<hbm>>
          %dma_wait3A_129 = arith.constant 0 : i32
          %dma_wait3A_130 = tpu.memref_slice %run_scoped3A_9[%dma_wait3A_129] : memref<640xf32, #tpu.memory_space<vmem>> -> memref<624xf32, #tpu.memory_space<vmem>>
          tpu.wait_dma2 semaphore(%run_scoped3A_120 : memref<!tpu.dma_semaphore, #tpu.memory_space<semaphore_mem>>) src(%dma_wait3A_130 : memref<624xf32, #tpu.memory_space<vmem>>) dst(%dma_wait3A_128 : memref<624xf32, #tpu.memory_space<hbm>>)
          tpu.yield
        }) : () -> ()
        %eq3A_115 = arith.constant 15 : i32
        %eq3A_116 = arith.cmpi eq, %arg1, %eq3A_115 : i32
        %convert_element_type3A_117 = arith.extui %eq3A_116 : i1 to i32
        %cond3A_118 = arith.constant 0 : i32
        %cond3A_119 = arith.cmpi ne, %convert_element_type3A_117, %cond3A_118 : i32
        scf.if %cond3A_119 {
          "tpu.region"() ({
            %run_scoped3A_120 = tpu.sem_alloc : memref<!tpu.dma_semaphore, #tpu.memory_space<semaphore_mem>>
            %dma_start3A = arith.constant 0 : i32
            %dma_start3A_121 = arith.constant 0 : i32
            %dma_start3A_122 = tpu.memref_slice %run_scoped3A_7[%dma_start3A, %dma_start3A_121] : memref<160x128xf32, #tpu.memory_space<vmem>> -> memref<16x128xf32, #tpu.memory_space<vmem>>
            %dma_start3A_123 = arith.constant 9984 : i32
            %dma_start3A_124 = arith.constant 0 : i32
            %dma_start3A_125 = tpu.memref_slice %arg14[%dma_start3A_123, %dma_start3A_124] : memref<10000x128xf32, #tpu.memory_space<vmem_shared>> -> memref<16x128xf32, #tpu.memory_space<vmem_shared>>
            %dma_start3A_126 = arith.constant 0 : i32
            %dma_start3A_127 = arith.constant 0 : i32
            %dma_start3A_128 = tpu.memref_slice %run_scoped3A_7[%dma_start3A_126, %dma_start3A_127] : memref<160x128xf32, #tpu.memory_space<vmem>> -> memref<16x128xf32, #tpu.memory_space<vmem>>
            %dma_start3A_129 = arith.constant 9984 : i32
            %dma_start3A_130 = arith.constant 0 : i32
            %dma_start3A_131 = tpu.memref_slice %arg14[%dma_start3A_129, %dma_start3A_130] : memref<10000x128xf32, #tpu.memory_space<vmem_shared>> -> memref<16x128xf32, #tpu.memory_space<vmem_shared>>
            tpu.enqueue_dma source(%dma_start3A_131 : memref<16x128xf32, #tpu.memory_space<vmem_shared>>) target(%dma_start3A_128 : memref<16x128xf32, #tpu.memory_space<vmem>>) target_semaphore(%run_scoped3A_120 : memref<!tpu.dma_semaphore, #tpu.memory_space<semaphore_mem>>)
            %dma_wait3A = arith.constant 0 : i32
            %dma_wait3A_132 = arith.constant 0 : i32
            %dma_wait3A_133 = tpu.memref_slice %run_scoped3A_7[%dma_wait3A, %dma_wait3A_132] : memref<160x128xf32, #tpu.memory_space<vmem>> -> memref<16x128xf32, #tpu.memory_space<vmem>>
            %dma_wait3A_134 = arith.constant 9984 : i32
            %dma_wait3A_135 = arith.constant 0 : i32
            %dma_wait3A_136 = tpu.memref_slice %arg14[%dma_wait3A_134, %dma_wait3A_135] : memref<10000x128xf32, #tpu.memory_space<vmem_shared>> -> memref<16x128xf32, #tpu.memory_space<vmem_shared>>
            %dma_wait3A_137 = arith.constant 0 : i32
            %dma_wait3A_138 = arith.constant 0 : i32
            %dma_wait3A_139 = tpu.memref_slice %run_scoped3A_7[%dma_wait3A_137, %dma_wait3A_138] : memref<160x128xf32, #tpu.memory_space<vmem>> -> memref<16x128xf32, #tpu.memory_space<vmem>>
            %dma_wait3A_140 = arith.constant 9984 : i32
            %dma_wait3A_141 = arith.constant 0 : i32
            %dma_wait3A_142 = tpu.memref_slice %arg14[%dma_wait3A_140, %dma_wait3A_141] : memref<10000x128xf32, #tpu.memory_space<vmem_shared>> -> memref<16x128xf32, #tpu.memory_space<vmem_shared>>
            tpu.wait_dma2 semaphore(%run_scoped3A_120 : memref<!tpu.dma_semaphore, #tpu.memory_space<semaphore_mem>>) src(%dma_wait3A_142 : memref<16x128xf32, #tpu.memory_space<vmem_shared>>) dst(%dma_wait3A_139 : memref<16x128xf32, #tpu.memory_space<vmem>>)
            tpu.yield
          }) : () -> ()
          "tpu.region"() ({
            %run_scoped3A_120 = tpu.sem_alloc : memref<!tpu.dma_semaphore, #tpu.memory_space<semaphore_mem>>
            %dma_start3A = arith.constant 0 : i32
            %dma_start3A_121 = arith.constant 0 : i32
            %dma_start3A_122 = tpu.memref_slice %run_scoped3A_7[%dma_start3A, %dma_start3A_121] : memref<160x128xf32, #tpu.memory_space<vmem>> -> memref<16x128xf32, #tpu.memory_space<vmem>>
            %dma_start3A_123 = arith.constant 9984 : i32
            %dma_start3A_124 = arith.constant 0 : i32
            %dma_start3A_125 = tpu.memref_slice %arg9[%dma_start3A_123, %dma_start3A_124] : memref<10000x128xf32, #tpu.memory_space<hbm>> -> memref<16x128xf32, #tpu.memory_space<hbm>>
            %dma_start3A_126 = arith.constant 9984 : i32
            %dma_start3A_127 = arith.constant 0 : i32
            %dma_start3A_128 = tpu.memref_slice %arg9[%dma_start3A_126, %dma_start3A_127] : memref<10000x128xf32, #tpu.memory_space<hbm>> -> memref<16x128xf32, #tpu.memory_space<hbm>>
            %dma_start3A_129 = arith.constant 0 : i32
            %dma_start3A_130 = arith.constant 0 : i32
            %dma_start3A_131 = tpu.memref_slice %run_scoped3A_7[%dma_start3A_129, %dma_start3A_130] : memref<160x128xf32, #tpu.memory_space<vmem>> -> memref<16x128xf32, #tpu.memory_space<vmem>>
            tpu.enqueue_dma source(%dma_start3A_131 : memref<16x128xf32, #tpu.memory_space<vmem>>) target(%dma_start3A_128 : memref<16x128xf32, #tpu.memory_space<hbm>>) target_semaphore(%run_scoped3A_120 : memref<!tpu.dma_semaphore, #tpu.memory_space<semaphore_mem>>)
            %dma_wait3A = arith.constant 0 : i32
            %dma_wait3A_132 = arith.constant 0 : i32
            %dma_wait3A_133 = tpu.memref_slice %run_scoped3A_7[%dma_wait3A, %dma_wait3A_132] : memref<160x128xf32, #tpu.memory_space<vmem>> -> memref<16x128xf32, #tpu.memory_space<vmem>>
            %dma_wait3A_134 = arith.constant 9984 : i32
            %dma_wait3A_135 = arith.constant 0 : i32
            %dma_wait3A_136 = tpu.memref_slice %arg9[%dma_wait3A_134, %dma_wait3A_135] : memref<10000x128xf32, #tpu.memory_space<hbm>> -> memref<16x128xf32, #tpu.memory_space<hbm>>
            %dma_wait3A_137 = arith.constant 9984 : i32
            %dma_wait3A_138 = arith.constant 0 : i32
            %dma_wait3A_139 = tpu.memref_slice %arg9[%dma_wait3A_137, %dma_wait3A_138] : memref<10000x128xf32, #tpu.memory_space<hbm>> -> memref<16x128xf32, #tpu.memory_space<hbm>>
            %dma_wait3A_140 = arith.constant 0 : i32
            %dma_wait3A_141 = arith.constant 0 : i32
            %dma_wait3A_142 = tpu.memref_slice %run_scoped3A_7[%dma_wait3A_140, %dma_wait3A_141] : memref<160x128xf32, #tpu.memory_space<vmem>> -> memref<16x128xf32, #tpu.memory_space<vmem>>
            tpu.wait_dma2 semaphore(%run_scoped3A_120 : memref<!tpu.dma_semaphore, #tpu.memory_space<semaphore_mem>>) src(%dma_wait3A_142 : memref<16x128xf32, #tpu.memory_space<vmem>>) dst(%dma_wait3A_139 : memref<16x128xf32, #tpu.memory_space<hbm>>)
            tpu.yield
          }) : () -> ()
          "tpu.region"() ({
            %run_scoped3A_120 = tpu.sem_alloc : memref<!tpu.dma_semaphore, #tpu.memory_space<semaphore_mem>>
            %dma_start3A = arith.constant 0 : i32
            %dma_start3A_121 = tpu.memref_slice %run_scoped3A_9[%dma_start3A] : memref<640xf32, #tpu.memory_space<vmem>> -> memref<16xf32, #tpu.memory_space<vmem>>
            %dma_start3A_122 = arith.constant 9984 : i32
            %dma_start3A_123 = tpu.memref_slice %arg15[%dma_start3A_122] : memref<10000xf32, #tpu.memory_space<vmem_shared>> -> memref<16xf32, #tpu.memory_space<vmem_shared>>
            %dma_start3A_124 = arith.constant 0 : i32
            %dma_start3A_125 = tpu.memref_slice %run_scoped3A_9[%dma_start3A_124] : memref<640xf32, #tpu.memory_space<vmem>> -> memref<16xf32, #tpu.memory_space<vmem>>
            %dma_start3A_126 = arith.constant 9984 : i32
            %dma_start3A_127 = tpu.memref_slice %arg15[%dma_start3A_126] : memref<10000xf32, #tpu.memory_space<vmem_shared>> -> memref<16xf32, #tpu.memory_space<vmem_shared>>
            tpu.enqueue_dma source(%dma_start3A_127 : memref<16xf32, #tpu.memory_space<vmem_shared>>) target(%dma_start3A_125 : memref<16xf32, #tpu.memory_space<vmem>>) target_semaphore(%run_scoped3A_120 : memref<!tpu.dma_semaphore, #tpu.memory_space<semaphore_mem>>)
            %dma_wait3A = arith.constant 0 : i32
            %dma_wait3A_128 = tpu.memref_slice %run_scoped3A_9[%dma_wait3A] : memref<640xf32, #tpu.memory_space<vmem>> -> memref<16xf32, #tpu.memory_space<vmem>>
            %dma_wait3A_129 = arith.constant 9984 : i32
            %dma_wait3A_130 = tpu.memref_slice %arg15[%dma_wait3A_129] : memref<10000xf32, #tpu.memory_space<vmem_shared>> -> memref<16xf32, #tpu.memory_space<vmem_shared>>
            %dma_wait3A_131 = arith.constant 0 : i32
            %dma_wait3A_132 = tpu.memref_slice %run_scoped3A_9[%dma_wait3A_131] : memref<640xf32, #tpu.memory_space<vmem>> -> memref<16xf32, #tpu.memory_space<vmem>>
            %dma_wait3A_133 = arith.constant 9984 : i32
            %dma_wait3A_134 = tpu.memref_slice %arg15[%dma_wait3A_133] : memref<10000xf32, #tpu.memory_space<vmem_shared>> -> memref<16xf32, #tpu.memory_space<vmem_shared>>
            tpu.wait_dma2 semaphore(%run_scoped3A_120 : memref<!tpu.dma_semaphore, #tpu.memory_space<semaphore_mem>>) src(%dma_wait3A_134 : memref<16xf32, #tpu.memory_space<vmem_shared>>) dst(%dma_wait3A_132 : memref<16xf32, #tpu.memory_space<vmem>>)
            tpu.yield
          }) : () -> ()
          "tpu.region"() ({
            %run_scoped3A_120 = tpu.sem_alloc : memref<!tpu.dma_semaphore, #tpu.memory_space<semaphore_mem>>
            %dma_start3A = arith.constant 0 : i32
            %dma_start3A_121 = tpu.memref_slice %run_scoped3A_9[%dma_start3A] : memref<640xf32, #tpu.memory_space<vmem>> -> memref<16xf32, #tpu.memory_space<vmem>>
            %dma_start3A_122 = arith.constant 9984 : i32
            %dma_start3A_123 = tpu.memref_slice %arg11[%dma_start3A_122] : memref<10000xf32, #tpu.memory_space<hbm>> -> memref<16xf32, #tpu.memory_space<hbm>>
            %dma_start3A_124 = arith.constant 9984 : i32
            %dma_start3A_125 = tpu.memref_slice %arg11[%dma_start3A_124] : memref<10000xf32, #tpu.memory_space<hbm>> -> memref<16xf32, #tpu.memory_space<hbm>>
            %dma_start3A_126 = arith.constant 0 : i32
            %dma_start3A_127 = tpu.memref_slice %run_scoped3A_9[%dma_start3A_126] : memref<640xf32, #tpu.memory_space<vmem>> -> memref<16xf32, #tpu.memory_space<vmem>>
            tpu.enqueue_dma source(%dma_start3A_127 : memref<16xf32, #tpu.memory_space<vmem>>) target(%dma_start3A_125 : memref<16xf32, #tpu.memory_space<hbm>>) target_semaphore(%run_scoped3A_120 : memref<!tpu.dma_semaphore, #tpu.memory_space<semaphore_mem>>)
            %dma_wait3A = arith.constant 0 : i32
            %dma_wait3A_128 = tpu.memref_slice %run_scoped3A_9[%dma_wait3A] : memref<640xf32, #tpu.memory_space<vmem>> -> memref<16xf32, #tpu.memory_space<vmem>>
            %dma_wait3A_129 = arith.constant 9984 : i32
            %dma_wait3A_130 = tpu.memref_slice %arg11[%dma_wait3A_129] : memref<10000xf32, #tpu.memory_space<hbm>> -> memref<16xf32, #tpu.memory_space<hbm>>
            %dma_wait3A_131 = arith.constant 9984 : i32
            %dma_wait3A_132 = tpu.memref_slice %arg11[%dma_wait3A_131] : memref<10000xf32, #tpu.memory_space<hbm>> -> memref<16xf32, #tpu.memory_space<hbm>>
            %dma_wait3A_133 = arith.constant 0 : i32
            %dma_wait3A_134 = tpu.memref_slice %run_scoped3A_9[%dma_wait3A_133] : memref<640xf32, #tpu.memory_space<vmem>> -> memref<16xf32, #tpu.memory_space<vmem>>
            tpu.wait_dma2 semaphore(%run_scoped3A_120 : memref<!tpu.dma_semaphore, #tpu.memory_space<semaphore_mem>>) src(%dma_wait3A_134 : memref<16xf32, #tpu.memory_space<vmem>>) dst(%dma_wait3A_132 : memref<16xf32, #tpu.memory_space<hbm>>)
            tpu.yield
          }) : () -> ()
        } else {
        }
      } else {
      }
      %eq3A_90 = arith.constant 1 : i32
      %eq3A_91 = arith.cmpi eq, %arg0, %eq3A_90 : i32
      %convert_element_type3A_92 = arith.extui %eq3A_91 : i1 to i32
      %cond3A_93 = arith.constant 0 : i32
      %cond3A_94 = arith.cmpi ne, %convert_element_type3A_92, %cond3A_93 : i32
      scf.if %cond3A_94 {
        %mul3A_95 = arith.constant 624 : i32
        %mul3A_96 = arith.muli %arg1, %mul3A_95 : i32
        %add3A_97 = arith.constant 0 : i32
        %add3A_98 = arith.addi %mul3A_96, %add3A_97 : i32
        "tpu.region"() ({
          %run_scoped3A_120 = tpu.sem_alloc : memref<!tpu.dma_semaphore, #tpu.memory_space<semaphore_mem>>
          %dma_start3A = arith.constant 0 : i32
          %dma_start3A_121 = arith.constant 0 : i32
          %dma_start3A_122 = tpu.memref_slice %run_scoped3A_7[%dma_start3A, %dma_start3A_121] : memref<160x128xf32, #tpu.memory_space<vmem>> -> memref<160x128xf32, #tpu.memory_space<vmem>>
          %dma_start3A_123 = arith.constant 0 : i32
          %dma_start3A_124 = tpu.memref_slice %arg14[%add3A_98, %dma_start3A_123] : memref<10000x128xf32, #tpu.memory_space<vmem_shared>> -> memref<160x128xf32, #tpu.memory_space<vmem_shared>>
          %dma_start3A_125 = arith.constant 0 : i32
          %dma_start3A_126 = arith.constant 0 : i32
          %dma_start3A_127 = tpu.memref_slice %run_scoped3A_7[%dma_start3A_125, %dma_start3A_126] : memref<160x128xf32, #tpu.memory_space<vmem>> -> memref<160x128xf32, #tpu.memory_space<vmem>>
          %dma_start3A_128 = arith.constant 0 : i32
          %dma_start3A_129 = tpu.memref_slice %arg14[%add3A_98, %dma_start3A_128] : memref<10000x128xf32, #tpu.memory_space<vmem_shared>> -> memref<160x128xf32, #tpu.memory_space<vmem_shared>>
          tpu.enqueue_dma source(%dma_start3A_129 : memref<160x128xf32, #tpu.memory_space<vmem_shared>>) target(%dma_start3A_127 : memref<160x128xf32, #tpu.memory_space<vmem>>) target_semaphore(%run_scoped3A_120 : memref<!tpu.dma_semaphore, #tpu.memory_space<semaphore_mem>>)
          %dma_wait3A = arith.constant 0 : i32
          %dma_wait3A_130 = arith.constant 0 : i32
          %dma_wait3A_131 = tpu.memref_slice %run_scoped3A_7[%dma_wait3A, %dma_wait3A_130] : memref<160x128xf32, #tpu.memory_space<vmem>> -> memref<160x128xf32, #tpu.memory_space<vmem>>
          %dma_wait3A_132 = arith.constant 0 : i32
          %dma_wait3A_133 = tpu.memref_slice %arg14[%add3A_98, %dma_wait3A_132] : memref<10000x128xf32, #tpu.memory_space<vmem_shared>> -> memref<160x128xf32, #tpu.memory_space<vmem_shared>>
          %dma_wait3A_134 = arith.constant 0 : i32
          %dma_wait3A_135 = arith.constant 0 : i32
          %dma_wait3A_136 = tpu.memref_slice %run_scoped3A_7[%dma_wait3A_134, %dma_wait3A_135] : memref<160x128xf32, #tpu.memory_space<vmem>> -> memref<160x128xf32, #tpu.memory_space<vmem>>
          %dma_wait3A_137 = arith.constant 0 : i32
          %dma_wait3A_138 = tpu.memref_slice %arg14[%add3A_98, %dma_wait3A_137] : memref<10000x128xf32, #tpu.memory_space<vmem_shared>> -> memref<160x128xf32, #tpu.memory_space<vmem_shared>>
          tpu.wait_dma2 semaphore(%run_scoped3A_120 : memref<!tpu.dma_semaphore, #tpu.memory_space<semaphore_mem>>) src(%dma_wait3A_138 : memref<160x128xf32, #tpu.memory_space<vmem_shared>>) dst(%dma_wait3A_136 : memref<160x128xf32, #tpu.memory_space<vmem>>)
          tpu.yield
        }) : () -> ()
        "tpu.region"() ({
          %run_scoped3A_120 = tpu.sem_alloc : memref<!tpu.dma_semaphore, #tpu.memory_space<semaphore_mem>>
          %dma_start3A = arith.constant 0 : i32
          %dma_start3A_121 = arith.constant 0 : i32
          %dma_start3A_122 = tpu.memref_slice %run_scoped3A_7[%dma_start3A, %dma_start3A_121] : memref<160x128xf32, #tpu.memory_space<vmem>> -> memref<160x128xf32, #tpu.memory_space<vmem>>
          %dma_start3A_123 = arith.constant 0 : i32
          %dma_start3A_124 = tpu.memref_slice %arg10[%add3A_98, %dma_start3A_123] : memref<10000x128xf32, #tpu.memory_space<hbm>> -> memref<160x128xf32, #tpu.memory_space<hbm>>
          %dma_start3A_125 = arith.constant 0 : i32
          %dma_start3A_126 = tpu.memref_slice %arg10[%add3A_98, %dma_start3A_125] : memref<10000x128xf32, #tpu.memory_space<hbm>> -> memref<160x128xf32, #tpu.memory_space<hbm>>
          %dma_start3A_127 = arith.constant 0 : i32
          %dma_start3A_128 = arith.constant 0 : i32
          %dma_start3A_129 = tpu.memref_slice %run_scoped3A_7[%dma_start3A_127, %dma_start3A_128] : memref<160x128xf32, #tpu.memory_space<vmem>> -> memref<160x128xf32, #tpu.memory_space<vmem>>
          tpu.enqueue_dma source(%dma_start3A_129 : memref<160x128xf32, #tpu.memory_space<vmem>>) target(%dma_start3A_126 : memref<160x128xf32, #tpu.memory_space<hbm>>) target_semaphore(%run_scoped3A_120 : memref<!tpu.dma_semaphore, #tpu.memory_space<semaphore_mem>>)
          %dma_wait3A = arith.constant 0 : i32
          %dma_wait3A_130 = arith.constant 0 : i32
          %dma_wait3A_131 = tpu.memref_slice %run_scoped3A_7[%dma_wait3A, %dma_wait3A_130] : memref<160x128xf32, #tpu.memory_space<vmem>> -> memref<160x128xf32, #tpu.memory_space<vmem>>
          %dma_wait3A_132 = arith.constant 0 : i32
          %dma_wait3A_133 = tpu.memref_slice %arg10[%add3A_98, %dma_wait3A_132] : memref<10000x128xf32, #tpu.memory_space<hbm>> -> memref<160x128xf32, #tpu.memory_space<hbm>>
          %dma_wait3A_134 = arith.constant 0 : i32
          %dma_wait3A_135 = tpu.memref_slice %arg10[%add3A_98, %dma_wait3A_134] : memref<10000x128xf32, #tpu.memory_space<hbm>> -> memref<160x128xf32, #tpu.memory_space<hbm>>
          %dma_wait3A_136 = arith.constant 0 : i32
          %dma_wait3A_137 = arith.constant 0 : i32
          %dma_wait3A_138 = tpu.memref_slice %run_scoped3A_7[%dma_wait3A_136, %dma_wait3A_137] : memref<160x128xf32, #tpu.memory_space<vmem>> -> memref<160x128xf32, #tpu.memory_space<vmem>>
          tpu.wait_dma2 semaphore(%run_scoped3A_120 : memref<!tpu.dma_semaphore, #tpu.memory_space<semaphore_mem>>) src(%dma_wait3A_138 : memref<160x128xf32, #tpu.memory_space<vmem>>) dst(%dma_wait3A_135 : memref<160x128xf32, #tpu.memory_space<hbm>>)
          tpu.yield
        }) : () -> ()
        %mul3A_99 = arith.constant 624 : i32
        %mul3A_100 = arith.muli %arg1, %mul3A_99 : i32
        %add3A_101 = arith.constant 160 : i32
        %add3A_102 = arith.addi %mul3A_100, %add3A_101 : i32
        "tpu.region"() ({
          %run_scoped3A_120 = tpu.sem_alloc : memref<!tpu.dma_semaphore, #tpu.memory_space<semaphore_mem>>
          %dma_start3A = arith.constant 0 : i32
          %dma_start3A_121 = arith.constant 0 : i32
          %dma_start3A_122 = tpu.memref_slice %run_scoped3A_7[%dma_start3A, %dma_start3A_121] : memref<160x128xf32, #tpu.memory_space<vmem>> -> memref<160x128xf32, #tpu.memory_space<vmem>>
          %dma_start3A_123 = arith.constant 0 : i32
          %dma_start3A_124 = tpu.memref_slice %arg14[%add3A_102, %dma_start3A_123] : memref<10000x128xf32, #tpu.memory_space<vmem_shared>> -> memref<160x128xf32, #tpu.memory_space<vmem_shared>>
          %dma_start3A_125 = arith.constant 0 : i32
          %dma_start3A_126 = arith.constant 0 : i32
          %dma_start3A_127 = tpu.memref_slice %run_scoped3A_7[%dma_start3A_125, %dma_start3A_126] : memref<160x128xf32, #tpu.memory_space<vmem>> -> memref<160x128xf32, #tpu.memory_space<vmem>>
          %dma_start3A_128 = arith.constant 0 : i32
          %dma_start3A_129 = tpu.memref_slice %arg14[%add3A_102, %dma_start3A_128] : memref<10000x128xf32, #tpu.memory_space<vmem_shared>> -> memref<160x128xf32, #tpu.memory_space<vmem_shared>>
          tpu.enqueue_dma source(%dma_start3A_129 : memref<160x128xf32, #tpu.memory_space<vmem_shared>>) target(%dma_start3A_127 : memref<160x128xf32, #tpu.memory_space<vmem>>) target_semaphore(%run_scoped3A_120 : memref<!tpu.dma_semaphore, #tpu.memory_space<semaphore_mem>>)
          %dma_wait3A = arith.constant 0 : i32
          %dma_wait3A_130 = arith.constant 0 : i32
          %dma_wait3A_131 = tpu.memref_slice %run_scoped3A_7[%dma_wait3A, %dma_wait3A_130] : memref<160x128xf32, #tpu.memory_space<vmem>> -> memref<160x128xf32, #tpu.memory_space<vmem>>
          %dma_wait3A_132 = arith.constant 0 : i32
          %dma_wait3A_133 = tpu.memref_slice %arg14[%add3A_102, %dma_wait3A_132] : memref<10000x128xf32, #tpu.memory_space<vmem_shared>> -> memref<160x128xf32, #tpu.memory_space<vmem_shared>>
          %dma_wait3A_134 = arith.constant 0 : i32
          %dma_wait3A_135 = arith.constant 0 : i32
          %dma_wait3A_136 = tpu.memref_slice %run_scoped3A_7[%dma_wait3A_134, %dma_wait3A_135] : memref<160x128xf32, #tpu.memory_space<vmem>> -> memref<160x128xf32, #tpu.memory_space<vmem>>
          %dma_wait3A_137 = arith.constant 0 : i32
          %dma_wait3A_138 = tpu.memref_slice %arg14[%add3A_102, %dma_wait3A_137] : memref<10000x128xf32, #tpu.memory_space<vmem_shared>> -> memref<160x128xf32, #tpu.memory_space<vmem_shared>>
          tpu.wait_dma2 semaphore(%run_scoped3A_120 : memref<!tpu.dma_semaphore, #tpu.memory_space<semaphore_mem>>) src(%dma_wait3A_138 : memref<160x128xf32, #tpu.memory_space<vmem_shared>>) dst(%dma_wait3A_136 : memref<160x128xf32, #tpu.memory_space<vmem>>)
          tpu.yield
        }) : () -> ()
        "tpu.region"() ({
          %run_scoped3A_120 = tpu.sem_alloc : memref<!tpu.dma_semaphore, #tpu.memory_space<semaphore_mem>>
          %dma_start3A = arith.constant 0 : i32
          %dma_start3A_121 = arith.constant 0 : i32
          %dma_start3A_122 = tpu.memref_slice %run_scoped3A_7[%dma_start3A, %dma_start3A_121] : memref<160x128xf32, #tpu.memory_space<vmem>> -> memref<160x128xf32, #tpu.memory_space<vmem>>
          %dma_start3A_123 = arith.constant 0 : i32
          %dma_start3A_124 = tpu.memref_slice %arg10[%add3A_102, %dma_start3A_123] : memref<10000x128xf32, #tpu.memory_space<hbm>> -> memref<160x128xf32, #tpu.memory_space<hbm>>
          %dma_start3A_125 = arith.constant 0 : i32
          %dma_start3A_126 = tpu.memref_slice %arg10[%add3A_102, %dma_start3A_125] : memref<10000x128xf32, #tpu.memory_space<hbm>> -> memref<160x128xf32, #tpu.memory_space<hbm>>
          %dma_start3A_127 = arith.constant 0 : i32
          %dma_start3A_128 = arith.constant 0 : i32
          %dma_start3A_129 = tpu.memref_slice %run_scoped3A_7[%dma_start3A_127, %dma_start3A_128] : memref<160x128xf32, #tpu.memory_space<vmem>> -> memref<160x128xf32, #tpu.memory_space<vmem>>
          tpu.enqueue_dma source(%dma_start3A_129 : memref<160x128xf32, #tpu.memory_space<vmem>>) target(%dma_start3A_126 : memref<160x128xf32, #tpu.memory_space<hbm>>) target_semaphore(%run_scoped3A_120 : memref<!tpu.dma_semaphore, #tpu.memory_space<semaphore_mem>>)
          %dma_wait3A = arith.constant 0 : i32
          %dma_wait3A_130 = arith.constant 0 : i32
          %dma_wait3A_131 = tpu.memref_slice %run_scoped3A_7[%dma_wait3A, %dma_wait3A_130] : memref<160x128xf32, #tpu.memory_space<vmem>> -> memref<160x128xf32, #tpu.memory_space<vmem>>
          %dma_wait3A_132 = arith.constant 0 : i32
          %dma_wait3A_133 = tpu.memref_slice %arg10[%add3A_102, %dma_wait3A_132] : memref<10000x128xf32, #tpu.memory_space<hbm>> -> memref<160x128xf32, #tpu.memory_space<hbm>>
          %dma_wait3A_134 = arith.constant 0 : i32
          %dma_wait3A_135 = tpu.memref_slice %arg10[%add3A_102, %dma_wait3A_134] : memref<10000x128xf32, #tpu.memory_space<hbm>> -> memref<160x128xf32, #tpu.memory_space<hbm>>
          %dma_wait3A_136 = arith.constant 0 : i32
          %dma_wait3A_137 = arith.constant 0 : i32
          %dma_wait3A_138 = tpu.memref_slice %run_scoped3A_7[%dma_wait3A_136, %dma_wait3A_137] : memref<160x128xf32, #tpu.memory_space<vmem>> -> memref<160x128xf32, #tpu.memory_space<vmem>>
          tpu.wait_dma2 semaphore(%run_scoped3A_120 : memref<!tpu.dma_semaphore, #tpu.memory_space<semaphore_mem>>) src(%dma_wait3A_138 : memref<160x128xf32, #tpu.memory_space<vmem>>) dst(%dma_wait3A_135 : memref<160x128xf32, #tpu.memory_space<hbm>>)
          tpu.yield
        }) : () -> ()
        %mul3A_103 = arith.constant 624 : i32
        %mul3A_104 = arith.muli %arg1, %mul3A_103 : i32
        %add3A_105 = arith.constant 320 : i32
        %add3A_106 = arith.addi %mul3A_104, %add3A_105 : i32
        "tpu.region"() ({
          %run_scoped3A_120 = tpu.sem_alloc : memref<!tpu.dma_semaphore, #tpu.memory_space<semaphore_mem>>
          %dma_start3A = arith.constant 0 : i32
          %dma_start3A_121 = arith.constant 0 : i32
          %dma_start3A_122 = tpu.memref_slice %run_scoped3A_7[%dma_start3A, %dma_start3A_121] : memref<160x128xf32, #tpu.memory_space<vmem>> -> memref<160x128xf32, #tpu.memory_space<vmem>>
          %dma_start3A_123 = arith.constant 0 : i32
          %dma_start3A_124 = tpu.memref_slice %arg14[%add3A_106, %dma_start3A_123] : memref<10000x128xf32, #tpu.memory_space<vmem_shared>> -> memref<160x128xf32, #tpu.memory_space<vmem_shared>>
          %dma_start3A_125 = arith.constant 0 : i32
          %dma_start3A_126 = arith.constant 0 : i32
          %dma_start3A_127 = tpu.memref_slice %run_scoped3A_7[%dma_start3A_125, %dma_start3A_126] : memref<160x128xf32, #tpu.memory_space<vmem>> -> memref<160x128xf32, #tpu.memory_space<vmem>>
          %dma_start3A_128 = arith.constant 0 : i32
          %dma_start3A_129 = tpu.memref_slice %arg14[%add3A_106, %dma_start3A_128] : memref<10000x128xf32, #tpu.memory_space<vmem_shared>> -> memref<160x128xf32, #tpu.memory_space<vmem_shared>>
          tpu.enqueue_dma source(%dma_start3A_129 : memref<160x128xf32, #tpu.memory_space<vmem_shared>>) target(%dma_start3A_127 : memref<160x128xf32, #tpu.memory_space<vmem>>) target_semaphore(%run_scoped3A_120 : memref<!tpu.dma_semaphore, #tpu.memory_space<semaphore_mem>>)
          %dma_wait3A = arith.constant 0 : i32
          %dma_wait3A_130 = arith.constant 0 : i32
          %dma_wait3A_131 = tpu.memref_slice %run_scoped3A_7[%dma_wait3A, %dma_wait3A_130] : memref<160x128xf32, #tpu.memory_space<vmem>> -> memref<160x128xf32, #tpu.memory_space<vmem>>
          %dma_wait3A_132 = arith.constant 0 : i32
          %dma_wait3A_133 = tpu.memref_slice %arg14[%add3A_106, %dma_wait3A_132] : memref<10000x128xf32, #tpu.memory_space<vmem_shared>> -> memref<160x128xf32, #tpu.memory_space<vmem_shared>>
          %dma_wait3A_134 = arith.constant 0 : i32
          %dma_wait3A_135 = arith.constant 0 : i32
          %dma_wait3A_136 = tpu.memref_slice %run_scoped3A_7[%dma_wait3A_134, %dma_wait3A_135] : memref<160x128xf32, #tpu.memory_space<vmem>> -> memref<160x128xf32, #tpu.memory_space<vmem>>
          %dma_wait3A_137 = arith.constant 0 : i32
          %dma_wait3A_138 = tpu.memref_slice %arg14[%add3A_106, %dma_wait3A_137] : memref<10000x128xf32, #tpu.memory_space<vmem_shared>> -> memref<160x128xf32, #tpu.memory_space<vmem_shared>>
          tpu.wait_dma2 semaphore(%run_scoped3A_120 : memref<!tpu.dma_semaphore, #tpu.memory_space<semaphore_mem>>) src(%dma_wait3A_138 : memref<160x128xf32, #tpu.memory_space<vmem_shared>>) dst(%dma_wait3A_136 : memref<160x128xf32, #tpu.memory_space<vmem>>)
          tpu.yield
        }) : () -> ()
        "tpu.region"() ({
          %run_scoped3A_120 = tpu.sem_alloc : memref<!tpu.dma_semaphore, #tpu.memory_space<semaphore_mem>>
          %dma_start3A = arith.constant 0 : i32
          %dma_start3A_121 = arith.constant 0 : i32
          %dma_start3A_122 = tpu.memref_slice %run_scoped3A_7[%dma_start3A, %dma_start3A_121] : memref<160x128xf32, #tpu.memory_space<vmem>> -> memref<160x128xf32, #tpu.memory_space<vmem>>
          %dma_start3A_123 = arith.constant 0 : i32
          %dma_start3A_124 = tpu.memref_slice %arg10[%add3A_106, %dma_start3A_123] : memref<10000x128xf32, #tpu.memory_space<hbm>> -> memref<160x128xf32, #tpu.memory_space<hbm>>
          %dma_start3A_125 = arith.constant 0 : i32
          %dma_start3A_126 = tpu.memref_slice %arg10[%add3A_106, %dma_start3A_125] : memref<10000x128xf32, #tpu.memory_space<hbm>> -> memref<160x128xf32, #tpu.memory_space<hbm>>
          %dma_start3A_127 = arith.constant 0 : i32
          %dma_start3A_128 = arith.constant 0 : i32
          %dma_start3A_129 = tpu.memref_slice %run_scoped3A_7[%dma_start3A_127, %dma_start3A_128] : memref<160x128xf32, #tpu.memory_space<vmem>> -> memref<160x128xf32, #tpu.memory_space<vmem>>
          tpu.enqueue_dma source(%dma_start3A_129 : memref<160x128xf32, #tpu.memory_space<vmem>>) target(%dma_start3A_126 : memref<160x128xf32, #tpu.memory_space<hbm>>) target_semaphore(%run_scoped3A_120 : memref<!tpu.dma_semaphore, #tpu.memory_space<semaphore_mem>>)
          %dma_wait3A = arith.constant 0 : i32
          %dma_wait3A_130 = arith.constant 0 : i32
          %dma_wait3A_131 = tpu.memref_slice %run_scoped3A_7[%dma_wait3A, %dma_wait3A_130] : memref<160x128xf32, #tpu.memory_space<vmem>> -> memref<160x128xf32, #tpu.memory_space<vmem>>
          %dma_wait3A_132 = arith.constant 0 : i32
          %dma_wait3A_133 = tpu.memref_slice %arg10[%add3A_106, %dma_wait3A_132] : memref<10000x128xf32, #tpu.memory_space<hbm>> -> memref<160x128xf32, #tpu.memory_space<hbm>>
          %dma_wait3A_134 = arith.constant 0 : i32
          %dma_wait3A_135 = tpu.memref_slice %arg10[%add3A_106, %dma_wait3A_134] : memref<10000x128xf32, #tpu.memory_space<hbm>> -> memref<160x128xf32, #tpu.memory_space<hbm>>
          %dma_wait3A_136 = arith.constant 0 : i32
          %dma_wait3A_137 = arith.constant 0 : i32
          %dma_wait3A_138 = tpu.memref_slice %run_scoped3A_7[%dma_wait3A_136, %dma_wait3A_137] : memref<160x128xf32, #tpu.memory_space<vmem>> -> memref<160x128xf32, #tpu.memory_space<vmem>>
          tpu.wait_dma2 semaphore(%run_scoped3A_120 : memref<!tpu.dma_semaphore, #tpu.memory_space<semaphore_mem>>) src(%dma_wait3A_138 : memref<160x128xf32, #tpu.memory_space<vmem>>) dst(%dma_wait3A_135 : memref<160x128xf32, #tpu.memory_space<hbm>>)
          tpu.yield
        }) : () -> ()
        %mul3A_107 = arith.constant 624 : i32
        %mul3A_108 = arith.muli %arg1, %mul3A_107 : i32
        %add3A_109 = arith.constant 480 : i32
        %add3A_110 = arith.addi %mul3A_108, %add3A_109 : i32
        "tpu.region"() ({
          %run_scoped3A_120 = tpu.sem_alloc : memref<!tpu.dma_semaphore, #tpu.memory_space<semaphore_mem>>
          %dma_start3A = arith.constant 0 : i32
          %dma_start3A_121 = arith.constant 0 : i32
          %dma_start3A_122 = tpu.memref_slice %run_scoped3A_7[%dma_start3A, %dma_start3A_121] : memref<160x128xf32, #tpu.memory_space<vmem>> -> memref<144x128xf32, #tpu.memory_space<vmem>>
          %dma_start3A_123 = arith.constant 0 : i32
          %dma_start3A_124 = tpu.memref_slice %arg14[%add3A_110, %dma_start3A_123] : memref<10000x128xf32, #tpu.memory_space<vmem_shared>> -> memref<144x128xf32, #tpu.memory_space<vmem_shared>>
          %dma_start3A_125 = arith.constant 0 : i32
          %dma_start3A_126 = arith.constant 0 : i32
          %dma_start3A_127 = tpu.memref_slice %run_scoped3A_7[%dma_start3A_125, %dma_start3A_126] : memref<160x128xf32, #tpu.memory_space<vmem>> -> memref<144x128xf32, #tpu.memory_space<vmem>>
          %dma_start3A_128 = arith.constant 0 : i32
          %dma_start3A_129 = tpu.memref_slice %arg14[%add3A_110, %dma_start3A_128] : memref<10000x128xf32, #tpu.memory_space<vmem_shared>> -> memref<144x128xf32, #tpu.memory_space<vmem_shared>>
          tpu.enqueue_dma source(%dma_start3A_129 : memref<144x128xf32, #tpu.memory_space<vmem_shared>>) target(%dma_start3A_127 : memref<144x128xf32, #tpu.memory_space<vmem>>) target_semaphore(%run_scoped3A_120 : memref<!tpu.dma_semaphore, #tpu.memory_space<semaphore_mem>>)
          %dma_wait3A = arith.constant 0 : i32
          %dma_wait3A_130 = arith.constant 0 : i32
          %dma_wait3A_131 = tpu.memref_slice %run_scoped3A_7[%dma_wait3A, %dma_wait3A_130] : memref<160x128xf32, #tpu.memory_space<vmem>> -> memref<144x128xf32, #tpu.memory_space<vmem>>
          %dma_wait3A_132 = arith.constant 0 : i32
          %dma_wait3A_133 = tpu.memref_slice %arg14[%add3A_110, %dma_wait3A_132] : memref<10000x128xf32, #tpu.memory_space<vmem_shared>> -> memref<144x128xf32, #tpu.memory_space<vmem_shared>>
          %dma_wait3A_134 = arith.constant 0 : i32
          %dma_wait3A_135 = arith.constant 0 : i32
          %dma_wait3A_136 = tpu.memref_slice %run_scoped3A_7[%dma_wait3A_134, %dma_wait3A_135] : memref<160x128xf32, #tpu.memory_space<vmem>> -> memref<144x128xf32, #tpu.memory_space<vmem>>
          %dma_wait3A_137 = arith.constant 0 : i32
          %dma_wait3A_138 = tpu.memref_slice %arg14[%add3A_110, %dma_wait3A_137] : memref<10000x128xf32, #tpu.memory_space<vmem_shared>> -> memref<144x128xf32, #tpu.memory_space<vmem_shared>>
          tpu.wait_dma2 semaphore(%run_scoped3A_120 : memref<!tpu.dma_semaphore, #tpu.memory_space<semaphore_mem>>) src(%dma_wait3A_138 : memref<144x128xf32, #tpu.memory_space<vmem_shared>>) dst(%dma_wait3A_136 : memref<144x128xf32, #tpu.memory_space<vmem>>)
          tpu.yield
        }) : () -> ()
        "tpu.region"() ({
          %run_scoped3A_120 = tpu.sem_alloc : memref<!tpu.dma_semaphore, #tpu.memory_space<semaphore_mem>>
          %dma_start3A = arith.constant 0 : i32
          %dma_start3A_121 = arith.constant 0 : i32
          %dma_start3A_122 = tpu.memref_slice %run_scoped3A_7[%dma_start3A, %dma_start3A_121] : memref<160x128xf32, #tpu.memory_space<vmem>> -> memref<144x128xf32, #tpu.memory_space<vmem>>
          %dma_start3A_123 = arith.constant 0 : i32
          %dma_start3A_124 = tpu.memref_slice %arg10[%add3A_110, %dma_start3A_123] : memref<10000x128xf32, #tpu.memory_space<hbm>> -> memref<144x128xf32, #tpu.memory_space<hbm>>
          %dma_start3A_125 = arith.constant 0 : i32
          %dma_start3A_126 = tpu.memref_slice %arg10[%add3A_110, %dma_start3A_125] : memref<10000x128xf32, #tpu.memory_space<hbm>> -> memref<144x128xf32, #tpu.memory_space<hbm>>
          %dma_start3A_127 = arith.constant 0 : i32
          %dma_start3A_128 = arith.constant 0 : i32
          %dma_start3A_129 = tpu.memref_slice %run_scoped3A_7[%dma_start3A_127, %dma_start3A_128] : memref<160x128xf32, #tpu.memory_space<vmem>> -> memref<144x128xf32, #tpu.memory_space<vmem>>
          tpu.enqueue_dma source(%dma_start3A_129 : memref<144x128xf32, #tpu.memory_space<vmem>>) target(%dma_start3A_126 : memref<144x128xf32, #tpu.memory_space<hbm>>) target_semaphore(%run_scoped3A_120 : memref<!tpu.dma_semaphore, #tpu.memory_space<semaphore_mem>>)
          %dma_wait3A = arith.constant 0 : i32
          %dma_wait3A_130 = arith.constant 0 : i32
          %dma_wait3A_131 = tpu.memref_slice %run_scoped3A_7[%dma_wait3A, %dma_wait3A_130] : memref<160x128xf32, #tpu.memory_space<vmem>> -> memref<144x128xf32, #tpu.memory_space<vmem>>
          %dma_wait3A_132 = arith.constant 0 : i32
          %dma_wait3A_133 = tpu.memref_slice %arg10[%add3A_110, %dma_wait3A_132] : memref<10000x128xf32, #tpu.memory_space<hbm>> -> memref<144x128xf32, #tpu.memory_space<hbm>>
          %dma_wait3A_134 = arith.constant 0 : i32
          %dma_wait3A_135 = tpu.memref_slice %arg10[%add3A_110, %dma_wait3A_134] : memref<10000x128xf32, #tpu.memory_space<hbm>> -> memref<144x128xf32, #tpu.memory_space<hbm>>
          %dma_wait3A_136 = arith.constant 0 : i32
          %dma_wait3A_137 = arith.constant 0 : i32
          %dma_wait3A_138 = tpu.memref_slice %run_scoped3A_7[%dma_wait3A_136, %dma_wait3A_137] : memref<160x128xf32, #tpu.memory_space<vmem>> -> memref<144x128xf32, #tpu.memory_space<vmem>>
          tpu.wait_dma2 semaphore(%run_scoped3A_120 : memref<!tpu.dma_semaphore, #tpu.memory_space<semaphore_mem>>) src(%dma_wait3A_138 : memref<144x128xf32, #tpu.memory_space<vmem>>) dst(%dma_wait3A_135 : memref<144x128xf32, #tpu.memory_space<hbm>>)
          tpu.yield
        }) : () -> ()
        %mul3A_111 = arith.constant 624 : i32
        %mul3A_112 = arith.muli %arg1, %mul3A_111 : i32
        "tpu.region"() ({
          %run_scoped3A_120 = tpu.sem_alloc : memref<!tpu.dma_semaphore, #tpu.memory_space<semaphore_mem>>
          %dma_start3A = arith.constant 0 : i32
          %dma_start3A_121 = tpu.memref_slice %run_scoped3A_9[%dma_start3A] : memref<640xf32, #tpu.memory_space<vmem>> -> memref<624xf32, #tpu.memory_space<vmem>>
          %dma_start3A_122 = tpu.memref_slice %arg15[%mul3A_112] : memref<10000xf32, #tpu.memory_space<vmem_shared>> -> memref<624xf32, #tpu.memory_space<vmem_shared>>
          %dma_start3A_123 = arith.constant 0 : i32
          %dma_start3A_124 = tpu.memref_slice %run_scoped3A_9[%dma_start3A_123] : memref<640xf32, #tpu.memory_space<vmem>> -> memref<624xf32, #tpu.memory_space<vmem>>
          %dma_start3A_125 = tpu.memref_slice %arg15[%mul3A_112] : memref<10000xf32, #tpu.memory_space<vmem_shared>> -> memref<624xf32, #tpu.memory_space<vmem_shared>>
          tpu.enqueue_dma source(%dma_start3A_125 : memref<624xf32, #tpu.memory_space<vmem_shared>>) target(%dma_start3A_124 : memref<624xf32, #tpu.memory_space<vmem>>) target_semaphore(%run_scoped3A_120 : memref<!tpu.dma_semaphore, #tpu.memory_space<semaphore_mem>>)
          %dma_wait3A = arith.constant 0 : i32
          %dma_wait3A_126 = tpu.memref_slice %run_scoped3A_9[%dma_wait3A] : memref<640xf32, #tpu.memory_space<vmem>> -> memref<624xf32, #tpu.memory_space<vmem>>
          %dma_wait3A_127 = tpu.memref_slice %arg15[%mul3A_112] : memref<10000xf32, #tpu.memory_space<vmem_shared>> -> memref<624xf32, #tpu.memory_space<vmem_shared>>
          %dma_wait3A_128 = arith.constant 0 : i32
          %dma_wait3A_129 = tpu.memref_slice %run_scoped3A_9[%dma_wait3A_128] : memref<640xf32, #tpu.memory_space<vmem>> -> memref<624xf32, #tpu.memory_space<vmem>>
          %dma_wait3A_130 = tpu.memref_slice %arg15[%mul3A_112] : memref<10000xf32, #tpu.memory_space<vmem_shared>> -> memref<624xf32, #tpu.memory_space<vmem_shared>>
          tpu.wait_dma2 semaphore(%run_scoped3A_120 : memref<!tpu.dma_semaphore, #tpu.memory_space<semaphore_mem>>) src(%dma_wait3A_130 : memref<624xf32, #tpu.memory_space<vmem_shared>>) dst(%dma_wait3A_129 : memref<624xf32, #tpu.memory_space<vmem>>)
          tpu.yield
        }) : () -> ()
        %mul3A_113 = arith.constant 624 : i32
        %mul3A_114 = arith.muli %arg1, %mul3A_113 : i32
        "tpu.region"() ({
          %run_scoped3A_120 = tpu.sem_alloc : memref<!tpu.dma_semaphore, #tpu.memory_space<semaphore_mem>>
          %dma_start3A = arith.constant 0 : i32
          %dma_start3A_121 = tpu.memref_slice %run_scoped3A_9[%dma_start3A] : memref<640xf32, #tpu.memory_space<vmem>> -> memref<624xf32, #tpu.memory_space<vmem>>
          %dma_start3A_122 = tpu.memref_slice %arg12[%mul3A_114] : memref<10000xf32, #tpu.memory_space<hbm>> -> memref<624xf32, #tpu.memory_space<hbm>>
          %dma_start3A_123 = tpu.memref_slice %arg12[%mul3A_114] : memref<10000xf32, #tpu.memory_space<hbm>> -> memref<624xf32, #tpu.memory_space<hbm>>
          %dma_start3A_124 = arith.constant 0 : i32
          %dma_start3A_125 = tpu.memref_slice %run_scoped3A_9[%dma_start3A_124] : memref<640xf32, #tpu.memory_space<vmem>> -> memref<624xf32, #tpu.memory_space<vmem>>
          tpu.enqueue_dma source(%dma_start3A_125 : memref<624xf32, #tpu.memory_space<vmem>>) target(%dma_start3A_123 : memref<624xf32, #tpu.memory_space<hbm>>) target_semaphore(%run_scoped3A_120 : memref<!tpu.dma_semaphore, #tpu.memory_space<semaphore_mem>>)
          %dma_wait3A = arith.constant 0 : i32
          %dma_wait3A_126 = tpu.memref_slice %run_scoped3A_9[%dma_wait3A] : memref<640xf32, #tpu.memory_space<vmem>> -> memref<624xf32, #tpu.memory_space<vmem>>
          %dma_wait3A_127 = tpu.memref_slice %arg12[%mul3A_114] : memref<10000xf32, #tpu.memory_space<hbm>> -> memref<624xf32, #tpu.memory_space<hbm>>
          %dma_wait3A_128 = tpu.memref_slice %arg12[%mul3A_114] : memref<10000xf32, #tpu.memory_space<hbm>> -> memref<624xf32, #tpu.memory_space<hbm>>
          %dma_wait3A_129 = arith.constant 0 : i32
          %dma_wait3A_130 = tpu.memref_slice %run_scoped3A_9[%dma_wait3A_129] : memref<640xf32, #tpu.memory_space<vmem>> -> memref<624xf32, #tpu.memory_space<vmem>>
          tpu.wait_dma2 semaphore(%run_scoped3A_120 : memref<!tpu.dma_semaphore, #tpu.memory_space<semaphore_mem>>) src(%dma_wait3A_130 : memref<624xf32, #tpu.memory_space<vmem>>) dst(%dma_wait3A_128 : memref<624xf32, #tpu.memory_space<hbm>>)
          tpu.yield
        }) : () -> ()
        %eq3A_115 = arith.constant 15 : i32
        %eq3A_116 = arith.cmpi eq, %arg1, %eq3A_115 : i32
        %convert_element_type3A_117 = arith.extui %eq3A_116 : i1 to i32
        %cond3A_118 = arith.constant 0 : i32
        %cond3A_119 = arith.cmpi ne, %convert_element_type3A_117, %cond3A_118 : i32
        scf.if %cond3A_119 {
          "tpu.region"() ({
            %run_scoped3A_120 = tpu.sem_alloc : memref<!tpu.dma_semaphore, #tpu.memory_space<semaphore_mem>>
            %dma_start3A = arith.constant 0 : i32
            %dma_start3A_121 = arith.constant 0 : i32
            %dma_start3A_122 = tpu.memref_slice %run_scoped3A_7[%dma_start3A, %dma_start3A_121] : memref<160x128xf32, #tpu.memory_space<vmem>> -> memref<16x128xf32, #tpu.memory_space<vmem>>
            %dma_start3A_123 = arith.constant 9984 : i32
            %dma_start3A_124 = arith.constant 0 : i32
            %dma_start3A_125 = tpu.memref_slice %arg14[%dma_start3A_123, %dma_start3A_124] : memref<10000x128xf32, #tpu.memory_space<vmem_shared>> -> memref<16x128xf32, #tpu.memory_space<vmem_shared>>
            %dma_start3A_126 = arith.constant 0 : i32
            %dma_start3A_127 = arith.constant 0 : i32
            %dma_start3A_128 = tpu.memref_slice %run_scoped3A_7[%dma_start3A_126, %dma_start3A_127] : memref<160x128xf32, #tpu.memory_space<vmem>> -> memref<16x128xf32, #tpu.memory_space<vmem>>
            %dma_start3A_129 = arith.constant 9984 : i32
            %dma_start3A_130 = arith.constant 0 : i32
            %dma_start3A_131 = tpu.memref_slice %arg14[%dma_start3A_129, %dma_start3A_130] : memref<10000x128xf32, #tpu.memory_space<vmem_shared>> -> memref<16x128xf32, #tpu.memory_space<vmem_shared>>
            tpu.enqueue_dma source(%dma_start3A_131 : memref<16x128xf32, #tpu.memory_space<vmem_shared>>) target(%dma_start3A_128 : memref<16x128xf32, #tpu.memory_space<vmem>>) target_semaphore(%run_scoped3A_120 : memref<!tpu.dma_semaphore, #tpu.memory_space<semaphore_mem>>)
            %dma_wait3A = arith.constant 0 : i32
            %dma_wait3A_132 = arith.constant 0 : i32
            %dma_wait3A_133 = tpu.memref_slice %run_scoped3A_7[%dma_wait3A, %dma_wait3A_132] : memref<160x128xf32, #tpu.memory_space<vmem>> -> memref<16x128xf32, #tpu.memory_space<vmem>>
            %dma_wait3A_134 = arith.constant 9984 : i32
            %dma_wait3A_135 = arith.constant 0 : i32
            %dma_wait3A_136 = tpu.memref_slice %arg14[%dma_wait3A_134, %dma_wait3A_135] : memref<10000x128xf32, #tpu.memory_space<vmem_shared>> -> memref<16x128xf32, #tpu.memory_space<vmem_shared>>
            %dma_wait3A_137 = arith.constant 0 : i32
            %dma_wait3A_138 = arith.constant 0 : i32
            %dma_wait3A_139 = tpu.memref_slice %run_scoped3A_7[%dma_wait3A_137, %dma_wait3A_138] : memref<160x128xf32, #tpu.memory_space<vmem>> -> memref<16x128xf32, #tpu.memory_space<vmem>>
            %dma_wait3A_140 = arith.constant 9984 : i32
            %dma_wait3A_141 = arith.constant 0 : i32
            %dma_wait3A_142 = tpu.memref_slice %arg14[%dma_wait3A_140, %dma_wait3A_141] : memref<10000x128xf32, #tpu.memory_space<vmem_shared>> -> memref<16x128xf32, #tpu.memory_space<vmem_shared>>
            tpu.wait_dma2 semaphore(%run_scoped3A_120 : memref<!tpu.dma_semaphore, #tpu.memory_space<semaphore_mem>>) src(%dma_wait3A_142 : memref<16x128xf32, #tpu.memory_space<vmem_shared>>) dst(%dma_wait3A_139 : memref<16x128xf32, #tpu.memory_space<vmem>>)
            tpu.yield
          }) : () -> ()
          "tpu.region"() ({
            %run_scoped3A_120 = tpu.sem_alloc : memref<!tpu.dma_semaphore, #tpu.memory_space<semaphore_mem>>
            %dma_start3A = arith.constant 0 : i32
            %dma_start3A_121 = arith.constant 0 : i32
            %dma_start3A_122 = tpu.memref_slice %run_scoped3A_7[%dma_start3A, %dma_start3A_121] : memref<160x128xf32, #tpu.memory_space<vmem>> -> memref<16x128xf32, #tpu.memory_space<vmem>>
            %dma_start3A_123 = arith.constant 9984 : i32
            %dma_start3A_124 = arith.constant 0 : i32
            %dma_start3A_125 = tpu.memref_slice %arg10[%dma_start3A_123, %dma_start3A_124] : memref<10000x128xf32, #tpu.memory_space<hbm>> -> memref<16x128xf32, #tpu.memory_space<hbm>>
            %dma_start3A_126 = arith.constant 9984 : i32
            %dma_start3A_127 = arith.constant 0 : i32
            %dma_start3A_128 = tpu.memref_slice %arg10[%dma_start3A_126, %dma_start3A_127] : memref<10000x128xf32, #tpu.memory_space<hbm>> -> memref<16x128xf32, #tpu.memory_space<hbm>>
            %dma_start3A_129 = arith.constant 0 : i32
            %dma_start3A_130 = arith.constant 0 : i32
            %dma_start3A_131 = tpu.memref_slice %run_scoped3A_7[%dma_start3A_129, %dma_start3A_130] : memref<160x128xf32, #tpu.memory_space<vmem>> -> memref<16x128xf32, #tpu.memory_space<vmem>>
            tpu.enqueue_dma source(%dma_start3A_131 : memref<16x128xf32, #tpu.memory_space<vmem>>) target(%dma_start3A_128 : memref<16x128xf32, #tpu.memory_space<hbm>>) target_semaphore(%run_scoped3A_120 : memref<!tpu.dma_semaphore, #tpu.memory_space<semaphore_mem>>)
            %dma_wait3A = arith.constant 0 : i32
            %dma_wait3A_132 = arith.constant 0 : i32
            %dma_wait3A_133 = tpu.memref_slice %run_scoped3A_7[%dma_wait3A, %dma_wait3A_132] : memref<160x128xf32, #tpu.memory_space<vmem>> -> memref<16x128xf32, #tpu.memory_space<vmem>>
            %dma_wait3A_134 = arith.constant 9984 : i32
            %dma_wait3A_135 = arith.constant 0 : i32
            %dma_wait3A_136 = tpu.memref_slice %arg10[%dma_wait3A_134, %dma_wait3A_135] : memref<10000x128xf32, #tpu.memory_space<hbm>> -> memref<16x128xf32, #tpu.memory_space<hbm>>
            %dma_wait3A_137 = arith.constant 9984 : i32
            %dma_wait3A_138 = arith.constant 0 : i32
            %dma_wait3A_139 = tpu.memref_slice %arg10[%dma_wait3A_137, %dma_wait3A_138] : memref<10000x128xf32, #tpu.memory_space<hbm>> -> memref<16x128xf32, #tpu.memory_space<hbm>>
            %dma_wait3A_140 = arith.constant 0 : i32
            %dma_wait3A_141 = arith.constant 0 : i32
            %dma_wait3A_142 = tpu.memref_slice %run_scoped3A_7[%dma_wait3A_140, %dma_wait3A_141] : memref<160x128xf32, #tpu.memory_space<vmem>> -> memref<16x128xf32, #tpu.memory_space<vmem>>
            tpu.wait_dma2 semaphore(%run_scoped3A_120 : memref<!tpu.dma_semaphore, #tpu.memory_space<semaphore_mem>>) src(%dma_wait3A_142 : memref<16x128xf32, #tpu.memory_space<vmem>>) dst(%dma_wait3A_139 : memref<16x128xf32, #tpu.memory_space<hbm>>)
            tpu.yield
          }) : () -> ()
          "tpu.region"() ({
            %run_scoped3A_120 = tpu.sem_alloc : memref<!tpu.dma_semaphore, #tpu.memory_space<semaphore_mem>>
            %dma_start3A = arith.constant 0 : i32
            %dma_start3A_121 = tpu.memref_slice %run_scoped3A_9[%dma_start3A] : memref<640xf32, #tpu.memory_space<vmem>> -> memref<16xf32, #tpu.memory_space<vmem>>
            %dma_start3A_122 = arith.constant 9984 : i32
            %dma_start3A_123 = tpu.memref_slice %arg15[%dma_start3A_122] : memref<10000xf32, #tpu.memory_space<vmem_shared>> -> memref<16xf32, #tpu.memory_space<vmem_shared>>
            %dma_start3A_124 = arith.constant 0 : i32
            %dma_start3A_125 = tpu.memref_slice %run_scoped3A_9[%dma_start3A_124] : memref<640xf32, #tpu.memory_space<vmem>> -> memref<16xf32, #tpu.memory_space<vmem>>
            %dma_start3A_126 = arith.constant 9984 : i32
            %dma_start3A_127 = tpu.memref_slice %arg15[%dma_start3A_126] : memref<10000xf32, #tpu.memory_space<vmem_shared>> -> memref<16xf32, #tpu.memory_space<vmem_shared>>
            tpu.enqueue_dma source(%dma_start3A_127 : memref<16xf32, #tpu.memory_space<vmem_shared>>) target(%dma_start3A_125 : memref<16xf32, #tpu.memory_space<vmem>>) target_semaphore(%run_scoped3A_120 : memref<!tpu.dma_semaphore, #tpu.memory_space<semaphore_mem>>)
            %dma_wait3A = arith.constant 0 : i32
            %dma_wait3A_128 = tpu.memref_slice %run_scoped3A_9[%dma_wait3A] : memref<640xf32, #tpu.memory_space<vmem>> -> memref<16xf32, #tpu.memory_space<vmem>>
            %dma_wait3A_129 = arith.constant 9984 : i32
            %dma_wait3A_130 = tpu.memref_slice %arg15[%dma_wait3A_129] : memref<10000xf32, #tpu.memory_space<vmem_shared>> -> memref<16xf32, #tpu.memory_space<vmem_shared>>
            %dma_wait3A_131 = arith.constant 0 : i32
            %dma_wait3A_132 = tpu.memref_slice %run_scoped3A_9[%dma_wait3A_131] : memref<640xf32, #tpu.memory_space<vmem>> -> memref<16xf32, #tpu.memory_space<vmem>>
            %dma_wait3A_133 = arith.constant 9984 : i32
            %dma_wait3A_134 = tpu.memref_slice %arg15[%dma_wait3A_133] : memref<10000xf32, #tpu.memory_space<vmem_shared>> -> memref<16xf32, #tpu.memory_space<vmem_shared>>
            tpu.wait_dma2 semaphore(%run_scoped3A_120 : memref<!tpu.dma_semaphore, #tpu.memory_space<semaphore_mem>>) src(%dma_wait3A_134 : memref<16xf32, #tpu.memory_space<vmem_shared>>) dst(%dma_wait3A_132 : memref<16xf32, #tpu.memory_space<vmem>>)
            tpu.yield
          }) : () -> ()
          "tpu.region"() ({
            %run_scoped3A_120 = tpu.sem_alloc : memref<!tpu.dma_semaphore, #tpu.memory_space<semaphore_mem>>
            %dma_start3A = arith.constant 0 : i32
            %dma_start3A_121 = tpu.memref_slice %run_scoped3A_9[%dma_start3A] : memref<640xf32, #tpu.memory_space<vmem>> -> memref<16xf32, #tpu.memory_space<vmem>>
            %dma_start3A_122 = arith.constant 9984 : i32
            %dma_start3A_123 = tpu.memref_slice %arg12[%dma_start3A_122] : memref<10000xf32, #tpu.memory_space<hbm>> -> memref<16xf32, #tpu.memory_space<hbm>>
            %dma_start3A_124 = arith.constant 9984 : i32
            %dma_start3A_125 = tpu.memref_slice %arg12[%dma_start3A_124] : memref<10000xf32, #tpu.memory_space<hbm>> -> memref<16xf32, #tpu.memory_space<hbm>>
            %dma_start3A_126 = arith.constant 0 : i32
            %dma_start3A_127 = tpu.memref_slice %run_scoped3A_9[%dma_start3A_126] : memref<640xf32, #tpu.memory_space<vmem>> -> memref<16xf32, #tpu.memory_space<vmem>>
            tpu.enqueue_dma source(%dma_start3A_127 : memref<16xf32, #tpu.memory_space<vmem>>) target(%dma_start3A_125 : memref<16xf32, #tpu.memory_space<hbm>>) target_semaphore(%run_scoped3A_120 : memref<!tpu.dma_semaphore, #tpu.memory_space<semaphore_mem>>)
            %dma_wait3A = arith.constant 0 : i32
            %dma_wait3A_128 = tpu.memref_slice %run_scoped3A_9[%dma_wait3A] : memref<640xf32, #tpu.memory_space<vmem>> -> memref<16xf32, #tpu.memory_space<vmem>>
            %dma_wait3A_129 = arith.constant 9984 : i32
            %dma_wait3A_130 = tpu.memref_slice %arg12[%dma_wait3A_129] : memref<10000xf32, #tpu.memory_space<hbm>> -> memref<16xf32, #tpu.memory_space<hbm>>
            %dma_wait3A_131 = arith.constant 9984 : i32
            %dma_wait3A_132 = tpu.memref_slice %arg12[%dma_wait3A_131] : memref<10000xf32, #tpu.memory_space<hbm>> -> memref<16xf32, #tpu.memory_space<hbm>>
            %dma_wait3A_133 = arith.constant 0 : i32
            %dma_wait3A_134 = tpu.memref_slice %run_scoped3A_9[%dma_wait3A_133] : memref<640xf32, #tpu.memory_space<vmem>> -> memref<16xf32, #tpu.memory_space<vmem>>
            tpu.wait_dma2 semaphore(%run_scoped3A_120 : memref<!tpu.dma_semaphore, #tpu.memory_space<semaphore_mem>>) src(%dma_wait3A_134 : memref<16xf32, #tpu.memory_space<vmem>>) dst(%dma_wait3A_132 : memref<16xf32, #tpu.memory_space<hbm>>)
            tpu.yield
          }) : () -> ()
        } else {
        }
      } else {
      }
      tpu.yield
    }) : () -> ()
    return
  }
}

module attributes {stable_mosaic.version = 14 : i64} {
  func.func @_a2_body(%arg0: i32, %arg1: memref<2560x128xf32, #tpu.memory_space<vmem>>, %arg2: memref<1x2560xi32, #tpu.memory_space<vmem>>, %arg3: memref<1x2560xi32, #tpu.memory_space<vmem>>, %arg4: memref<1x2560xi32, #tpu.memory_space<vmem>>, %arg5: memref<1x2560xi32, #tpu.memory_space<vmem>>, %arg6: memref<1x2560xi32, #tpu.memory_space<vmem>>, %arg7: memref<1x2560xi32, #tpu.memory_space<vmem>>, %arg8: memref<1x2560xi32, #tpu.memory_space<vmem>>, %arg9: memref<168x128xf32, #tpu.memory_space<vmem>>, %arg10: memref<4x128xf32, #tpu.memory_space<vmem>>, %arg11: memref<16x128xf32, #tpu.memory_space<vmem>>, %arg12: memref<366x128xf32, #tpu.memory_space<vmem>>, %arg13: memref<12x128xf32, #tpu.memory_space<vmem>>, %arg14: memref<168x1xf32, #tpu.memory_space<vmem>>, %arg15: memref<4x1xf32, #tpu.memory_space<vmem>>, %arg16: memref<16x1xf32, #tpu.memory_space<vmem>>, %arg17: memref<366x1xf32, #tpu.memory_space<vmem>>, %arg18: memref<12x1xf32, #tpu.memory_space<vmem>>) attributes {dimension_semantics = [#tpu.dimension_semantics<arbitrary>], iteration_bounds = array<i64: 125>, scalar_prefetch = 0 : i64, scratch_operands = 0 : i64, tpu.core_type = #tpu.core_type<tc>, window_params = [{transform_indices = @transform_0, window_bounds = array<i64: 2560, 128>}, {transform_indices = @transform_1, window_bounds = array<i64: 1, 2560>}, {transform_indices = @transform_2, window_bounds = array<i64: 1, 2560>}, {transform_indices = @transform_3, window_bounds = array<i64: 1, 2560>}, {transform_indices = @transform_4, window_bounds = array<i64: 1, 2560>}, {transform_indices = @transform_5, window_bounds = array<i64: 1, 2560>}, {transform_indices = @transform_6, window_bounds = array<i64: 1, 2560>}, {transform_indices = @transform_7, window_bounds = array<i64: 1, 2560>}, {pipeline_mode = #tpu.pipeline_mode<synchronous>, transform_indices = @transform_8, window_bounds = array<i64: 168, 128>}, {pipeline_mode = #tpu.pipeline_mode<synchronous>, transform_indices = @transform_9, window_bounds = array<i64: 4, 128>}, {pipeline_mode = #tpu.pipeline_mode<synchronous>, transform_indices = @transform_10, window_bounds = array<i64: 16, 128>}, {pipeline_mode = #tpu.pipeline_mode<synchronous>, transform_indices = @transform_11, window_bounds = array<i64: 366, 128>}, {pipeline_mode = #tpu.pipeline_mode<synchronous>, transform_indices = @transform_12, window_bounds = array<i64: 12, 128>}, {pipeline_mode = #tpu.pipeline_mode<synchronous>, transform_indices = @transform_13, window_bounds = array<i64: 168, 1>}, {pipeline_mode = #tpu.pipeline_mode<synchronous>, transform_indices = @transform_14, window_bounds = array<i64: 4, 1>}, {pipeline_mode = #tpu.pipeline_mode<synchronous>, transform_indices = @transform_15, window_bounds = array<i64: 16, 1>}, {pipeline_mode = #tpu.pipeline_mode<synchronous>, transform_indices = @transform_16, window_bounds = array<i64: 366, 1>}, {pipeline_mode = #tpu.pipeline_mode<synchronous>, transform_indices = @transform_17, window_bounds = array<i64: 12, 1>}]} {
    %get3A = arith.constant 0 : index
    %get3A_0 = arith.constant 0 : index
    %get3A_1 = vector.load %arg1[%get3A, %get3A_0] : memref<2560x128xf32, #tpu.memory_space<vmem>>, vector<2560x128xf32>
    %get3A_2 = arith.constant 0 : index
    %get3A_3 = arith.constant 0 : index
    %get3A_4 = vector.load %arg2[%get3A_2, %get3A_3] : memref<1x2560xi32, #tpu.memory_space<vmem>>, vector<1x2560xi32>
    %iota3A = tpu.iota {dimensions = array<i32: 0>} : vector<168x2560xi32>
    %eq3A = vector.broadcast %get3A_4 : vector<1x2560xi32> to vector<168x2560xi32>
    %eq3A_5 = arith.cmpi eq, %iota3A, %eq3A : vector<168x2560xi32>
    %convert_element_type3A = arith.extui %eq3A_5 : vector<168x2560xi1> to vector<168x2560xi32>
    %convert_element_type3A_6 = arith.sitofp %convert_element_type3A : vector<168x2560xi32> to vector<168x2560xf32>
    %dot_general3A = arith.constant dense<0.000000e+00> : vector<168x128xf32>
    %dot_general3A_7 = tpu.matmul %convert_element_type3A_6, %get3A_1, %dot_general3A {dimension_numbers = #tpu.dot_dimension_numbers<[1], [0], [0], [1], [0, 0, 1, 1], [], []>, transpose_lhs_hint = false} : vector<168x2560xf32>, vector<2560x128xf32>, vector<168x128xf32> -> vector<168x128xf32>
    %eq3A_8 = arith.constant 0 : i32
    %eq3A_9 = arith.cmpi eq, %arg0, %eq3A_8 : i32
    %convert_element_type3A_10 = arith.extui %eq3A_9 : i1 to i32
    %cond3A = arith.constant 0 : i32
    %cond3A_11 = arith.cmpi ne, %convert_element_type3A_10, %cond3A : i32
    scf.if %cond3A_11 {
      %swap3A = arith.constant 0 : index
      %swap3A_176 = arith.constant 0 : index
      %swap3A_177 = vector.load %arg9[%swap3A, %swap3A_176] : memref<168x128xf32, #tpu.memory_space<vmem>>, vector<168x128xf32>
      tpu.vector_store %arg9[%swap3A, %swap3A_176], %dot_general3A_7 {strides = array<i32>} : memref<168x128xf32, #tpu.memory_space<vmem>>, vector<168x128xf32>,
    } else {
    }
    %ne3A = arith.constant 0 : i32
    %ne3A_12 = arith.cmpi ne, %arg0, %ne3A : i32
    %convert_element_type3A_13 = arith.extui %ne3A_12 : i1 to i32
    %cond3A_14 = arith.constant 0 : i32
    %cond3A_15 = arith.cmpi ne, %convert_element_type3A_13, %cond3A_14 : i32
    scf.if %cond3A_15 {
      %get3A_176 = arith.constant 0 : index
      %get3A_177 = arith.constant 0 : index
      %get3A_178 = vector.load %arg9[%get3A_176, %get3A_177] : memref<168x128xf32, #tpu.memory_space<vmem>>, vector<168x128xf32>
      %add3A_179 = arith.addf %get3A_178, %dot_general3A_7 : vector<168x128xf32>
      %swap3A = arith.constant 0 : index
      %swap3A_180 = arith.constant 0 : index
      %swap3A_181 = vector.load %arg9[%swap3A, %swap3A_180] : memref<168x128xf32, #tpu.memory_space<vmem>>, vector<168x128xf32>
      tpu.vector_store %arg9[%swap3A, %swap3A_180], %add3A_179 {strides = array<i32>} : memref<168x128xf32, #tpu.memory_space<vmem>>, vector<168x128xf32>,
    } else {
    }
    %reduce_sum3A = arith.constant dense<0.000000e+00> : vector<168xf32>
    %reduce_sum3A_16 = vector.multi_reduction <add>, %convert_element_type3A_6, %reduce_sum3A [1] : vector<168x2560xf32> to vector<168xf32>
    %broadcast_in_dim3A = vector.shape_cast %reduce_sum3A_16 : vector<168xf32> to vector<168x1xf32>
    %eq3A_17 = arith.constant 0 : i32
    %eq3A_18 = arith.cmpi eq, %arg0, %eq3A_17 : i32
    %convert_element_type3A_19 = arith.extui %eq3A_18 : i1 to i32
    %cond3A_20 = arith.constant 0 : i32
    %cond3A_21 = arith.cmpi ne, %convert_element_type3A_19, %cond3A_20 : i32
    scf.if %cond3A_21 {
      %swap3A = arith.constant 0 : index
      %swap3A_176 = arith.constant 0 : index
      %swap3A_177 = vector.load %arg14[%swap3A, %swap3A_176] : memref<168x1xf32, #tpu.memory_space<vmem>>, vector<168x1xf32>
      tpu.vector_store %arg14[%swap3A, %swap3A_176], %broadcast_in_dim3A {strides = array<i32>} : memref<168x1xf32, #tpu.memory_space<vmem>>, vector<168x1xf32>,
    } else {
    }
    %ne3A_22 = arith.constant 0 : i32
    %ne3A_23 = arith.cmpi ne, %arg0, %ne3A_22 : i32
    %convert_element_type3A_24 = arith.extui %ne3A_23 : i1 to i32
    %cond3A_25 = arith.constant 0 : i32
    %cond3A_26 = arith.cmpi ne, %convert_element_type3A_24, %cond3A_25 : i32
    scf.if %cond3A_26 {
      %get3A_176 = arith.constant 0 : index
      %get3A_177 = arith.constant 0 : index
      %get3A_178 = vector.load %arg14[%get3A_176, %get3A_177] : memref<168x1xf32, #tpu.memory_space<vmem>>, vector<168x1xf32>
      %add3A_179 = arith.addf %get3A_178, %broadcast_in_dim3A : vector<168x1xf32>
      %swap3A = arith.constant 0 : index
      %swap3A_180 = arith.constant 0 : index
      %swap3A_181 = vector.load %arg14[%swap3A, %swap3A_180] : memref<168x1xf32, #tpu.memory_space<vmem>>, vector<168x1xf32>
      tpu.vector_store %arg14[%swap3A, %swap3A_180], %add3A_179 {strides = array<i32>} : memref<168x1xf32, #tpu.memory_space<vmem>>, vector<168x1xf32>,
    } else {
    }
    %get3A_27 = arith.constant 0 : index
    %get3A_28 = arith.constant 0 : index
    %get3A_29 = vector.load %arg3[%get3A_27, %get3A_28] : memref<1x2560xi32, #tpu.memory_space<vmem>>, vector<1x2560xi32>
    %iota3A_30 = tpu.iota {dimensions = array<i32: 0>} : vector<4x2560xi32>
    %eq3A_31 = vector.broadcast %get3A_29 : vector<1x2560xi32> to vector<4x2560xi32>
    %eq3A_32 = arith.cmpi eq, %iota3A_30, %eq3A_31 : vector<4x2560xi32>
    %convert_element_type3A_33 = arith.extui %eq3A_32 : vector<4x2560xi1> to vector<4x2560xi32>
    %convert_element_type3A_34 = arith.sitofp %convert_element_type3A_33 : vector<4x2560xi32> to vector<4x2560xf32>
    %dot_general3A_35 = arith.constant dense<0.000000e+00> : vector<4x128xf32>
    %dot_general3A_36 = tpu.matmul %convert_element_type3A_34, %get3A_1, %dot_general3A_35 {dimension_numbers = #tpu.dot_dimension_numbers<[1], [0], [0], [1], [0, 0, 1, 1], [], []>, transpose_lhs_hint = false} : vector<4x2560xf32>, vector<2560x128xf32>, vector<4x128xf32> -> vector<4x128xf32>
    %eq3A_37 = arith.constant 0 : i32
    %eq3A_38 = arith.cmpi eq, %arg0, %eq3A_37 : i32
    %convert_element_type3A_39 = arith.extui %eq3A_38 : i1 to i32
    %cond3A_40 = arith.constant 0 : i32
    %cond3A_41 = arith.cmpi ne, %convert_element_type3A_39, %cond3A_40 : i32
    scf.if %cond3A_41 {
      %swap3A = arith.constant 0 : index
      %swap3A_176 = arith.constant 0 : index
      %swap3A_177 = vector.load %arg10[%swap3A, %swap3A_176] : memref<4x128xf32, #tpu.memory_space<vmem>>, vector<4x128xf32>
      tpu.vector_store %arg10[%swap3A, %swap3A_176], %dot_general3A_36 {strides = array<i32>} : memref<4x128xf32, #tpu.memory_space<vmem>>, vector<4x128xf32>,
    } else {
    }
    %ne3A_42 = arith.constant 0 : i32
    %ne3A_43 = arith.cmpi ne, %arg0, %ne3A_42 : i32
    %convert_element_type3A_44 = arith.extui %ne3A_43 : i1 to i32
    %cond3A_45 = arith.constant 0 : i32
    %cond3A_46 = arith.cmpi ne, %convert_element_type3A_44, %cond3A_45 : i32
    scf.if %cond3A_46 {
      %get3A_176 = arith.constant 0 : index
      %get3A_177 = arith.constant 0 : index
      %get3A_178 = vector.load %arg10[%get3A_176, %get3A_177] : memref<4x128xf32, #tpu.memory_space<vmem>>, vector<4x128xf32>
      %add3A_179 = arith.addf %get3A_178, %dot_general3A_36 : vector<4x128xf32>
      %swap3A = arith.constant 0 : index
      %swap3A_180 = arith.constant 0 : index
      %swap3A_181 = vector.load %arg10[%swap3A, %swap3A_180] : memref<4x128xf32, #tpu.memory_space<vmem>>, vector<4x128xf32>
      tpu.vector_store %arg10[%swap3A, %swap3A_180], %add3A_179 {strides = array<i32>} : memref<4x128xf32, #tpu.memory_space<vmem>>, vector<4x128xf32>,
    } else {
    }
    %reduce_sum3A_47 = arith.constant dense<0.000000e+00> : vector<4xf32>
    %reduce_sum3A_48 = vector.multi_reduction <add>, %convert_element_type3A_34, %reduce_sum3A_47 [1] : vector<4x2560xf32> to vector<4xf32>
    %broadcast_in_dim3A_49 = vector.shape_cast %reduce_sum3A_48 : vector<4xf32> to vector<4x1xf32>
    %eq3A_50 = arith.constant 0 : i32
    %eq3A_51 = arith.cmpi eq, %arg0, %eq3A_50 : i32
    %convert_element_type3A_52 = arith.extui %eq3A_51 : i1 to i32
    %cond3A_53 = arith.constant 0 : i32
    %cond3A_54 = arith.cmpi ne, %convert_element_type3A_52, %cond3A_53 : i32
    scf.if %cond3A_54 {
      %swap3A = arith.constant 0 : index
      %swap3A_176 = arith.constant 0 : index
      %swap3A_177 = vector.load %arg15[%swap3A, %swap3A_176] : memref<4x1xf32, #tpu.memory_space<vmem>>, vector<4x1xf32>
      tpu.vector_store %arg15[%swap3A, %swap3A_176], %broadcast_in_dim3A_49 {strides = array<i32>} : memref<4x1xf32, #tpu.memory_space<vmem>>, vector<4x1xf32>,
    } else {
    }
    %ne3A_55 = arith.constant 0 : i32
    %ne3A_56 = arith.cmpi ne, %arg0, %ne3A_55 : i32
    %convert_element_type3A_57 = arith.extui %ne3A_56 : i1 to i32
    %cond3A_58 = arith.constant 0 : i32
    %cond3A_59 = arith.cmpi ne, %convert_element_type3A_57, %cond3A_58 : i32
    scf.if %cond3A_59 {
      %get3A_176 = arith.constant 0 : index
      %get3A_177 = arith.constant 0 : index
      %get3A_178 = vector.load %arg15[%get3A_176, %get3A_177] : memref<4x1xf32, #tpu.memory_space<vmem>>, vector<4x1xf32>
      %add3A_179 = arith.addf %get3A_178, %broadcast_in_dim3A_49 : vector<4x1xf32>
      %swap3A = arith.constant 0 : index
      %swap3A_180 = arith.constant 0 : index
      %swap3A_181 = vector.load %arg15[%swap3A, %swap3A_180] : memref<4x1xf32, #tpu.memory_space<vmem>>, vector<4x1xf32>
      tpu.vector_store %arg15[%swap3A, %swap3A_180], %add3A_179 {strides = array<i32>} : memref<4x1xf32, #tpu.memory_space<vmem>>, vector<4x1xf32>,
    } else {
    }
    %get3A_60 = arith.constant 0 : index
    %get3A_61 = arith.constant 0 : index
    %get3A_62 = vector.load %arg4[%get3A_60, %get3A_61] : memref<1x2560xi32, #tpu.memory_space<vmem>>, vector<1x2560xi32>
    %iota3A_63 = tpu.iota {dimensions = array<i32: 0>} : vector<16x2560xi32>
    %eq3A_64 = vector.broadcast %get3A_62 : vector<1x2560xi32> to vector<16x2560xi32>
    %eq3A_65 = arith.cmpi eq, %iota3A_63, %eq3A_64 : vector<16x2560xi32>
    %convert_element_type3A_66 = arith.extui %eq3A_65 : vector<16x2560xi1> to vector<16x2560xi32>
    %convert_element_type3A_67 = arith.sitofp %convert_element_type3A_66 : vector<16x2560xi32> to vector<16x2560xf32>
    %dot_general3A_68 = arith.constant dense<0.000000e+00> : vector<16x128xf32>
    %dot_general3A_69 = tpu.matmul %convert_element_type3A_67, %get3A_1, %dot_general3A_68 {dimension_numbers = #tpu.dot_dimension_numbers<[1], [0], [0], [1], [0, 0, 1, 1], [], []>, transpose_lhs_hint = false} : vector<16x2560xf32>, vector<2560x128xf32>, vector<16x128xf32> -> vector<16x128xf32>
    %eq3A_70 = arith.constant 0 : i32
    %eq3A_71 = arith.cmpi eq, %arg0, %eq3A_70 : i32
    %convert_element_type3A_72 = arith.extui %eq3A_71 : i1 to i32
    %cond3A_73 = arith.constant 0 : i32
    %cond3A_74 = arith.cmpi ne, %convert_element_type3A_72, %cond3A_73 : i32
    scf.if %cond3A_74 {
      %swap3A = arith.constant 0 : index
      %swap3A_176 = arith.constant 0 : index
      %swap3A_177 = vector.load %arg11[%swap3A, %swap3A_176] : memref<16x128xf32, #tpu.memory_space<vmem>>, vector<16x128xf32>
      tpu.vector_store %arg11[%swap3A, %swap3A_176], %dot_general3A_69 {strides = array<i32>} : memref<16x128xf32, #tpu.memory_space<vmem>>, vector<16x128xf32>,
    } else {
    }
    %ne3A_75 = arith.constant 0 : i32
    %ne3A_76 = arith.cmpi ne, %arg0, %ne3A_75 : i32
    %convert_element_type3A_77 = arith.extui %ne3A_76 : i1 to i32
    %cond3A_78 = arith.constant 0 : i32
    %cond3A_79 = arith.cmpi ne, %convert_element_type3A_77, %cond3A_78 : i32
    scf.if %cond3A_79 {
      %get3A_176 = arith.constant 0 : index
      %get3A_177 = arith.constant 0 : index
      %get3A_178 = vector.load %arg11[%get3A_176, %get3A_177] : memref<16x128xf32, #tpu.memory_space<vmem>>, vector<16x128xf32>
      %add3A_179 = arith.addf %get3A_178, %dot_general3A_69 : vector<16x128xf32>
      %swap3A = arith.constant 0 : index
      %swap3A_180 = arith.constant 0 : index
      %swap3A_181 = vector.load %arg11[%swap3A, %swap3A_180] : memref<16x128xf32, #tpu.memory_space<vmem>>, vector<16x128xf32>
      tpu.vector_store %arg11[%swap3A, %swap3A_180], %add3A_179 {strides = array<i32>} : memref<16x128xf32, #tpu.memory_space<vmem>>, vector<16x128xf32>,
    } else {
    }
    %reduce_sum3A_80 = arith.constant dense<0.000000e+00> : vector<16xf32>
    %reduce_sum3A_81 = vector.multi_reduction <add>, %convert_element_type3A_67, %reduce_sum3A_80 [1] : vector<16x2560xf32> to vector<16xf32>
    %broadcast_in_dim3A_82 = vector.shape_cast %reduce_sum3A_81 : vector<16xf32> to vector<16x1xf32>
    %eq3A_83 = arith.constant 0 : i32
    %eq3A_84 = arith.cmpi eq, %arg0, %eq3A_83 : i32
    %convert_element_type3A_85 = arith.extui %eq3A_84 : i1 to i32
    %cond3A_86 = arith.constant 0 : i32
    %cond3A_87 = arith.cmpi ne, %convert_element_type3A_85, %cond3A_86 : i32
    scf.if %cond3A_87 {
      %swap3A = arith.constant 0 : index
      %swap3A_176 = arith.constant 0 : index
      %swap3A_177 = vector.load %arg16[%swap3A, %swap3A_176] : memref<16x1xf32, #tpu.memory_space<vmem>>, vector<16x1xf32>
      tpu.vector_store %arg16[%swap3A, %swap3A_176], %broadcast_in_dim3A_82 {strides = array<i32>} : memref<16x1xf32, #tpu.memory_space<vmem>>, vector<16x1xf32>,
    } else {
    }
    %ne3A_88 = arith.constant 0 : i32
    %ne3A_89 = arith.cmpi ne, %arg0, %ne3A_88 : i32
    %convert_element_type3A_90 = arith.extui %ne3A_89 : i1 to i32
    %cond3A_91 = arith.constant 0 : i32
    %cond3A_92 = arith.cmpi ne, %convert_element_type3A_90, %cond3A_91 : i32
    scf.if %cond3A_92 {
      %get3A_176 = arith.constant 0 : index
      %get3A_177 = arith.constant 0 : index
      %get3A_178 = vector.load %arg16[%get3A_176, %get3A_177] : memref<16x1xf32, #tpu.memory_space<vmem>>, vector<16x1xf32>
      %add3A_179 = arith.addf %get3A_178, %broadcast_in_dim3A_82 : vector<16x1xf32>
      %swap3A = arith.constant 0 : index
      %swap3A_180 = arith.constant 0 : index
      %swap3A_181 = vector.load %arg16[%swap3A, %swap3A_180] : memref<16x1xf32, #tpu.memory_space<vmem>>, vector<16x1xf32>
      tpu.vector_store %arg16[%swap3A, %swap3A_180], %add3A_179 {strides = array<i32>} : memref<16x1xf32, #tpu.memory_space<vmem>>, vector<16x1xf32>,
    } else {
    }
    %get3A_93 = arith.constant 0 : index
    %get3A_94 = arith.constant 0 : index
    %get3A_95 = vector.load %arg5[%get3A_93, %get3A_94] : memref<1x2560xi32, #tpu.memory_space<vmem>>, vector<1x2560xi32>
    %iota3A_96 = tpu.iota {dimensions = array<i32: 0>} : vector<12x2560xi32>
    %eq3A_97 = vector.broadcast %get3A_95 : vector<1x2560xi32> to vector<12x2560xi32>
    %eq3A_98 = arith.cmpi eq, %iota3A_96, %eq3A_97 : vector<12x2560xi32>
    %convert_element_type3A_99 = arith.extui %eq3A_98 : vector<12x2560xi1> to vector<12x2560xi32>
    %convert_element_type3A_100 = arith.sitofp %convert_element_type3A_99 : vector<12x2560xi32> to vector<12x2560xf32>
    %dot_general3A_101 = arith.constant dense<0.000000e+00> : vector<12x128xf32>
    %dot_general3A_102 = tpu.matmul %convert_element_type3A_100, %get3A_1, %dot_general3A_101 {dimension_numbers = #tpu.dot_dimension_numbers<[1], [0], [0], [1], [0, 0, 1, 1], [], []>, transpose_lhs_hint = false} : vector<12x2560xf32>, vector<2560x128xf32>, vector<12x128xf32> -> vector<12x128xf32>
    %eq3A_103 = arith.constant 0 : i32
    %eq3A_104 = arith.cmpi eq, %arg0, %eq3A_103 : i32
    %convert_element_type3A_105 = arith.extui %eq3A_104 : i1 to i32
    %cond3A_106 = arith.constant 0 : i32
    %cond3A_107 = arith.cmpi ne, %convert_element_type3A_105, %cond3A_106 : i32
    scf.if %cond3A_107 {
      %swap3A = arith.constant 0 : index
      %swap3A_176 = arith.constant 0 : index
      %swap3A_177 = vector.load %arg13[%swap3A, %swap3A_176] : memref<12x128xf32, #tpu.memory_space<vmem>>, vector<12x128xf32>
      tpu.vector_store %arg13[%swap3A, %swap3A_176], %dot_general3A_102 {strides = array<i32>} : memref<12x128xf32, #tpu.memory_space<vmem>>, vector<12x128xf32>,
    } else {
    }
    %ne3A_108 = arith.constant 0 : i32
    %ne3A_109 = arith.cmpi ne, %arg0, %ne3A_108 : i32
    %convert_element_type3A_110 = arith.extui %ne3A_109 : i1 to i32
    %cond3A_111 = arith.constant 0 : i32
    %cond3A_112 = arith.cmpi ne, %convert_element_type3A_110, %cond3A_111 : i32
    scf.if %cond3A_112 {
      %get3A_176 = arith.constant 0 : index
      %get3A_177 = arith.constant 0 : index
      %get3A_178 = vector.load %arg13[%get3A_176, %get3A_177] : memref<12x128xf32, #tpu.memory_space<vmem>>, vector<12x128xf32>
      %add3A_179 = arith.addf %get3A_178, %dot_general3A_102 : vector<12x128xf32>
      %swap3A = arith.constant 0 : index
      %swap3A_180 = arith.constant 0 : index
      %swap3A_181 = vector.load %arg13[%swap3A, %swap3A_180] : memref<12x128xf32, #tpu.memory_space<vmem>>, vector<12x128xf32>
      tpu.vector_store %arg13[%swap3A, %swap3A_180], %add3A_179 {strides = array<i32>} : memref<12x128xf32, #tpu.memory_space<vmem>>, vector<12x128xf32>,
    } else {
    }
    %reduce_sum3A_113 = arith.constant dense<0.000000e+00> : vector<12xf32>
    %reduce_sum3A_114 = vector.multi_reduction <add>, %convert_element_type3A_100, %reduce_sum3A_113 [1] : vector<12x2560xf32> to vector<12xf32>
    %broadcast_in_dim3A_115 = vector.shape_cast %reduce_sum3A_114 : vector<12xf32> to vector<12x1xf32>
    %eq3A_116 = arith.constant 0 : i32
    %eq3A_117 = arith.cmpi eq, %arg0, %eq3A_116 : i32
    %convert_element_type3A_118 = arith.extui %eq3A_117 : i1 to i32
    %cond3A_119 = arith.constant 0 : i32
    %cond3A_120 = arith.cmpi ne, %convert_element_type3A_118, %cond3A_119 : i32
    scf.if %cond3A_120 {
      %swap3A = arith.constant 0 : index
      %swap3A_176 = arith.constant 0 : index
      %swap3A_177 = vector.load %arg18[%swap3A, %swap3A_176] : memref<12x1xf32, #tpu.memory_space<vmem>>, vector<12x1xf32>
      tpu.vector_store %arg18[%swap3A, %swap3A_176], %broadcast_in_dim3A_115 {strides = array<i32>} : memref<12x1xf32, #tpu.memory_space<vmem>>, vector<12x1xf32>,
    } else {
    }
    %ne3A_121 = arith.constant 0 : i32
    %ne3A_122 = arith.cmpi ne, %arg0, %ne3A_121 : i32
    %convert_element_type3A_123 = arith.extui %ne3A_122 : i1 to i32
    %cond3A_124 = arith.constant 0 : i32
    %cond3A_125 = arith.cmpi ne, %convert_element_type3A_123, %cond3A_124 : i32
    scf.if %cond3A_125 {
      %get3A_176 = arith.constant 0 : index
      %get3A_177 = arith.constant 0 : index
      %get3A_178 = vector.load %arg18[%get3A_176, %get3A_177] : memref<12x1xf32, #tpu.memory_space<vmem>>, vector<12x1xf32>
      %add3A_179 = arith.addf %get3A_178, %broadcast_in_dim3A_115 : vector<12x1xf32>
      %swap3A = arith.constant 0 : index
      %swap3A_180 = arith.constant 0 : index
      %swap3A_181 = vector.load %arg18[%swap3A, %swap3A_180] : memref<12x1xf32, #tpu.memory_space<vmem>>, vector<12x1xf32>
      tpu.vector_store %arg18[%swap3A, %swap3A_180], %add3A_179 {strides = array<i32>} : memref<12x1xf32, #tpu.memory_space<vmem>>, vector<12x1xf32>,
    } else {
    }
    %get3A_126 = arith.constant 0 : index
    %get3A_127 = arith.constant 0 : index
    %get3A_128 = vector.load %arg6[%get3A_126, %get3A_127] : memref<1x2560xi32, #tpu.memory_space<vmem>>, vector<1x2560xi32>
    %iota3A_129 = tpu.iota {dimensions = array<i32: 0>} : vector<366x2560xi32>
    %eq3A_130 = vector.broadcast %get3A_128 : vector<1x2560xi32> to vector<366x2560xi32>
    %eq3A_131 = arith.cmpi eq, %iota3A_129, %eq3A_130 : vector<366x2560xi32>
    %convert_element_type3A_132 = arith.extui %eq3A_131 : vector<366x2560xi1> to vector<366x2560xi32>
    %convert_element_type3A_133 = arith.sitofp %convert_element_type3A_132 : vector<366x2560xi32> to vector<366x2560xf32>
    %get3A_134 = arith.constant 0 : index
    %get3A_135 = arith.constant 0 : index
    %get3A_136 = vector.load %arg7[%get3A_134, %get3A_135] : memref<1x2560xi32, #tpu.memory_space<vmem>>, vector<1x2560xi32>
    %iota3A_137 = tpu.iota {dimensions = array<i32: 0>} : vector<366x2560xi32>
    %eq3A_138 = vector.broadcast %get3A_136 : vector<1x2560xi32> to vector<366x2560xi32>
    %eq3A_139 = arith.cmpi eq, %iota3A_137, %eq3A_138 : vector<366x2560xi32>
    %convert_element_type3A_140 = arith.extui %eq3A_139 : vector<366x2560xi1> to vector<366x2560xi32>
    %convert_element_type3A_141 = arith.sitofp %convert_element_type3A_140 : vector<366x2560xi32> to vector<366x2560xf32>
    %add3A = arith.addf %convert_element_type3A_133, %convert_element_type3A_141 : vector<366x2560xf32>
    %get3A_142 = arith.constant 0 : index
    %get3A_143 = arith.constant 0 : index
    %get3A_144 = vector.load %arg8[%get3A_142, %get3A_143] : memref<1x2560xi32, #tpu.memory_space<vmem>>, vector<1x2560xi32>
    %iota3A_145 = tpu.iota {dimensions = array<i32: 0>} : vector<366x2560xi32>
    %eq3A_146 = vector.broadcast %get3A_144 : vector<1x2560xi32> to vector<366x2560xi32>
    %eq3A_147 = arith.cmpi eq, %iota3A_145, %eq3A_146 : vector<366x2560xi32>
    %convert_element_type3A_148 = arith.extui %eq3A_147 : vector<366x2560xi1> to vector<366x2560xi32>
    %convert_element_type3A_149 = arith.sitofp %convert_element_type3A_148 : vector<366x2560xi32> to vector<366x2560xf32>
    %add3A_150 = arith.addf %add3A, %convert_element_type3A_149 : vector<366x2560xf32>
    %dot_general3A_151 = arith.constant dense<0.000000e+00> : vector<366x128xf32>
    %dot_general3A_152 = tpu.matmul %add3A_150, %get3A_1, %dot_general3A_151 {dimension_numbers = #tpu.dot_dimension_numbers<[1], [0], [0], [1], [0, 0, 1, 1], [], []>, transpose_lhs_hint = false} : vector<366x2560xf32>, vector<2560x128xf32>, vector<366x128xf32> -> vector<366x128xf32>
    %eq3A_153 = arith.constant 0 : i32
    %eq3A_154 = arith.cmpi eq, %arg0, %eq3A_153 : i32
    %convert_element_type3A_155 = arith.extui %eq3A_154 : i1 to i32
    %cond3A_156 = arith.constant 0 : i32
    %cond3A_157 = arith.cmpi ne, %convert_element_type3A_155, %cond3A_156 : i32
    scf.if %cond3A_157 {
      %swap3A = arith.constant 0 : index
      %swap3A_176 = arith.constant 0 : index
      %swap3A_177 = vector.load %arg12[%swap3A, %swap3A_176] : memref<366x128xf32, #tpu.memory_space<vmem>>, vector<366x128xf32>
      tpu.vector_store %arg12[%swap3A, %swap3A_176], %dot_general3A_152 {strides = array<i32>} : memref<366x128xf32, #tpu.memory_space<vmem>>, vector<366x128xf32>,
    } else {
    }
    %ne3A_158 = arith.constant 0 : i32
    %ne3A_159 = arith.cmpi ne, %arg0, %ne3A_158 : i32
    %convert_element_type3A_160 = arith.extui %ne3A_159 : i1 to i32
    %cond3A_161 = arith.constant 0 : i32
    %cond3A_162 = arith.cmpi ne, %convert_element_type3A_160, %cond3A_161 : i32
    scf.if %cond3A_162 {
      %get3A_176 = arith.constant 0 : index
      %get3A_177 = arith.constant 0 : index
      %get3A_178 = vector.load %arg12[%get3A_176, %get3A_177] : memref<366x128xf32, #tpu.memory_space<vmem>>, vector<366x128xf32>
      %add3A_179 = arith.addf %get3A_178, %dot_general3A_152 : vector<366x128xf32>
      %swap3A = arith.constant 0 : index
      %swap3A_180 = arith.constant 0 : index
      %swap3A_181 = vector.load %arg12[%swap3A, %swap3A_180] : memref<366x128xf32, #tpu.memory_space<vmem>>, vector<366x128xf32>
      tpu.vector_store %arg12[%swap3A, %swap3A_180], %add3A_179 {strides = array<i32>} : memref<366x128xf32, #tpu.memory_space<vmem>>, vector<366x128xf32>,
    } else {
    }
    %reduce_sum3A_163 = arith.constant dense<0.000000e+00> : vector<366xf32>
    %reduce_sum3A_164 = vector.multi_reduction <add>, %add3A_150, %reduce_sum3A_163 [1] : vector<366x2560xf32> to vector<366xf32>
    %broadcast_in_dim3A_165 = vector.shape_cast %reduce_sum3A_164 : vector<366xf32> to vector<366x1xf32>
    %eq3A_166 = arith.constant 0 : i32
    %eq3A_167 = arith.cmpi eq, %arg0, %eq3A_166 : i32
    %convert_element_type3A_168 = arith.extui %eq3A_167 : i1 to i32
    %cond3A_169 = arith.constant 0 : i32
    %cond3A_170 = arith.cmpi ne, %convert_element_type3A_168, %cond3A_169 : i32
    scf.if %cond3A_170 {
      %swap3A = arith.constant 0 : index
      %swap3A_176 = arith.constant 0 : index
      %swap3A_177 = vector.load %arg17[%swap3A, %swap3A_176] : memref<366x1xf32, #tpu.memory_space<vmem>>, vector<366x1xf32>
      tpu.vector_store %arg17[%swap3A, %swap3A_176], %broadcast_in_dim3A_165 {strides = array<i32>} : memref<366x1xf32, #tpu.memory_space<vmem>>, vector<366x1xf32>,
    } else {
    }
    %ne3A_171 = arith.constant 0 : i32
    %ne3A_172 = arith.cmpi ne, %arg0, %ne3A_171 : i32
    %convert_element_type3A_173 = arith.extui %ne3A_172 : i1 to i32
    %cond3A_174 = arith.constant 0 : i32
    %cond3A_175 = arith.cmpi ne, %convert_element_type3A_173, %cond3A_174 : i32
    scf.if %cond3A_175 {
      %get3A_176 = arith.constant 0 : index
      %get3A_177 = arith.constant 0 : index
      %get3A_178 = vector.load %arg17[%get3A_176, %get3A_177] : memref<366x1xf32, #tpu.memory_space<vmem>>, vector<366x1xf32>
      %add3A_179 = arith.addf %get3A_178, %broadcast_in_dim3A_165 : vector<366x1xf32>
      %swap3A = arith.constant 0 : index
      %swap3A_180 = arith.constant 0 : index
      %swap3A_181 = vector.load %arg17[%swap3A, %swap3A_180] : memref<366x1xf32, #tpu.memory_space<vmem>>, vector<366x1xf32>
      tpu.vector_store %arg17[%swap3A, %swap3A_180], %add3A_179 {strides = array<i32>} : memref<366x1xf32, #tpu.memory_space<vmem>>, vector<366x1xf32>,
    } else {
    }
    return
  }
  func.func @transform_0(%arg0: i32) -> (i32, i32) {
    %c0_i32 = arith.constant 0 : i32
    %c0_i32_0 = arith.constant 0 : i32
    return %arg0, %c0_i32 : i32, i32
  }
  func.func @transform_1(%arg0: i32) -> (i32, i32) {
    %c0_i32 = arith.constant 0 : i32
    %c0_i32_0 = arith.constant 0 : i32
    return %c0_i32, %arg0 : i32, i32
  }
  func.func @transform_2(%arg0: i32) -> (i32, i32) {
    %c0_i32 = arith.constant 0 : i32
    %c0_i32_0 = arith.constant 0 : i32
    return %c0_i32, %arg0 : i32, i32
  }
  func.func @transform_3(%arg0: i32) -> (i32, i32) {
    %c0_i32 = arith.constant 0 : i32
    %c0_i32_0 = arith.constant 0 : i32
    return %c0_i32, %arg0 : i32, i32
  }
  func.func @transform_4(%arg0: i32) -> (i32, i32) {
    %c0_i32 = arith.constant 0 : i32
    %c0_i32_0 = arith.constant 0 : i32
    return %c0_i32, %arg0 : i32, i32
  }
  func.func @transform_5(%arg0: i32) -> (i32, i32) {
    %c0_i32 = arith.constant 0 : i32
    %c0_i32_0 = arith.constant 0 : i32
    return %c0_i32, %arg0 : i32, i32
  }
  func.func @transform_6(%arg0: i32) -> (i32, i32) {
    %c0_i32 = arith.constant 0 : i32
    %c0_i32_0 = arith.constant 0 : i32
    return %c0_i32, %arg0 : i32, i32
  }
  func.func @transform_7(%arg0: i32) -> (i32, i32) {
    %c0_i32 = arith.constant 0 : i32
    %c0_i32_0 = arith.constant 0 : i32
    return %c0_i32, %arg0 : i32, i32
  }
  func.func @transform_8(%arg0: i32) -> (i32, i32) {
    %c0_i32 = arith.constant 0 : i32
    %c0_i32_0 = arith.constant 0 : i32
    %c0_i32_1 = arith.constant 0 : i32
    return %c0_i32, %c0_i32_0 : i32, i32
  }
  func.func @transform_9(%arg0: i32) -> (i32, i32) {
    %c0_i32 = arith.constant 0 : i32
    %c0_i32_0 = arith.constant 0 : i32
    %c0_i32_1 = arith.constant 0 : i32
    return %c0_i32, %c0_i32_0 : i32, i32
  }
  func.func @transform_10(%arg0: i32) -> (i32, i32) {
    %c0_i32 = arith.constant 0 : i32
    %c0_i32_0 = arith.constant 0 : i32
    %c0_i32_1 = arith.constant 0 : i32
    return %c0_i32, %c0_i32_0 : i32, i32
  }
  func.func @transform_11(%arg0: i32) -> (i32, i32) {
    %c0_i32 = arith.constant 0 : i32
    %c0_i32_0 = arith.constant 0 : i32
    %c0_i32_1 = arith.constant 0 : i32
    return %c0_i32, %c0_i32_0 : i32, i32
  }
  func.func @transform_12(%arg0: i32) -> (i32, i32) {
    %c0_i32 = arith.constant 0 : i32
    %c0_i32_0 = arith.constant 0 : i32
    %c0_i32_1 = arith.constant 0 : i32
    return %c0_i32, %c0_i32_0 : i32, i32
  }
  func.func @transform_13(%arg0: i32) -> (i32, i32) {
    %c0_i32 = arith.constant 0 : i32
    %c0_i32_0 = arith.constant 0 : i32
    %c0_i32_1 = arith.constant 0 : i32
    return %c0_i32, %c0_i32_0 : i32, i32
  }
  func.func @transform_14(%arg0: i32) -> (i32, i32) {
    %c0_i32 = arith.constant 0 : i32
    %c0_i32_0 = arith.constant 0 : i32
    %c0_i32_1 = arith.constant 0 : i32
    return %c0_i32, %c0_i32_0 : i32, i32
  }
  func.func @transform_15(%arg0: i32) -> (i32, i32) {
    %c0_i32 = arith.constant 0 : i32
    %c0_i32_0 = arith.constant 0 : i32
    %c0_i32_1 = arith.constant 0 : i32
    return %c0_i32, %c0_i32_0 : i32, i32
  }
  func.func @transform_16(%arg0: i32) -> (i32, i32) {
    %c0_i32 = arith.constant 0 : i32
    %c0_i32_0 = arith.constant 0 : i32
    %c0_i32_1 = arith.constant 0 : i32
    return %c0_i32, %c0_i32_0 : i32, i32
  }
  func.func @transform_17(%arg0: i32) -> (i32, i32) {
    %c0_i32 = arith.constant 0 : i32
    %c0_i32_0 = arith.constant 0 : i32
    %c0_i32_1 = arith.constant 0 : i32
    return %c0_i32, %c0_i32_0 : i32, i32
  }
}

module attributes {stable_mosaic.version = 14 : i64} {
  func.func @_b1_body(%arg0: memref<10000x128xf32, #tpu.memory_space<vmem>>, %arg1: memref<10000x128xf32, #tpu.memory_space<vmem>>, %arg2: memref<10000x1xf32, #tpu.memory_space<vmem>>, %arg3: memref<10000x1xf32, #tpu.memory_space<vmem>>, %arg4: memref<168x128xf32, #tpu.memory_space<vmem>>, %arg5: memref<4x128xf32, #tpu.memory_space<vmem>>, %arg6: memref<16x128xf32, #tpu.memory_space<vmem>>, %arg7: memref<366x128xf32, #tpu.memory_space<vmem>>, %arg8: memref<12x128xf32, #tpu.memory_space<vmem>>, %arg9: memref<168x1xf32, #tpu.memory_space<vmem>>, %arg10: memref<4x1xf32, #tpu.memory_space<vmem>>, %arg11: memref<16x1xf32, #tpu.memory_space<vmem>>, %arg12: memref<366x1xf32, #tpu.memory_space<vmem>>, %arg13: memref<12x1xf32, #tpu.memory_space<vmem>>, %arg14: memref<10000x128xf32, #tpu.memory_space<vmem>>, %arg15: memref<10000x128xf32, #tpu.memory_space<vmem>>, %arg16: memref<168x128xf32, #tpu.memory_space<vmem>>, %arg17: memref<4x128xf32, #tpu.memory_space<vmem>>, %arg18: memref<16x128xf32, #tpu.memory_space<vmem>>, %arg19: memref<366x128xf32, #tpu.memory_space<vmem>>, %arg20: memref<12x128xf32, #tpu.memory_space<vmem>>) attributes {dimension_semantics = [], scalar_prefetch = 0 : i64, scratch_operands = 0 : i64, tpu.core_type = #tpu.core_type<tc>} {
    %get3A = arith.constant 0 : index
    %get3A_0 = arith.constant 0 : index
    %get3A_1 = vector.load %arg0[%get3A, %get3A_0] : memref<10000x128xf32, #tpu.memory_space<vmem>>, vector<10000x128xf32>
    %get3A_2 = arith.constant 0 : index
    %get3A_3 = arith.constant 0 : index
    %get3A_4 = vector.load %arg2[%get3A_2, %get3A_3] : memref<10000x1xf32, #tpu.memory_space<vmem>>, vector<10000x1xf32>
    %add3A = arith.constant 9.99999971E-10 : f32
    %add3A_5 = vector.broadcast %add3A : f32 to vector<10000x1xf32>
    %add3A_6 = arith.addf %get3A_4, %add3A_5 : vector<10000x1xf32>
    %div3A = vector.broadcast %add3A_6 : vector<10000x1xf32> to vector<10000x128xf32>
    %div3A_7 = arith.divf %get3A_1, %div3A : vector<10000x128xf32>
    %swap3A = arith.constant 0 : index
    %swap3A_8 = arith.constant 0 : index
    %swap3A_9 = vector.load %arg14[%swap3A, %swap3A_8] : memref<10000x128xf32, #tpu.memory_space<vmem>>, vector<10000x128xf32>
    tpu.vector_store %arg14[%swap3A, %swap3A_8], %div3A_7 {strides = array<i32>} : memref<10000x128xf32, #tpu.memory_space<vmem>>, vector<10000x128xf32>,
    %get3A_10 = arith.constant 0 : index
    %get3A_11 = arith.constant 0 : index
    %get3A_12 = vector.load %arg1[%get3A_10, %get3A_11] : memref<10000x128xf32, #tpu.memory_space<vmem>>, vector<10000x128xf32>
    %get3A_13 = arith.constant 0 : index
    %get3A_14 = arith.constant 0 : index
    %get3A_15 = vector.load %arg3[%get3A_13, %get3A_14] : memref<10000x1xf32, #tpu.memory_space<vmem>>, vector<10000x1xf32>
    %add3A_16 = arith.constant 9.99999971E-10 : f32
    %add3A_17 = vector.broadcast %add3A_16 : f32 to vector<10000x1xf32>
    %add3A_18 = arith.addf %get3A_15, %add3A_17 : vector<10000x1xf32>
    %div3A_19 = vector.broadcast %add3A_18 : vector<10000x1xf32> to vector<10000x128xf32>
    %div3A_20 = arith.divf %get3A_12, %div3A_19 : vector<10000x128xf32>
    %swap3A_21 = arith.constant 0 : index
    %swap3A_22 = arith.constant 0 : index
    %swap3A_23 = vector.load %arg15[%swap3A_21, %swap3A_22] : memref<10000x128xf32, #tpu.memory_space<vmem>>, vector<10000x128xf32>
    tpu.vector_store %arg15[%swap3A_21, %swap3A_22], %div3A_20 {strides = array<i32>} : memref<10000x128xf32, #tpu.memory_space<vmem>>, vector<10000x128xf32>,
    %get3A_24 = arith.constant 0 : index
    %get3A_25 = arith.constant 0 : index
    %get3A_26 = vector.load %arg4[%get3A_24, %get3A_25] : memref<168x128xf32, #tpu.memory_space<vmem>>, vector<168x128xf32>
    %get3A_27 = arith.constant 0 : index
    %get3A_28 = arith.constant 0 : index
    %get3A_29 = vector.load %arg9[%get3A_27, %get3A_28] : memref<168x1xf32, #tpu.memory_space<vmem>>, vector<168x1xf32>
    %add3A_30 = arith.constant 9.99999971E-10 : f32
    %add3A_31 = vector.broadcast %add3A_30 : f32 to vector<168x1xf32>
    %add3A_32 = arith.addf %get3A_29, %add3A_31 : vector<168x1xf32>
    %div3A_33 = vector.broadcast %add3A_32 : vector<168x1xf32> to vector<168x128xf32>
    %div3A_34 = arith.divf %get3A_26, %div3A_33 : vector<168x128xf32>
    %swap3A_35 = arith.constant 0 : index
    %swap3A_36 = arith.constant 0 : index
    %swap3A_37 = vector.load %arg16[%swap3A_35, %swap3A_36] : memref<168x128xf32, #tpu.memory_space<vmem>>, vector<168x128xf32>
    tpu.vector_store %arg16[%swap3A_35, %swap3A_36], %div3A_34 {strides = array<i32>} : memref<168x128xf32, #tpu.memory_space<vmem>>, vector<168x128xf32>,
    %get3A_38 = arith.constant 0 : index
    %get3A_39 = arith.constant 0 : index
    %get3A_40 = vector.load %arg5[%get3A_38, %get3A_39] : memref<4x128xf32, #tpu.memory_space<vmem>>, vector<4x128xf32>
    %get3A_41 = arith.constant 0 : index
    %get3A_42 = arith.constant 0 : index
    %get3A_43 = vector.load %arg10[%get3A_41, %get3A_42] : memref<4x1xf32, #tpu.memory_space<vmem>>, vector<4x1xf32>
    %add3A_44 = arith.constant 9.99999971E-10 : f32
    %add3A_45 = vector.broadcast %add3A_44 : f32 to vector<4x1xf32>
    %add3A_46 = arith.addf %get3A_43, %add3A_45 : vector<4x1xf32>
    %div3A_47 = vector.broadcast %add3A_46 : vector<4x1xf32> to vector<4x128xf32>
    %div3A_48 = arith.divf %get3A_40, %div3A_47 : vector<4x128xf32>
    %swap3A_49 = arith.constant 0 : index
    %swap3A_50 = arith.constant 0 : index
    %swap3A_51 = vector.load %arg17[%swap3A_49, %swap3A_50] : memref<4x128xf32, #tpu.memory_space<vmem>>, vector<4x128xf32>
    tpu.vector_store %arg17[%swap3A_49, %swap3A_50], %div3A_48 {strides = array<i32>} : memref<4x128xf32, #tpu.memory_space<vmem>>, vector<4x128xf32>,
    %get3A_52 = arith.constant 0 : index
    %get3A_53 = arith.constant 0 : index
    %get3A_54 = vector.load %arg6[%get3A_52, %get3A_53] : memref<16x128xf32, #tpu.memory_space<vmem>>, vector<16x128xf32>
    %get3A_55 = arith.constant 0 : index
    %get3A_56 = arith.constant 0 : index
    %get3A_57 = vector.load %arg11[%get3A_55, %get3A_56] : memref<16x1xf32, #tpu.memory_space<vmem>>, vector<16x1xf32>
    %add3A_58 = arith.constant 9.99999971E-10 : f32
    %add3A_59 = vector.broadcast %add3A_58 : f32 to vector<16x1xf32>
    %add3A_60 = arith.addf %get3A_57, %add3A_59 : vector<16x1xf32>
    %div3A_61 = vector.broadcast %add3A_60 : vector<16x1xf32> to vector<16x128xf32>
    %div3A_62 = arith.divf %get3A_54, %div3A_61 : vector<16x128xf32>
    %swap3A_63 = arith.constant 0 : index
    %swap3A_64 = arith.constant 0 : index
    %swap3A_65 = vector.load %arg18[%swap3A_63, %swap3A_64] : memref<16x128xf32, #tpu.memory_space<vmem>>, vector<16x128xf32>
    tpu.vector_store %arg18[%swap3A_63, %swap3A_64], %div3A_62 {strides = array<i32>} : memref<16x128xf32, #tpu.memory_space<vmem>>, vector<16x128xf32>,
    %get3A_66 = arith.constant 0 : index
    %get3A_67 = arith.constant 0 : index
    %get3A_68 = vector.load %arg7[%get3A_66, %get3A_67] : memref<366x128xf32, #tpu.memory_space<vmem>>, vector<366x128xf32>
    %get3A_69 = arith.constant 0 : index
    %get3A_70 = arith.constant 0 : index
    %get3A_71 = vector.load %arg12[%get3A_69, %get3A_70] : memref<366x1xf32, #tpu.memory_space<vmem>>, vector<366x1xf32>
    %add3A_72 = arith.constant 9.99999971E-10 : f32
    %add3A_73 = vector.broadcast %add3A_72 : f32 to vector<366x1xf32>
    %add3A_74 = arith.addf %get3A_71, %add3A_73 : vector<366x1xf32>
    %div3A_75 = vector.broadcast %add3A_74 : vector<366x1xf32> to vector<366x128xf32>
    %div3A_76 = arith.divf %get3A_68, %div3A_75 : vector<366x128xf32>
    %swap3A_77 = arith.constant 0 : index
    %swap3A_78 = arith.constant 0 : index
    %swap3A_79 = vector.load %arg19[%swap3A_77, %swap3A_78] : memref<366x128xf32, #tpu.memory_space<vmem>>, vector<366x128xf32>
    tpu.vector_store %arg19[%swap3A_77, %swap3A_78], %div3A_76 {strides = array<i32>} : memref<366x128xf32, #tpu.memory_space<vmem>>, vector<366x128xf32>,
    %get3A_80 = arith.constant 0 : index
    %get3A_81 = arith.constant 0 : index
    %get3A_82 = vector.load %arg8[%get3A_80, %get3A_81] : memref<12x128xf32, #tpu.memory_space<vmem>>, vector<12x128xf32>
    %get3A_83 = arith.constant 0 : index
    %get3A_84 = arith.constant 0 : index
    %get3A_85 = vector.load %arg13[%get3A_83, %get3A_84] : memref<12x1xf32, #tpu.memory_space<vmem>>, vector<12x1xf32>
    %add3A_86 = arith.constant 9.99999971E-10 : f32
    %add3A_87 = vector.broadcast %add3A_86 : f32 to vector<12x1xf32>
    %add3A_88 = arith.addf %get3A_85, %add3A_87 : vector<12x1xf32>
    %div3A_89 = vector.broadcast %add3A_88 : vector<12x1xf32> to vector<12x128xf32>
    %div3A_90 = arith.divf %get3A_82, %div3A_89 : vector<12x128xf32>
    %swap3A_91 = arith.constant 0 : index
    %swap3A_92 = arith.constant 0 : index
    %swap3A_93 = vector.load %arg20[%swap3A_91, %swap3A_92] : memref<12x128xf32, #tpu.memory_space<vmem>>, vector<12x128xf32>
    tpu.vector_store %arg20[%swap3A_91, %swap3A_92], %div3A_90 {strides = array<i32>} : memref<12x128xf32, #tpu.memory_space<vmem>>, vector<12x128xf32>,
    return
  }
}

module attributes {stable_mosaic.version = 14 : i64} {
  func.func @_b2_body(%arg0: i32, %arg1: memref<200x128xf32, #tpu.memory_space<vmem>>, %arg2: memref<10000x128xf32, #tpu.memory_space<vmem>>, %arg3: memref<128x10000xf32, #tpu.memory_space<vmem>>, %arg4: memref<200x128xf32, #tpu.memory_space<vmem>>) attributes {dimension_semantics = [#tpu.dimension_semantics<arbitrary>], iteration_bounds = array<i64: 50>, scalar_prefetch = 0 : i64, scratch_operands = 0 : i64, tpu.core_type = #tpu.core_type<tc>, window_params = [{transform_indices = @transform_0, window_bounds = array<i64: 200, 128>}, {pipeline_mode = #tpu.pipeline_mode<synchronous>, transform_indices = @transform_1, window_bounds = array<i64: 10000, 128>}, {pipeline_mode = #tpu.pipeline_mode<synchronous>, transform_indices = @transform_2, window_bounds = array<i64: 128, 10000>}, {transform_indices = @transform_3, window_bounds = array<i64: 200, 128>}]} {
    %get3A = arith.constant 0 : index
    %get3A_0 = arith.constant 0 : index
    %get3A_1 = vector.load %arg1[%get3A, %get3A_0] : memref<200x128xf32, #tpu.memory_space<vmem>>, vector<200x128xf32>
    %get3A_2 = arith.constant 0 : index
    %get3A_3 = arith.constant 0 : index
    %get3A_4 = vector.load %arg2[%get3A_2, %get3A_3] : memref<10000x128xf32, #tpu.memory_space<vmem>>, vector<10000x128xf32>
    %get3A_5 = arith.constant 0 : index
    %get3A_6 = arith.constant 0 : index
    %get3A_7 = vector.load %arg3[%get3A_5, %get3A_6] : memref<128x10000xf32, #tpu.memory_space<vmem>>, vector<128x10000xf32>
    %mul3A = arith.mulf %get3A_1, %get3A_1 : vector<200x128xf32>
    %reduce_sum3A = arith.constant dense<0.000000e+00> : vector<200xf32>
    %reduce_sum3A_8 = vector.multi_reduction <add>, %mul3A, %reduce_sum3A [1] : vector<200x128xf32> to vector<200xf32>
    %broadcast_in_dim3A = vector.shape_cast %reduce_sum3A_8 : vector<200xf32> to vector<200x1xf32>
    %mul3A_9 = arith.mulf %get3A_7, %get3A_7 : vector<128x10000xf32>
    %reduce_sum3A_10 = arith.constant dense<0.000000e+00> : vector<10000xf32>
    %reduce_sum3A_11 = vector.multi_reduction <add>, %mul3A_9, %reduce_sum3A_10 [0] : vector<128x10000xf32> to vector<10000xf32>
    %broadcast_in_dim3A_12 = vector.shape_cast %reduce_sum3A_11 : vector<10000xf32> to vector<1x10000xf32>
    %dot_general3A = arith.constant dense<0.000000e+00> : vector<200x10000xf32>
    %dot_general3A_13 = tpu.matmul %get3A_1, %get3A_7, %dot_general3A {dimension_numbers = #tpu.dot_dimension_numbers<[1], [0], [0], [1], [0, 0, 1, 1], [], []>, transpose_lhs_hint = false} : vector<200x128xf32>, vector<128x10000xf32>, vector<200x10000xf32> -> vector<200x10000xf32>
    %add3A = vector.broadcast %broadcast_in_dim3A : vector<200x1xf32> to vector<200x10000xf32>
    %add3A_14 = vector.broadcast %broadcast_in_dim3A_12 : vector<1x10000xf32> to vector<200x10000xf32>
    %add3A_15 = arith.addf %add3A, %add3A_14 : vector<200x10000xf32>
    %mul3A_16 = arith.constant 2.000000e+00 : f32
    %mul3A_17 = vector.broadcast %mul3A_16 : f32 to vector<200x10000xf32>
    %mul3A_18 = arith.mulf %mul3A_17, %dot_general3A_13 : vector<200x10000xf32>
    %sub3A = arith.subf %add3A_15, %mul3A_18 : vector<200x10000xf32>
    %max3A = arith.constant 0.000000e+00 : f32
    %max3A_19 = vector.broadcast %max3A : f32 to vector<200x10000xf32>
    %max3A_20 = arith.maximumf %sub3A, %max3A_19 : vector<200x10000xf32>
    %sqrt3A = math.sqrt %max3A_20 : vector<200x10000xf32>
    %iota3A = tpu.iota {dimensions = array<i32: 1>} : vector<200x10000xi32>
    %broadcast_in_dim3A_21 = arith.constant 0.000000e+00 : f32
    %broadcast_in_dim3A_22 = vector.broadcast %broadcast_in_dim3A_21 : f32 to vector<200x10000xf32>
    %reduce_min3A = arith.constant dense<0x7F800000> : vector<200xf32>
    %reduce_min3A_23 = vector.multi_reduction <minimumf>, %sqrt3A, %reduce_min3A [1] : vector<200x10000xf32> to vector<200xf32>
    %broadcast_in_dim3A_24 = vector.shape_cast %reduce_min3A_23 : vector<200xf32> to vector<200x1xf32>
    %eq3A = vector.broadcast %broadcast_in_dim3A_24 : vector<200x1xf32> to vector<200x10000xf32>
    %eq3A_25 = arith.cmpf oeq, %sqrt3A, %eq3A : vector<200x10000xf32>
    %jit3A = arith.constant 2147483647 : i32
    %broadcast_in_dim3A_26 = vector.broadcast %jit3A : i32 to vector<200x10000xi32>
    %select_n3A = arith.select %eq3A_25, %iota3A, %broadcast_in_dim3A_26 : vector<200x10000xi1>, vector<200x10000xi32>
    %reduce_min3A_27 = arith.constant dense<2147483647> : vector<200xi32>
    %reduce_min3A_28 = vector.multi_reduction <minsi>, %select_n3A, %reduce_min3A_27 [1] : vector<200x10000xi32> to vector<200xi32>
    %broadcast_in_dim3A_29 = vector.shape_cast %reduce_min3A_28 : vector<200xi32> to vector<200x1xi32>
    %eq3A_30 = vector.broadcast %broadcast_in_dim3A_29 : vector<200x1xi32> to vector<200x10000xi32>
    %eq3A_31 = arith.cmpi eq, %iota3A, %eq3A_30 : vector<200x10000xi32>
    %convert_element_type3A = arith.extui %eq3A_31 : vector<200x10000xi1> to vector<200x10000xi32>
    %convert_element_type3A_32 = arith.sitofp %convert_element_type3A : vector<200x10000xi32> to vector<200x10000xf32>
    %add3A_33 = arith.addf %broadcast_in_dim3A_22, %convert_element_type3A_32 : vector<200x10000xf32>
    %jit3A_34 = arith.constant 3.000000e+38 : f32
    %broadcast_in_dim3A_35 = vector.broadcast %jit3A_34 : f32 to vector<200x10000xf32>
    %select_n3A_36 = arith.select %eq3A_31, %broadcast_in_dim3A_35, %sqrt3A : vector<200x10000xi1>, vector<200x10000xf32>
    %reduce_min3A_37 = arith.constant dense<0x7F800000> : vector<200xf32>
    %reduce_min3A_38 = vector.multi_reduction <minimumf>, %select_n3A_36, %reduce_min3A_37 [1] : vector<200x10000xf32> to vector<200xf32>
    %broadcast_in_dim3A_39 = vector.shape_cast %reduce_min3A_38 : vector<200xf32> to vector<200x1xf32>
    %eq3A_40 = vector.broadcast %broadcast_in_dim3A_39 : vector<200x1xf32> to vector<200x10000xf32>
    %eq3A_41 = arith.cmpf oeq, %select_n3A_36, %eq3A_40 : vector<200x10000xf32>
    %jit3A_42 = arith.constant 2147483647 : i32
    %broadcast_in_dim3A_43 = vector.broadcast %jit3A_42 : i32 to vector<200x10000xi32>
    %select_n3A_44 = arith.select %eq3A_41, %iota3A, %broadcast_in_dim3A_43 : vector<200x10000xi1>, vector<200x10000xi32>
    %reduce_min3A_45 = arith.constant dense<2147483647> : vector<200xi32>
    %reduce_min3A_46 = vector.multi_reduction <minsi>, %select_n3A_44, %reduce_min3A_45 [1] : vector<200x10000xi32> to vector<200xi32>
    %broadcast_in_dim3A_47 = vector.shape_cast %reduce_min3A_46 : vector<200xi32> to vector<200x1xi32>
    %eq3A_48 = vector.broadcast %broadcast_in_dim3A_47 : vector<200x1xi32> to vector<200x10000xi32>
    %eq3A_49 = arith.cmpi eq, %iota3A, %eq3A_48 : vector<200x10000xi32>
    %convert_element_type3A_50 = arith.extui %eq3A_49 : vector<200x10000xi1> to vector<200x10000xi32>
    %convert_element_type3A_51 = arith.sitofp %convert_element_type3A_50 : vector<200x10000xi32> to vector<200x10000xf32>
    %add3A_52 = arith.addf %add3A_33, %convert_element_type3A_51 : vector<200x10000xf32>
    %jit3A_53 = arith.constant 3.000000e+38 : f32
    %broadcast_in_dim3A_54 = vector.broadcast %jit3A_53 : f32 to vector<200x10000xf32>
    %select_n3A_55 = arith.select %eq3A_49, %broadcast_in_dim3A_54, %select_n3A_36 : vector<200x10000xi1>, vector<200x10000xf32>
    %reduce_min3A_56 = arith.constant dense<0x7F800000> : vector<200xf32>
    %reduce_min3A_57 = vector.multi_reduction <minimumf>, %select_n3A_55, %reduce_min3A_56 [1] : vector<200x10000xf32> to vector<200xf32>
    %broadcast_in_dim3A_58 = vector.shape_cast %reduce_min3A_57 : vector<200xf32> to vector<200x1xf32>
    %eq3A_59 = vector.broadcast %broadcast_in_dim3A_58 : vector<200x1xf32> to vector<200x10000xf32>
    %eq3A_60 = arith.cmpf oeq, %select_n3A_55, %eq3A_59 : vector<200x10000xf32>
    %jit3A_61 = arith.constant 2147483647 : i32
    %broadcast_in_dim3A_62 = vector.broadcast %jit3A_61 : i32 to vector<200x10000xi32>
    %select_n3A_63 = arith.select %eq3A_60, %iota3A, %broadcast_in_dim3A_62 : vector<200x10000xi1>, vector<200x10000xi32>
    %reduce_min3A_64 = arith.constant dense<2147483647> : vector<200xi32>
    %reduce_min3A_65 = vector.multi_reduction <minsi>, %select_n3A_63, %reduce_min3A_64 [1] : vector<200x10000xi32> to vector<200xi32>
    %broadcast_in_dim3A_66 = vector.shape_cast %reduce_min3A_65 : vector<200xi32> to vector<200x1xi32>
    %eq3A_67 = vector.broadcast %broadcast_in_dim3A_66 : vector<200x1xi32> to vector<200x10000xi32>
    %eq3A_68 = arith.cmpi eq, %iota3A, %eq3A_67 : vector<200x10000xi32>
    %convert_element_type3A_69 = arith.extui %eq3A_68 : vector<200x10000xi1> to vector<200x10000xi32>
    %convert_element_type3A_70 = arith.sitofp %convert_element_type3A_69 : vector<200x10000xi32> to vector<200x10000xf32>
    %add3A_71 = arith.addf %add3A_52, %convert_element_type3A_70 : vector<200x10000xf32>
    %jit3A_72 = arith.constant 3.000000e+38 : f32
    %broadcast_in_dim3A_73 = vector.broadcast %jit3A_72 : f32 to vector<200x10000xf32>
    %select_n3A_74 = arith.select %eq3A_68, %broadcast_in_dim3A_73, %select_n3A_55 : vector<200x10000xi1>, vector<200x10000xf32>
    %reduce_min3A_75 = arith.constant dense<0x7F800000> : vector<200xf32>
    %reduce_min3A_76 = vector.multi_reduction <minimumf>, %select_n3A_74, %reduce_min3A_75 [1] : vector<200x10000xf32> to vector<200xf32>
    %broadcast_in_dim3A_77 = vector.shape_cast %reduce_min3A_76 : vector<200xf32> to vector<200x1xf32>
    %eq3A_78 = vector.broadcast %broadcast_in_dim3A_77 : vector<200x1xf32> to vector<200x10000xf32>
    %eq3A_79 = arith.cmpf oeq, %select_n3A_74, %eq3A_78 : vector<200x10000xf32>
    %jit3A_80 = arith.constant 2147483647 : i32
    %broadcast_in_dim3A_81 = vector.broadcast %jit3A_80 : i32 to vector<200x10000xi32>
    %select_n3A_82 = arith.select %eq3A_79, %iota3A, %broadcast_in_dim3A_81 : vector<200x10000xi1>, vector<200x10000xi32>
    %reduce_min3A_83 = arith.constant dense<2147483647> : vector<200xi32>
    %reduce_min3A_84 = vector.multi_reduction <minsi>, %select_n3A_82, %reduce_min3A_83 [1] : vector<200x10000xi32> to vector<200xi32>
    %broadcast_in_dim3A_85 = vector.shape_cast %reduce_min3A_84 : vector<200xi32> to vector<200x1xi32>
    %eq3A_86 = vector.broadcast %broadcast_in_dim3A_85 : vector<200x1xi32> to vector<200x10000xi32>
    %eq3A_87 = arith.cmpi eq, %iota3A, %eq3A_86 : vector<200x10000xi32>
    %convert_element_type3A_88 = arith.extui %eq3A_87 : vector<200x10000xi1> to vector<200x10000xi32>
    %convert_element_type3A_89 = arith.sitofp %convert_element_type3A_88 : vector<200x10000xi32> to vector<200x10000xf32>
    %add3A_90 = arith.addf %add3A_71, %convert_element_type3A_89 : vector<200x10000xf32>
    %jit3A_91 = arith.constant 3.000000e+38 : f32
    %broadcast_in_dim3A_92 = vector.broadcast %jit3A_91 : f32 to vector<200x10000xf32>
    %select_n3A_93 = arith.select %eq3A_87, %broadcast_in_dim3A_92, %select_n3A_74 : vector<200x10000xi1>, vector<200x10000xf32>
    %reduce_min3A_94 = arith.constant dense<0x7F800000> : vector<200xf32>
    %reduce_min3A_95 = vector.multi_reduction <minimumf>, %select_n3A_93, %reduce_min3A_94 [1] : vector<200x10000xf32> to vector<200xf32>
    %broadcast_in_dim3A_96 = vector.shape_cast %reduce_min3A_95 : vector<200xf32> to vector<200x1xf32>
    %eq3A_97 = vector.broadcast %broadcast_in_dim3A_96 : vector<200x1xf32> to vector<200x10000xf32>
    %eq3A_98 = arith.cmpf oeq, %select_n3A_93, %eq3A_97 : vector<200x10000xf32>
    %jit3A_99 = arith.constant 2147483647 : i32
    %broadcast_in_dim3A_100 = vector.broadcast %jit3A_99 : i32 to vector<200x10000xi32>
    %select_n3A_101 = arith.select %eq3A_98, %iota3A, %broadcast_in_dim3A_100 : vector<200x10000xi1>, vector<200x10000xi32>
    %reduce_min3A_102 = arith.constant dense<2147483647> : vector<200xi32>
    %reduce_min3A_103 = vector.multi_reduction <minsi>, %select_n3A_101, %reduce_min3A_102 [1] : vector<200x10000xi32> to vector<200xi32>
    %broadcast_in_dim3A_104 = vector.shape_cast %reduce_min3A_103 : vector<200xi32> to vector<200x1xi32>
    %eq3A_105 = vector.broadcast %broadcast_in_dim3A_104 : vector<200x1xi32> to vector<200x10000xi32>
    %eq3A_106 = arith.cmpi eq, %iota3A, %eq3A_105 : vector<200x10000xi32>
    %convert_element_type3A_107 = arith.extui %eq3A_106 : vector<200x10000xi1> to vector<200x10000xi32>
    %convert_element_type3A_108 = arith.sitofp %convert_element_type3A_107 : vector<200x10000xi32> to vector<200x10000xf32>
    %add3A_109 = arith.addf %add3A_90, %convert_element_type3A_108 : vector<200x10000xf32>
    %jit3A_110 = arith.constant 3.000000e+38 : f32
    %broadcast_in_dim3A_111 = vector.broadcast %jit3A_110 : f32 to vector<200x10000xf32>
    %select_n3A_112 = arith.select %eq3A_106, %broadcast_in_dim3A_111, %select_n3A_93 : vector<200x10000xi1>, vector<200x10000xf32>
    %reduce_min3A_113 = arith.constant dense<0x7F800000> : vector<200xf32>
    %reduce_min3A_114 = vector.multi_reduction <minimumf>, %select_n3A_112, %reduce_min3A_113 [1] : vector<200x10000xf32> to vector<200xf32>
    %broadcast_in_dim3A_115 = vector.shape_cast %reduce_min3A_114 : vector<200xf32> to vector<200x1xf32>
    %eq3A_116 = vector.broadcast %broadcast_in_dim3A_115 : vector<200x1xf32> to vector<200x10000xf32>
    %eq3A_117 = arith.cmpf oeq, %select_n3A_112, %eq3A_116 : vector<200x10000xf32>
    %jit3A_118 = arith.constant 2147483647 : i32
    %broadcast_in_dim3A_119 = vector.broadcast %jit3A_118 : i32 to vector<200x10000xi32>
    %select_n3A_120 = arith.select %eq3A_117, %iota3A, %broadcast_in_dim3A_119 : vector<200x10000xi1>, vector<200x10000xi32>
    %reduce_min3A_121 = arith.constant dense<2147483647> : vector<200xi32>
    %reduce_min3A_122 = vector.multi_reduction <minsi>, %select_n3A_120, %reduce_min3A_121 [1] : vector<200x10000xi32> to vector<200xi32>
    %broadcast_in_dim3A_123 = vector.shape_cast %reduce_min3A_122 : vector<200xi32> to vector<200x1xi32>
    %eq3A_124 = vector.broadcast %broadcast_in_dim3A_123 : vector<200x1xi32> to vector<200x10000xi32>
    %eq3A_125 = arith.cmpi eq, %iota3A, %eq3A_124 : vector<200x10000xi32>
    %convert_element_type3A_126 = arith.extui %eq3A_125 : vector<200x10000xi1> to vector<200x10000xi32>
    %convert_element_type3A_127 = arith.sitofp %convert_element_type3A_126 : vector<200x10000xi32> to vector<200x10000xf32>
    %add3A_128 = arith.addf %add3A_109, %convert_element_type3A_127 : vector<200x10000xf32>
    %convert_element_type3A_129 = arith.truncf %add3A_128 : vector<200x10000xf32> to vector<200x10000xbf16>
    %convert_element_type3A_130 = arith.truncf %get3A_4 : vector<10000x128xf32> to vector<10000x128xbf16>
    %convert_element_type3A_131 = arith.extf %convert_element_type3A_130 : vector<10000x128xbf16> to vector<10000x128xf32>
    %sub3A_132 = arith.subf %get3A_4, %convert_element_type3A_131 : vector<10000x128xf32>
    %convert_element_type3A_133 = arith.truncf %sub3A_132 : vector<10000x128xf32> to vector<10000x128xbf16>
    %dot_general3A_134 = arith.constant dense<0.000000e+00> : vector<200x128xf32>
    %dot_general3A_135 = tpu.matmul %convert_element_type3A_129, %convert_element_type3A_130, %dot_general3A_134 {dimension_numbers = #tpu.dot_dimension_numbers<[1], [0], [0], [1], [0, 0, 1, 1], [], []>, transpose_lhs_hint = false} : vector<200x10000xbf16>, vector<10000x128xbf16>, vector<200x128xf32> -> vector<200x128xf32>
    %dot_general3A_136 = arith.constant dense<0.000000e+00> : vector<200x128xf32>
    %dot_general3A_137 = tpu.matmul %convert_element_type3A_129, %convert_element_type3A_133, %dot_general3A_136 {dimension_numbers = #tpu.dot_dimension_numbers<[1], [0], [0], [1], [0, 0, 1, 1], [], []>, transpose_lhs_hint = false} : vector<200x10000xbf16>, vector<10000x128xbf16>, vector<200x128xf32> -> vector<200x128xf32>
    %add3A_138 = arith.addf %dot_general3A_135, %dot_general3A_137 : vector<200x128xf32>
    %mul3A_139 = arith.constant 0.166666672 : f32
    %mul3A_140 = vector.broadcast %mul3A_139 : f32 to vector<200x128xf32>
    %mul3A_141 = arith.mulf %add3A_138, %mul3A_140 : vector<200x128xf32>
    %swap3A = arith.constant 0 : index
    %swap3A_142 = arith.constant 0 : index
    %swap3A_143 = vector.load %arg4[%swap3A, %swap3A_142] : memref<200x128xf32, #tpu.memory_space<vmem>>, vector<200x128xf32>
    tpu.vector_store %arg4[%swap3A, %swap3A_142], %mul3A_141 {strides = array<i32>} : memref<200x128xf32, #tpu.memory_space<vmem>>, vector<200x128xf32>,
    return
  }
  func.func @transform_0(%arg0: i32) -> (i32, i32) {
    %c0_i32 = arith.constant 0 : i32
    %c0_i32_0 = arith.constant 0 : i32
    return %arg0, %c0_i32 : i32, i32
  }
  func.func @transform_1(%arg0: i32) -> (i32, i32) {
    %c0_i32 = arith.constant 0 : i32
    %c0_i32_0 = arith.constant 0 : i32
    %c0_i32_1 = arith.constant 0 : i32
    return %c0_i32, %c0_i32_0 : i32, i32
  }
  func.func @transform_2(%arg0: i32) -> (i32, i32) {
    %c0_i32 = arith.constant 0 : i32
    %c0_i32_0 = arith.constant 0 : i32
    %c0_i32_1 = arith.constant 0 : i32
    return %c0_i32, %c0_i32_0 : i32, i32
  }
  func.func @transform_3(%arg0: i32) -> (i32, i32) {
    %c0_i32 = arith.constant 0 : i32
    %c0_i32_0 = arith.constant 0 : i32
    return %arg0, %c0_i32 : i32, i32
  }
}

</mosaic_0001>

<sc_bundles>
// kernel: kernel.6.cloned.1.call-start
scs
__scs_entry_jumppad:
0x0: {  	(pc) =	sbr.rel $0x88, $3  }
0x1: {  	(tag) =	ssettag $0x0;
	lr =	simm.s32 $0x1  }
0x2: {  	[smem:$0x3F96] =	sst lr;
	_ =	strace $0xD0000000  }
0x3: {  	_ = 	snop  }
0x4: {  	_ = 	snop  }
0x5: {  	_ = 	snop  }
0x6: {  	_ = 	snop  }
0x7: {  	_ = 	snop  }
__scs_overlays_trampoline_lowered:
0x8: {  	[smem:$0x3FA5] =	sst s0  }
0x9: {  	[smem:$0x3FA6] =	sst s1  }
0xa: {  	[smem:$0x3FA7] =	sst s2  }
0xb: {  	[smem:$0x3FA8] =	sst s3  }
0xc: {  	[smem:$0x3FA9] =	sst s4  }
0xd: {  	[smem:$0x3FAA] =	sst s5  }
0xe: {  	[smem:$0x3FAB] =	sst s6  }
0xf: {  	[smem:$0x3FAC] =	sst s7  }
0x10: {  	[smem:$0x3FAD] =	sst s8  }
0x11: {  	[smem:$0x3FAE] =	sst s9;
	s0 =	simm.s32 @!p0 $0x0  }
0x12: {  	s1 =	sld [smem:$0x3F94];
	s0 =	simm.s32 @p0 $0x1  }
0x13: {  	[smem:$0x3FAF] =	sst s0;
	s0 =	simm.s32 @!p1 $0x0  }
0x14: {  	s2 =	sld [smem:$0x3F93];
	s0 =	simm.s32 @p1 $0x1  }
0x15: {  	[smem:$0x3FB0] =	sst s0;
	s0 =	simm.s32 @!p2 $0x0  }
0x16: {  	s3 =	sld [smem:$0x3FDB];
	s0 =	simm.s32 @p2 $0x1  }
0x17: {  	s4 =	simm.s32 $0x1BF5;
	[smem:$0x3FB2] =	sst s0  }
0x18: {  	s0 =	sld [smem:$0x3F95];
	_ =	swait.ge [sflag:s4], $0x0  }
0x19: {  	s7 =	sld [smem:$0x3F96]  }
0x1a: {  	s8 =	sadd.s32 $0xFFFFE003, lr  }
0x1b: {  	s9 =	sadd.s32 $0xFFFFFEF7, lr;
	s5 =	simm.s32 $0xFFFFFFFF;
	p2 =	slt.u32 s8, $0xFFFFF086  }
0x1c: {  	p1 =	slt.u32 s9, $0xF7A;
	s5 =	simm.s32 @!p2 $0x0  }
0x1d: {  	s5 =	simm.s32 @p1 $0x1;
	p0 =	seq.s32 s7, s2  }
0x1e: {  	s7 =	smul.u32 @!p0 $0xF7A, s2;
	p2 =	seq.s32 @!p0 s5, $0x0  }
0x1f: {  	s9 =	smul.u32 $0xF7A, s1;
	s8 =	simm.s32 @!p0 $0x1BF5;
	p2 =	por !p2, p0  }
0x20: {  	[sflag:s8] =	ssyncset.s32 @!p0 $0xFFFFF086;
	s6 =	sadd.s32 @!p0 s3, s7;
	s7 =	simm.s32 @!p0 $0x108  }
0x21: {  	s3 =	sadd.s32 s3, s9;
	s6 =	sadd.s32 @!p0 $0x88, s6;
	s7 =	simm.s32 @p2 $0x1082  }
0x22: {  	[simem:s7], [sflag:s8] =	dma.local @!p0 [hbm:s6], $0xF7A  }
0x23: {  	s9 =	sor.u32 $0xD0000000, s2;
	s6 =	simm.s32 $0x108;
	_ =	swait.ge @!p0 [sflag:s8], $0x0  }
0x24: {  	s3 =	sadd.s32 $0x88, s3;
	s6 =	simm.s32 @!p1 $0x1082;
	[sflag:s4] =	ssyncset.s32 $0xFFFFF086  }
0x25: {  	[simem:s6], [sflag:s4] =	dma.local [hbm:s3], $0xF7A  }
0x26: {  	[smem:$0x3F96] =	sst s1;
	(tag) =	ssettag s2;
	_ =	strace s9  }
0x27: {  	s1 =	sld [smem:$0x3FA6]  }
0x28: {  	s2 =	sld [smem:$0x3FA7]  }
0x29: {  	s4 =	sld [smem:$0x3FA9]  }
0x2a: {  	p0 =	seq.s32 s5, $0x0;
	s5 =	sld [smem:$0x3FAA]  }
0x2b: {  	s6 =	sld [smem:$0x3FAB]  }
0x2c: {  	s7 =	sld [smem:$0x3FAC]  }
0x2d: {  	s3 =	simm.s32 $0x108;
	s8 =	sld [smem:$0x3FAD]  }
0x2e: {  	s3 =	simm.s32 @!p0 $0x1082;
	s9 =	sld [smem:$0x3FAE]  }
0x2f: {  	lr =	sadd.s32 s0, s3;
	s0 =	sld [smem:$0x3FA5]  }
0x30: {  	s3 =	sld [smem:$0x3FA8]  }
0x31: {  	[smem:$0x3FB1] =	sst s10  }
0x32: {  	s10 =	sld [smem:$0x3FAF];
	_ =	sdelay $0x3  }
0x33: {  	p0 =	seq.s32 s10, $0x1;
	s10 =	sld [smem:$0x3FB1];
	_ =	sdelay $0x3  }
0x34: {  	[smem:$0x3FB1] =	sst s10  }
0x35: {  	s10 =	sld [smem:$0x3FB0];
	_ =	sdelay $0x3  }
0x36: {  	p1 =	seq.s32 s10, $0x1;
	s10 =	sld [smem:$0x3FB1];
	_ =	sdelay $0x3  }
0x37: {  	[smem:$0x3FB1] =	sst s10  }
0x38: {  	s10 =	sld [smem:$0x3FB2]  }
0x39: {  	_ = 	snop;
	(pc) =	sbr.ind lr, $3  }
0x3a: {  	_ = 	snop  }
0x3b: {  	_ = 	snop  }
0x3c: {  	p2 =	seq.s32 s10, $0x1;
	s10 =	sld [smem:$0x3FB1]  }
0x3d: {  	_ =	shalt  }
0x3e: {  	_ =	shalt  }
0x3f: {  	_ =	shalt  }
0x40: {  	_ =	shalt  }
0x41: {  	_ =	shalt  }
0x42: {  	_ =	shalt  }
0x43: {  	_ =	shalt  }
0x44: {  	_ =	shalt  }
0x45: {  	_ =	shalt  }
0x46: {  	_ =	shalt  }
0x47: {  	_ =	shalt  }
0x48: {  	_ =	shalt  }
0x49: {  	_ =	shalt  }
0x4a: {  	_ =	shalt  }
0x4b: {  	_ =	shalt  }
0x4c: {  	_ =	shalt  }
0x4d: {  	_ =	shalt  }
0x4e: {  	_ =	shalt  }
0x4f: {  	_ =	shalt  }
0x50: {  	_ =	shalt  }
0x51: {  	_ =	shalt  }
0x52: {  	_ =	shalt  }
0x53: {  	_ =	shalt  }
0x54: {  	_ =	shalt  }
0x55: {  	_ =	shalt  }
0x56: {  	_ =	shalt  }
0x57: {  	_ =	shalt  }
0x58: {  	_ =	shalt  }
0x59: {  	_ =	shalt  }
0x5a: {  	_ =	shalt  }
0x5b: {  	_ =	shalt  }
0x5c: {  	_ =	shalt  }
0x5d: {  	_ =	shalt  }
0x5e: {  	_ =	shalt  }
0x5f: {  	_ =	shalt  }
0x60: {  	_ =	shalt  }
0x61: {  	_ =	shalt  }
0x62: {  	_ =	shalt  }
0x63: {  	_ =	shalt  }
0x64: {  	_ =	shalt  }
0x65: {  	_ =	shalt  }
0x66: {  	_ =	shalt  }
0x67: {  	_ =	shalt  }
0x68: {  	_ =	shalt  }
0x69: {  	_ =	shalt  }
0x6a: {  	_ =	shalt  }
0x6b: {  	_ =	shalt  }
0x6c: {  	_ =	shalt  }
0x6d: {  	_ =	shalt  }
0x6e: {  	_ =	shalt  }
0x6f: {  	_ =	shalt  }
0x70: {  	_ =	shalt  }
0x71: {  	_ =	shalt  }
0x72: {  	_ =	shalt  }
0x73: {  	_ =	shalt  }
0x74: {  	_ =	shalt  }
0x75: {  	_ =	shalt  }
0x76: {  	_ =	shalt  }
0x77: {  	_ =	shalt  }
0x78: {  	_ =	shalt  }
0x79: {  	_ =	shalt  }
0x7a: {  	_ =	shalt  }
0x7b: {  	_ =	shalt  }
0x7c: {  	_ =	shalt  }
0x7d: {  	_ =	shalt  }
0x7e: {  	_ =	shalt  }
0x7f: {  	_ =	shalt  }
0x80: {  	_ =	shalt  }
0x81: {  	_ =	shalt  }
0x82: {  	_ =	shalt  }
0x83: {  	_ =	shalt  }
0x84: {  	_ =	shalt  }
0x85: {  	_ =	shalt  }
0x86: {  	_ =	shalt  }
0x87: {  	_ =	shalt  }
.Lfunc_end0:
.L_simem_size_0:
called_computation_lowered:
.L_overlay_start_0:
0x88: {  	s2 =	sld [smem:$0x3FD9]  }
0x89: {  	s3 =	sld [smem:$0x3FFE];
	_ =	sdelay $0x1  }
0x8a: {  	s1 =	srdreg.scid  }
0x8b: {  	s0 =	sand.u32 $0x1, s1  }
0x8c: {  	s30 =	sshll.u32 s0, $0xA;
	s2 =	sadd.s32 s3, s2  }
0x8d: {  	s2 =	sadd.s32 s2, s30  }
0x8e: {  	[smem:$0x3FBD] =	sst s2  }
0x8f: {  	_ = 	snop  }
0x90: {  	s2 =	sld [smem:$0x3FC9]  }
0x91: {  	s31 =	sld [smem:$0x3FC8]  }
0x92: {  	s4 =	sld [smem:$0x3FC7]  }
0x93: {  	s5 =	sld [smem:$0x3FC6]  }
0x94: {  	s6 =	sld [smem:$0x3FD0]  }
0x95: {  	s7 =	sld [smem:$0x3FC5]  }
0x96: {  	s8 =	sld [smem:$0x3FC4]  }
0x97: {  	s10 =	simm.s32 $0xA;
	s11 =	simm.s32 $0x10;
	s9 =	sld [smem:$0x3FBF]  }
0x98: {  	[smem:s11], [sflag:s10] =	dma.local [hbm:s6], $0x1  }
0x99: {  	_ =	swait.eq [sflag:s10], $0x1  }
0x9a: {  	s11 =	sld [smem:$0x11];
	[sflag:s10] =	ssyncset.done $0x0  }
0x9b: {  	s17 =	sld [smem:$0x12];
	[sflag:s10] =	ssyncadd.s32 $0xFFFFFFFF  }
0x9c: {  	s18 =	sld [smem:$0x15];
	(tm) =	ssettm $0x1  }
0x9d: {  	s12 =	sld [smem:$0x3FFB];
	_ =	sdelay $0x3  }
0x9e: {  	_ =	strace s12  }
0x9f: {  	s12 =	sld [smem:$0x3FFC];
	_ =	sdelay $0x3  }
0xa0: {  	_ =	strace s12  }
0xa1: {  	s12 =	sld [smem:$0x3FFD];
	_ =	sdelay $0x3  }
0xa2: {  	_ =	strace s12  }
0xa3: {  	_ =	strace $0x8FFFFFFF  }
0xa4: {  	s19 =	sld [smem:$0x3FDB];
	_ =	sdelay $0x1  }
0xa5: {  	s13 =	simm.s32 $_scs_section_size  }
0xa6: {  	s14 =	simm.s32 $_size__tile_overlayer_lowered;
	s15 =	simm.s32 $_tile_overlayer_lowered  }
0xa7: {  	s22 =	simm.s32 $0x1BFF;
	s21 =	sshll.u32 s15, $0x1;
	s12 =	sadd.s32 s13, s19  }
0xa8: {  	s16 =	simm.s32 $0x0;
	s20 =	sshll.u32 s14, $0x1;
	s14 =	sadd.s32 s21, s12  }
0xa9: {  	[timem:s16], [sflag:s22] =	dma.local [hbm:s14], s20  }
0xaa: {  	_ =	swait.ge [sflag:s22], s20  }
0xab: {  	s13 =	ssub.s32 $0x0, s20;
	[sflag:s22] =	ssyncset.done $0x0  }
0xac: {  	[sflag:s22] =	ssyncadd.s32 s13;
	_ =	sdelay $0x1  }
0xad: {  	s23 =	simm.s32 $0x1B8B  }
0xae: {  	_ =	swait.ge [sflag:s23], $0x1  }
0xaf: {  	[sflag:s23] =	ssyncset.done $0x0  }
0xb0: {  	s25 =	simm.s32 $0x1B8E;
	s24 =	sld [smem:$0x3FFE];
	[sflag:s23] =	ssyncadd.s32 $0xFFFFFFFF  }
0xb1: {  	s26 =	simm.s32 $execute0_lowered;
	[smem:$0x3FD2] =	sst s25  }
0xb2: {  	s14 =	sshll.u32 s26, $0x1;
	_ =	strace $0x80000046;
	[dreg:$0x1] =	wrdreg $0xFFFFFFFF  }
0xb3: {  	s28 =	simm.s32 $_size_execute0_lowered;
	s12 =	sadd.s32 s12, s14;
	[dreg:$0x0] =	wrdreg $0x0  }
0xb4: {  	s14 =	sshll.u32 s28, $0x1;
	[dreg:$0x2] =	wrdreg s12  }
0xb5: {  	[dreg:$0x3] =	wrdreg s14  }
0xb6: {  	[dreg:$0x4] =	wrdreg $0xC0  }
0xb7: {  	_ =	task [dreg:s16], $0x5FFFF  }
0xb8: {  	[dreg:$0x1] =	wrdreg $0xFFFFFFFF  }
0xb9: {  	[dreg:$0x0] =	wrdreg $0x60  }
0xba: {  	[dreg:$0x2] =	wrdreg s2  }
0xbb: {  	[dreg:$0x3] =	wrdreg s31  }
0xbc: {  	[dreg:$0x4] =	wrdreg s4  }
0xbd: {  	[dreg:$0x5] =	wrdreg s9  }
0xbe: {  	[dreg:$0x6] =	wrdreg s5  }
0xbf: {  	[dreg:$0x7] =	wrdreg s7  }
0xc0: {  	[dreg:$0x8] =	wrdreg s8  }
0xc1: {  	[dreg:$0x9] =	wrdreg s11  }
0xc2: {  	[dreg:$0xa] =	wrdreg s24  }
0xc3: {  	[dreg:$0xb] =	wrdreg s17  }
0xc4: {  	[dreg:$0xc] =	wrdreg s18  }
0xc5: {  	[dreg:$0xd] =	wrdreg $0x0  }
0xc6: {  	[dreg:$0xe] =	wrdreg $0x138800  }
0xc7: {  	[dreg:$0xf] =	wrdreg $0x9  }
0xc8: {  	_ =	task.clear_ibuf [dreg:s16], $0x10FFFF;
	_ =	strace $0x90000046  }
0xc9: {  	s29 =	simm.s32 $0x9;
	_ =	strace $0x80000048  }
0xca: {  	_ =	swait.ge [sflag:s29], $0x1  }
0xcb: {  	[sflag:s29] =	ssyncadd.s32 $0xFFFFFFFF  }
0xcc: {  	_ =	strace $0x90000048  }
0xcd: {  	_ =	sfence  }
0xce: {  	s30 =	sld [smem:$0x0];
	_ =	sdelay $0x2  }
0xcf: {  	s31 =	sshll.u32 s1, $0xD;
	s1 =	sshrl.u32 s1, $0x2  }
0xd0: {  	s3 =	sand.u32 $0x4000, s31;
	s1 =	sadd.s32 s1, s30  }
0xd1: {  	s0 =	sor.u32 s3, s0;
	s1 =	sshll.u32 s1, $0x11  }
0xd2: {  	s0 =	sor.u32 s1, s0  }
0xd3: {  	s0 =	sadd.s32 $0x8F2B, s0  }
0xd4: {  	[sflag:s0] =	ssyncadd.remote.s32 $0x1  }
0xd5: {  	_ =	sfence.sel $0xFFFF  }
0xd6: {  	[dreg:$0x0] =	wrdreg $0xFFFFFFFF;
	(pc) =	sbr.abs _section_cstart, $3  }
0xd7: {  	[dreg:$0x1] =	wrdreg $0xFFFFFFFF  }
0xd8: {  	_ =	task.clear_ibuf [dreg:s16], $0x2FFFF;
	_ =	strace $0x9FFFFFFF  }
0xd9: {  	(tm) =	ssettm $0x7FFFFFFF  }
tec
execute0_lowered:
.L_overlay_start_1:
0x0: {  	(tag) =	ssettag $0x1  }
0x1: {  	s0 =	rddreg [dreg:$0x0]  }
0x2: {  	s1 =	rddreg [dreg:$0x1]  }
0x3: {  	s2 =	rddreg [dreg:$0x2]  }
0x4: {  	s3 =	rddreg [dreg:$0x3]  }
0x5: {  	s4 =	rddreg [dreg:$0x4]  }
0x6: {  	s5 =	rddreg [dreg:$0x5]  }
0x7: {  	s11 =	rddreg [dreg:$0x6]  }
0x8: {  	s12 =	rddreg [dreg:$0x7]  }
0x9: {  	s13 =	rddreg [dreg:$0x8]  }
0xa: {  	s17 =	rddreg [dreg:$0x9]  }
0xb: {  	s18 =	rddreg [dreg:$0xa]  }
0xc: {  	s6 =	rddreg [dreg:$0xb];
	s24 =	stileid.u32  }
0xd: {  	s7 =	rddreg [dreg:$0xc];
	s10 =	smul.u32 $0x4E200, s24  }
0xe: {  	s9 =	srdreg.scid;
	s8 =	simm.s32 $0x0;
	s19 =	smul.u32 $0x270, s24  }
0xf: {  	s14 =	sand.u32 $0x1, s9;
	[smem:$0x7FF] =	sst s8;
	s16 =	smul.u32 $0x4E000, s24  }
0x10: {  	s9 =	ssub.s32 $0x2, s14;
	_ =	strace $0x80000047;
	p0 =	seq.s32 s14, $0x1  }
0x11: {  	p1 =	sne.s32 s14, $0x0;
	p2 =	seq.s32 s14, $0x0;
	s15 =	sshrl.u32 s9, $0x1  }
0x12: {  	s20 =	sadd.s32 s10, s13;
	s22 =	sadd.s32 $0xA0, s19;
	s10 =	sshrl.u32 s16, $0x2  }
0x13: {  	s16 =	smul.u32 $0x9C4, s24;
	s25 =	sadd.s32 $0x140, s19;
	s21 =	ssub.s32 s9, s15  }
0x14: {  	s15 =	sshll.u32 s22, $0x7;
	s31 =	sadd.s32 s10, s6;
	s23 =	sshll.u32 s25, $0x7  }
0x15: {  	s9 =	sadd.s32 $0x1E0, s19;
	s10 =	sadd.s32 s15, s6;
	s26 =	sadd.s32 s16, s11  }
0x16: {  	s5 =	sadd.s32 s16, s5;
	s4 =	sadd.s32 s16, s4;
	[dreg:$0xe] =	wrdreg s26  }
0x17: {  	s15 =	sshll.u32 s9, $0x7;
	s14 =	sadd.s32 s23, s6;
	[dreg:$0xf] =	wrdreg s5  }
0x18: {  	s11 =	sshll.u32 s25, $0x4;
	s23 =	sadd.s32 s19, s7;
	[dreg:$0x10] =	wrdreg s4  }
0x19: {  	s25 =	sadd.s32 $0x4E4A00, s13;
	s5 =	sadd.s32 s15, s6;
	[dreg:$0x12] =	wrdreg s23  }
0x1a: {  	s16 =	sadd.s32 s25, s11;
	[dreg:$0x11] =	wrdreg s5  }
0x1b: {  	s23 =	sadd.s32 $0x4E0, s17;
	s5 =	sshll.u32 s22, $0x4;
	[dreg:$0x15] =	wrdreg s16  }
0x1c: {  	s22 =	smul.u32 $0x2700, s24;
	[smem:$0x7FA] =	sst s23;
	s15 =	sadd.s32 s25, s5  }
0x1d: {  	s5 =	sadd.s32 s12, s5;
	[dreg:$0x14] =	wrdreg s15  }
0x1e: {  	s4 =	sshll.u32 s9, $0x4;
	s26 =	sadd.s32 s25, s22;
	[dreg:$0x1b] =	wrdreg s5  }
0x1f: {  	s25 =	sadd.s32 s25, s4;
	[dreg:$0x13] =	wrdreg s26  }
0x20: {  	s15 =	sadd.s32 $0x4E0, s18;
	[dreg:$0x16] =	wrdreg s25  }
0x21: {  	s28 =	simm.s32 $0xA0;
	s16 =	sadd.s32 s12, s22;
	[dreg:$0x19] =	wrdreg s15  }
0x22: {  	s29 =	simm.s32 $0x13EF8;
	s4 =	sadd.s32 s12, s4;
	[dreg:$0x1a] =	wrdreg s16  }
0x23: {  	s30 =	simm.s32 $0x0;
	s22 =	sadd.s32 $0x27000, s12;
	[dreg:$0x1d] =	wrdreg s4  }
0x24: {  	s19 =	sshrl.u32 s19, $0x3;
	s26 =	sadd.s32 $0x50BA00, s13;
	[dreg:$0x1f] =	wrdreg s22  }
0x25: {  	p3 =	sne.s32 s24, $0xF;
	s13 =	sadd.s32 s18, s19;
	[dreg:$0x17] =	wrdreg s26  }
0x26: {  	s23 =	simm.s32 $0x13AF8;
	s18 =	sadd.s32 s12, s11;
	[dreg:$0x18] =	wrdreg s13  }
0x27: {  	s19 =	sadd.s32 s17, s19;
	s25 =	smax.u32 s21, $0x1;
	[dreg:$0x1c] =	wrdreg s18  }
.Ltmp0:
0x28: {  	s12 =	sadd.s32 $0x138000, s6;
	[dreg:$0x1e] =	wrdreg s19;
	(pc) =	sbr.rel .LBB2_1-.Ltmp0, $4  }
0x29: {  	s21 =	simm.s32 $0x2;
	s22 =	simm.s32 $0x1DFF8;
	[smem:$0x7FB] =	sst s25  }
0x2a: {  	s26 =	sadd.s32 $0x2A00, s20;
	s13 =	sadd.s32 $0x2700, s7;
	s19 =	smul.u32 $0x4E20, s24  }
0x2b: {  	s20 =	simm.s32 $0x18EF8;
	s24 =	simm.s32 $0x3;
	[smem:$0x7FC] =	sst s26  }
0x2c: {  	v0 =	vimm.f32 $0.0e+00;
	v1 =	vimm.f32 $1.000000000e+00;
	v2 =	vlaneseq.u32;
	s25 =	simm.s32 $0x13BF8;
	s26 =	simm.s32 $0x13CF8;
	[smem:$0x7FD] =	sst s13  }
.LBB2_7:
0x2d: {  	[tilespmem:s20], [sflag:$0x2] =	stream.linear.gather [spmem:s15], $0x5000, $0x38;
	[tilespmem:$0x1E278] =	vst v63  }
0x2e: {  	_ =	swait.ge [sflag:s21], $0x5000  }
0x2f: {  	[sflag:s21] =	ssyncset.done $0x0  }
0x30: {  	s4 =	rddreg [dreg:$0x13];
	[sflag:s21] =	ssyncadd.s32 $0xFFFFB000  }
0x31: {  	[hbm4b:s4+s8] =	stream.linear.scatter [tilespmem:s20], [sflag:$0x2], $0x5000, $0x38;
	[tilespmem:$0x1E278] =	vst v63  }
0x32: {  	_ =	swait.ge [sflag:s21], $0x5000  }
0x33: {  	[sflag:s21] =	ssyncset.done $0x0  }
0x34: {  	[sflag:s21] =	ssyncadd.s32 $0xFFFFB000  }
0x35: {  	[tilespmem:s20], [sflag:$0x2] =	stream.linear.gather [spmem:s16], $0x5000, $0x38;
	[tilespmem:$0x1E278] =	vst v63  }
0x36: {  	_ =	swait.ge [sflag:s21], $0x5000  }
0x37: {  	[sflag:s21] =	ssyncset.done $0x0  }
0x38: {  	s11 =	rddreg [dreg:$0x14];
	[sflag:s21] =	ssyncadd.s32 $0xFFFFB000  }
0x39: {  	[hbm4b:s11+s8] =	stream.linear.scatter [tilespmem:s20], [sflag:$0x2], $0x5000, $0x38;
	[tilespmem:$0x1E278] =	vst v63  }
0x3a: {  	_ =	swait.ge [sflag:s21], $0x5000  }
0x3b: {  	[sflag:s21] =	ssyncset.done $0x0  }
0x3c: {  	[sflag:s21] =	ssyncadd.s32 $0xFFFFB000  }
0x3d: {  	[tilespmem:s20], [sflag:$0x2] =	stream.linear.gather [spmem:s17], $0x5000, $0x38;
	[tilespmem:$0x1E278] =	vst v63  }
0x3e: {  	_ =	swait.ge [sflag:s21], $0x5000  }
0x3f: {  	[sflag:s21] =	ssyncset.done $0x0  }
0x40: {  	s12 =	rddreg [dreg:$0x15];
	[sflag:s21] =	ssyncadd.s32 $0xFFFFB000  }
0x41: {  	[hbm4b:s12+s8] =	stream.linear.scatter [tilespmem:s20], [sflag:$0x2], $0x5000, $0x38;
	[tilespmem:$0x1E278] =	vst v63  }
0x42: {  	_ =	swait.ge [sflag:s21], $0x5000  }
0x43: {  	[sflag:s21] =	ssyncset.done $0x0  }
0x44: {  	s13 =	rddreg [dreg:$0x11];
	[sflag:s21] =	ssyncadd.s32 $0xFFFFB000  }
0x45: {  	[tilespmem:s20], [sflag:$0x2] =	stream.linear.gather [spmem:s13], $0x4800, $0x38;
	[tilespmem:$0x1E278] =	vst v63  }
0x46: {  	_ =	swait.ge [sflag:s21], $0x4800  }
0x47: {  	[sflag:s21] =	ssyncset.done $0x0  }
0x48: {  	s15 =	rddreg [dreg:$0x16];
	[sflag:s21] =	ssyncadd.s32 $0xFFFFB800  }
0x49: {  	[hbm4b:s15+s8] =	stream.linear.scatter [tilespmem:s20], [sflag:$0x2], $0x4800, $0x38;
	[tilespmem:$0x1E278] =	vst v63  }
0x4a: {  	_ =	swait.ge [sflag:s21], $0x4800  }
0x4b: {  	s10 =	smov.u32 s16;
	[sflag:s21] =	ssyncset.done $0x0  }
0x4c: {  	s22 =	simm.s32 $0x1DFF8;
	s16 =	rddreg [dreg:$0x12];
	[sflag:s21] =	ssyncadd.s32 $0xFFFFB800  }
0x4d: {  	[tilespmem:s22], [sflag:$0x2] =	stream.linear.gather [spmem:s16], $0x270, $0x38;
	[tilespmem:$0x1E278] =	vst v63  }
0x4e: {  	_ =	swait.ge [sflag:s21], $0x270  }
0x4f: {  	[sflag:s21] =	ssyncset.done $0x0  }
0x50: {  	s14 =	smov.u32 s17;
	s17 =	rddreg [dreg:$0x18];
	[sflag:s21] =	ssyncadd.s32 $0xFFFFFD90  }
0x51: {  	[hbm4b:s17+s8] =	stream.linear.scatter [tilespmem:s22], [sflag:$0x2], $0x270, $0x38;
	[tilespmem:$0x1E278] =	vst v63  }
0x52: {  	_ =	swait.ge [sflag:s21], $0x270  }
0x53: {  	[sflag:s21] =	ssyncset.done $0x0  }
0x54: {  	s5 =	simm.s32 @!p3 $0x2;
	s4 =	simm.s32 @!p3 $0x18EF8;
	[sflag:s21] =	ssyncadd.s32 $0xFFFFFD90  }
0x55: {  	[tilespmem:s4], [sflag:$0x2] =	stream.linear.gather @!p3 [spmem:s18], $0x800, $0x38;
	[tilespmem:$0x1E278] =	vst v63  }
0x56: {  	_ =	swait.ge @!p3 [sflag:s5], $0x800  }
0x57: {  	[sflag:s5] =	ssyncset.done @!p3 $0x0  }
0x58: {  	s9 =	simm.s32 @!p3 $0x0;
	s11 =	rddreg [dreg:$0x17];
	[sflag:s5] =	ssyncadd.s32 @!p3 $0xFFFFF800  }
0x59: {  	[hbm4b:s11+s9] =	stream.linear.scatter @!p3 [tilespmem:s4], [sflag:$0x2], $0x800, $0x38;
	[tilespmem:$0x1E278] =	vst v63  }
0x5a: {  	_ =	swait.ge @!p3 [sflag:s5], $0x800  }
0x5b: {  	s13 =	sld [smem:$0x7FD]  }
0x5c: {  	[sflag:s5] =	ssyncset.done @!p3 $0x0  }
0x5d: {  	s4 =	simm.s32 @!p3 $0x1DFF8;
	[sflag:s5] =	ssyncadd.s32 @!p3 $0xFFFFF800  }
0x5e: {  	[tilespmem:s4], [sflag:$0x2] =	stream.linear.gather @!p3 [spmem:s13], $0x10, $0x38;
	[tilespmem:$0x1E278] =	vst v63  }
0x5f: {  	_ =	swait.ge @!p3 [sflag:s5], $0x10  }
0x60: {  	[sflag:s5] =	ssyncset.done @!p3 $0x0  }
0x61: {  	[sflag:s5] =	ssyncadd.s32 @!p3 $0xFFFFFFF0;
	s5 =	rddreg [dreg:$0x19]  }
0x62: {  	[hbm4b:s5+s9] =	stream.linear.scatter @!p3 [tilespmem:s4], [sflag:$0x1], $0x10, $0x38;
	[tilespmem:$0x1E278] =	vst v63  }
0x63: {  	s4 =	simm.s32 @!p3 $0x1  }
0x64: {  	_ =	swait.ge @!p3 [sflag:s4], $0x10  }
0x65: {  	[sflag:s4] =	ssyncset.done @!p3 $0x0  }
0x66: {  	s12 =	smov.u32 s18;
	[sflag:s4] =	ssyncadd.s32 @!p3 $0xFFFFFFF0  }
.LBB2_8:
0x67: {  	s4 =	sld [smem:$0x7FB];
	_ =	sdelay $0x1  }
0x68: {  	s30 =	sadd.s32 $0x1, s30  }
0x69: {  	p4 =	sne.s32 s30, s4  }
.Ltmp1:
0x6a: {  	_ = 	snop;
	(pc) =	sbr.rel @!p4 .LBB2_9-.Ltmp1, $1  }
0x6b: {  	_ =	sdelay $0x3  }
.LBB2_1:
0x6c: {  	s4 =	simm.s32 $0x0;
	s5 =	simm.s32 $0x200  }
.LBB2_2:
0x6d: {  	p4 =	sne.s32 s5, $0x13E00;
	[tilespmem:s4+$0x18F68] =	vst v0  }
0x6e: {  	[tilespmem:s4+$0x18EF8] =	vst v0  }
0x6f: {  	[tilespmem:s4+$0x18F08] =	vst v0  }
.Ltmp2:
0x70: {  	[tilespmem:s4+$0x18F18] =	vst v0;
	(pc) =	sbr.rel @p4 .LBB2_2-.Ltmp2, $4  }
0x71: {  	[tilespmem:s4+$0x18F28] =	vst v0  }
0x72: {  	[tilespmem:s4+$0x18F38] =	vst v0  }
0x73: {  	[tilespmem:s4+$0x18F48] =	vst v0  }
0x74: {  	[tilespmem:s4+$0x18F58] =	vst v0;
	s4 =	sshra.s32 s5, $0x2;
	s5 =	sadd.s32 $0x200, s5  }
0x75: {  	[tilespmem:s4+$0x18F68] =	vst v0  }
0x76: {  	[tilespmem:s4+$0x18EF8] =	vst v0  }
0x77: {  	[tilespmem:s4+$0x18F08] =	vst v0  }
0x78: {  	[tilespmem:s4+$0x18F18] =	vst v0  }
0x79: {  	[tilespmem:s4+$0x18F28] =	vst v0  }
0x7a: {  	[tilespmem:s4+$0x18F38] =	vst v0  }
0x7b: {  	[tilespmem:s4+$0x18F48] =	vst v0  }
0x7c: {  	[tilespmem:s4+$0x18F58] =	vst v0  }
0x7d: {  	[tilespmem:$0x1DFF8] =	vst v0  }
0x7e: {  	[tilespmem:$0x1E008] =	vst v0  }
0x7f: {  	[tilespmem:$0x1E018] =	vst v0  }
0x80: {  	[tilespmem:$0x1E028] =	vst v0  }
0x81: {  	[tilespmem:$0x1E038] =	vst v0  }
0x82: {  	[tilespmem:$0x1E048] =	vst v0  }
0x83: {  	[tilespmem:$0x1E058] =	vst v0  }
0x84: {  	[tilespmem:$0x1E068] =	vst v0  }
0x85: {  	[tilespmem:$0x1E078] =	vst v0  }
0x86: {  	[tilespmem:$0x1E088] =	vst v0  }
0x87: {  	[tilespmem:$0x1E098] =	vst v0  }
0x88: {  	[tilespmem:$0x1E0A8] =	vst v0  }
0x89: {  	[tilespmem:$0x1E0B8] =	vst v0  }
0x8a: {  	[tilespmem:$0x1E0C8] =	vst v0  }
0x8b: {  	[tilespmem:$0x1E0D8] =	vst v0  }
0x8c: {  	[tilespmem:$0x1E0E8] =	vst v0  }
0x8d: {  	[tilespmem:$0x1E0F8] =	vst v0  }
0x8e: {  	[tilespmem:$0x1E108] =	vst v0  }
0x8f: {  	[tilespmem:$0x1E118] =	vst v0  }
0x90: {  	[tilespmem:$0x1E128] =	vst v0  }
0x91: {  	[tilespmem:$0x1E138] =	vst v0  }
0x92: {  	[tilespmem:$0x1E148] =	vst v0  }
0x93: {  	[tilespmem:$0x1E158] =	vst v0  }
0x94: {  	[tilespmem:$0x1E168] =	vst v0  }
0x95: {  	[tilespmem:$0x1E178] =	vst v0  }
0x96: {  	[tilespmem:$0x1E188] =	vst v0  }
0x97: {  	[tilespmem:$0x1E198] =	vst v0  }
0x98: {  	[tilespmem:$0x1E1A8] =	vst v0  }
0x99: {  	[tilespmem:$0x1E1B8] =	vst v0  }
0x9a: {  	[tilespmem:$0x1E1C8] =	vst v0  }
0x9b: {  	[tilespmem:$0x1E1D8] =	vst v0  }
0x9c: {  	[tilespmem:$0x1E1E8] =	vst v0  }
0x9d: {  	[tilespmem:$0x1E1F8] =	vst v0  }
0x9e: {  	[tilespmem:$0x1E208] =	vst v0  }
0x9f: {  	[tilespmem:$0x1E218] =	vst v0  }
0xa0: {  	[tilespmem:$0x1E228] =	vst v0  }
0xa1: {  	[tilespmem:$0x1E238] =	vst v0  }
0xa2: {  	[tilespmem:$0x1E248] =	vst v0  }
0xa3: {  	[tilespmem:$0x1E258] =	vst v0  }
0xa4: {  	[tilespmem:$0x1E268] =	vst v0  }
0xa5: {  	[tilespmem:$0x1DEF8] =	vst v1  }
0xa6: {  	[tilespmem:$0x1DF08] =	vst v1  }
0xa7: {  	[tilespmem:$0x1DF18] =	vst v1  }
0xa8: {  	[tilespmem:$0x1DF28] =	vst v1  }
0xa9: {  	[tilespmem:$0x1DF38] =	vst v1  }
0xaa: {  	[tilespmem:$0x1DF48] =	vst v1  }
0xab: {  	[tilespmem:$0x1DF58] =	vst v1  }
0xac: {  	[tilespmem:$0x1DF68] =	vst v1  }
0xad: {  	[tilespmem:$0x1DF78] =	vst v1  }
0xae: {  	[tilespmem:$0x1DF88] =	vst v1  }
0xaf: {  	[spmem:s31] =	stream.linear.scatter [tilespmem:s20], [sflag:$0x2], $0x5000, $0x38;
	[tilespmem:$0x1E278] =	vst v63  }
0xb0: {  	_ =	swait.ge [sflag:s21], $0x5000  }
0xb1: {  	[sflag:s21] =	ssyncset.done $0x0  }
0xb2: {  	[sflag:s21] =	ssyncadd.s32 $0xFFFFB000  }
0xb3: {  	[spmem:s10] =	stream.linear.scatter [tilespmem:s20], [sflag:$0x2], $0x5000, $0x38;
	[tilespmem:$0x1E278] =	vst v63  }
0xb4: {  	_ =	swait.ge [sflag:s21], $0x5000  }
0xb5: {  	[sflag:s21] =	ssyncset.done $0x0  }
0xb6: {  	[sflag:s21] =	ssyncadd.s32 $0xFFFFB000  }
0xb7: {  	[spmem:s14] =	stream.linear.scatter [tilespmem:s20], [sflag:$0x2], $0x5000, $0x38;
	[tilespmem:$0x1E278] =	vst v63  }
0xb8: {  	_ =	swait.ge [sflag:s21], $0x5000  }
0xb9: {  	[sflag:s21] =	ssyncset.done $0x0  }
0xba: {  	s17 =	smov.u32 s14;
	s14 =	rddreg [dreg:$0x11];
	[sflag:s21] =	ssyncadd.s32 $0xFFFFB000  }
0xbb: {  	[spmem:s14] =	stream.linear.scatter [tilespmem:s20], [sflag:$0x2], $0x4800, $0x38;
	[tilespmem:$0x1E278] =	vst v63  }
0xbc: {  	_ =	swait.ge [sflag:s21], $0x4800  }
0xbd: {  	[sflag:s21] =	ssyncset.done $0x0  }
0xbe: {  	s18 =	rddreg [dreg:$0x12];
	[sflag:s21] =	ssyncadd.s32 $0xFFFFB800  }
0xbf: {  	[spmem:s18] =	stream.linear.scatter [tilespmem:s22], [sflag:$0x2], $0x270, $0x38;
	[tilespmem:$0x1E278] =	vst v63  }
0xc0: {  	_ =	swait.ge [sflag:s21], $0x270  }
0xc1: {  	[sflag:s21] =	ssyncset.done $0x0  }
0xc2: {  	s4 =	simm.s32 @!p3 $0x18EF8;
	[sflag:s21] =	ssyncadd.s32 $0xFFFFFD90  }
0xc3: {  	[spmem:s12] =	stream.linear.scatter @!p3 [tilespmem:s4], [sflag:$0x2], $0x800, $0x38;
	[tilespmem:$0x1E278] =	vst v63  }
0xc4: {  	s4 =	simm.s32 @!p3 $0x2  }
0xc5: {  	_ =	swait.ge @!p3 [sflag:s4], $0x800  }
0xc6: {  	[sflag:s4] =	ssyncset.done @!p3 $0x0  }
0xc7: {  	s5 =	simm.s32 @!p3 $0x1DFF8;
	[sflag:s4] =	ssyncadd.s32 @!p3 $0xFFFFF800  }
0xc8: {  	[spmem:s13] =	stream.linear.scatter @!p3 [tilespmem:s5], [sflag:$0x2], $0x10, $0x38;
	[tilespmem:$0x1E278] =	vst v63  }
0xc9: {  	_ =	swait.ge @!p3 [sflag:s4], $0x10  }
0xca: {  	[sflag:s4] =	ssyncset.done @!p3 $0x0  }
0xcb: {  	[sflag:s4] =	ssyncadd.s32 @!p3 $0xFFFFFFF0  }
0xcc: {  	[bflag:$0x0] =	sbarrier.arrive $0xFFFF  }
0xcd: {  	s13 =	rddreg [dreg:$0x10]  }
0xce: {  	s18 =	smov.u32 s12;
	s12 =	rddreg [dreg:$0xf]  }
0xcf: {  	s15 =	smov.u32 s31;
	s16 =	smov.u32 s10;
	s11 =	rddreg [dreg:$0xe]  }
0xd0: {  	s31 =	simm.s32 $0x0;
	s4 =	simm.s32 $0x0;
	s5 =	sld [smem:$0x7FC]  }
.LBB2_4:
0xd1: {  	[tilespmem:s23], [sflag:$0x3] =	stream.linear.gather [hbm4b:s13+s8], $0xA0, $0x38;
	[tilespmem:$0x1E278] =	vst v63  }
0xd2: {  	_ =	swait.ge [sflag:s24], $0xA0  }
0xd3: {  	[sflag:s24] =	ssyncset.done $0x0  }
0xd4: {  	[sflag:s24] =	ssyncadd.s32 $0xFFFFFF60  }
0xd5: {  	[tilespmem:s25], [sflag:$0x3] =	stream.linear.gather [hbm4b:s12+s8], $0xA0, $0x38;
	[tilespmem:$0x1E278] =	vst v63  }
0xd6: {  	_ =	swait.ge [sflag:s24], $0xA0  }
0xd7: {  	[sflag:s24] =	ssyncset.done $0x0  }
0xd8: {  	[sflag:s24] =	ssyncadd.s32 $0xFFFFFF60  }
0xd9: {  	[tilespmem:s26], [sflag:$0x3] =	stream.linear.gather [hbm4b:s11+s8], $0xA0, $0x38;
	[tilespmem:$0x1E278] =	vst v63  }
0xda: {  	_ =	swait.ge [sflag:s24], $0xA0  }
0xdb: {  	s22 =	sadd.s32 s31, s19;
	[sflag:s24] =	ssyncset.done $0x0  }
0xdc: {  	v3 =	vor.u32 s22, v2;
	s9 =	sadd.s32 $0x10, s22;
	[sflag:s24] =	ssyncadd.s32 $0xFFFFFF60  }
0xdd: {  	s14 =	sadd.s32 $0x20, s22;
	[tilespmem:$0x13DF8] =	vst v3;
	v3 =	vor.u32 s9, v2  }
0xde: {  	s10 =	sadd.s32 $0x30, s22;
	[tilespmem:$0x13E08] =	vst v3;
	v3 =	vor.u32 s14, v2  }
0xdf: {  	s14 =	sadd.s32 $0x40, s22;
	[tilespmem:$0x13E18] =	vst v3;
	v3 =	vor.u32 s10, v2  }
0xe0: {  	s10 =	sadd.s32 $0x50, s22;
	[tilespmem:$0x13E28] =	vst v3;
	v3 =	vor.u32 s14, v2  }
0xe1: {  	s14 =	sadd.s32 $0x60, s22;
	[tilespmem:$0x13E38] =	vst v3;
	v3 =	vor.u32 s10, v2  }
0xe2: {  	s10 =	sadd.s32 $0x70, s22;
	[tilespmem:$0x13E48] =	vst v3;
	v3 =	vor.u32 s14, v2  }
0xe3: {  	s14 =	sadd.s32 $0x80, s22;
	[tilespmem:$0x13E58] =	vst v3;
	v3 =	vor.u32 s10, v2  }
0xe4: {  	s22 =	sadd.s32 $0x90, s22;
	[tilespmem:$0x13E68] =	vst v3;
	v3 =	vor.u32 s14, v2  }
0xe5: {  	[tilespmem:$0x13E78] =	vst v3;
	v3 =	vor.u32 s22, v2  }
0xe6: {  	s9 =	simm.s32 @!p1 $0xA0;
	s10 =	simm.s32 @!p1 $0x18EF8;
	s22 =	simm.s32 @!p1 $0x13CF8;
	[tilespmem:$0x13E88] =	vst v3  }
0xe7: {  	[tilespmem:s10], [sflag:$0x3] =	stream.indirect.gather @!p1 [hbm4b:s2+s9], $0x80, s22, s9, $0xb8;
	[tilespmem:$0x1E278] =	vst v63  }
0xe8: {  	s22 =	simm.s32 @!p1 $0x3  }
0xe9: {  	_ =	swait.ge @!p1 [sflag:s22], $0x5000  }
0xea: {  	[sflag:s22] =	ssyncset.done @!p1 $0x0  }
0xeb: {  	s14 =	simm.s32 @!p1 $0x13BF8;
	[sflag:s22] =	ssyncadd.s32 @!p1 $0xFFFFB000  }
0xec: {  	[tilespmem:s10], [sflag:$0x3] =	stream.indirect.gather.add.f32 @!p1 [hbm:s1], $0x80, s14, s9, $0xb8;
	[tilespmem:$0x1E278] =	vst v63  }
0xed: {  	_ =	swait.ge @!p1 [sflag:s22], $0x5000  }
0xee: {  	[sflag:s22] =	ssyncset.done @!p1 $0x0  }
0xef: {  	s14 =	simm.s32 @!p1 $0x13DF8;
	[sflag:s22] =	ssyncadd.s32 @!p1 $0xFFFFB000  }
0xf0: {  	[tilespmem:s10], [sflag:$0x3] =	stream.indirect.gather.add.f32 @!p1 [hbm:s3], $0x80, s14, s9, $0xb8;
	[tilespmem:$0x1E278] =	vst v63  }
0xf1: {  	_ =	swait.ge @!p1 [sflag:s22], $0x5000  }
0xf2: {  	[sflag:s22] =	ssyncset.done @!p1 $0x0  }
0xf3: {  	s14 =	simm.s32 @!p1 $0x13AF8;
	[sflag:s22] =	ssyncadd.s32 @!p1 $0xFFFFB000  }
0xf4: {  	[spmem:s6] =	stream.indirect.scatter.add.f32 @!p1 [tilespmem:s10], [sflag:$0x3], $0x80, s14, s9, $0xb8;
	[tilespmem:$0x1E278] =	vst v63  }
0xf5: {  	_ =	swait.ge @!p1 [sflag:s22], $0x5000  }
0xf6: {  	[sflag:s22] =	ssyncset.done @!p1 $0x0  }
0xf7: {  	s10 =	simm.s32 @!p1 $0x1DEF8;
	[sflag:s22] =	ssyncadd.s32 @!p1 $0xFFFFB000  }
0xf8: {  	[spmem:s7] =	stream.indirect.scatter.add.f32 @!p1 [tilespmem:s10], [sflag:$0x3], $0x1, s14, s9, $0xb8;
	[tilespmem:$0x1E278] =	vst v63  }
0xf9: {  	_ =	swait.ge @!p1 [sflag:s22], $0xA0  }
0xfa: {  	s9 =	simm.s32 @p0 $0xA0;
	[sflag:s22] =	ssyncset.done @!p1 $0x0  }
0xfb: {  	s10 =	simm.s32 @p0 $0x13CF8;
	s14 =	simm.s32 @p0 $0x18EF8;
	[sflag:s22] =	ssyncadd.s32 @!p1 $0xFFFFFF60  }
0xfc: {  	[tilespmem:s14], [sflag:$0x3] =	stream.indirect.gather @p0 [hbm4b:s2+s9], $0x80, s10, s9, $0xb8;
	[tilespmem:$0x1E278] =	vst v63  }
0xfd: {  	s10 =	simm.s32 @p0 $0x3  }
0xfe: {  	_ =	swait.ge @p0 [sflag:s10], $0x5000  }
0xff: {  	[sflag:s10] =	ssyncset.done @p0 $0x0  }
0x100: {  	s22 =	simm.s32 @p0 $0x13AF8;
	[sflag:s10] =	ssyncadd.s32 @p0 $0xFFFFB000  }
0x101: {  	[tilespmem:s14], [sflag:$0x3] =	stream.indirect.gather.add.f32 @p0 [hbm:s0], $0x80, s22, s9, $0xb8;
	[tilespmem:$0x1E278] =	vst v63  }
0x102: {  	_ =	swait.ge @p0 [sflag:s10], $0x5000  }
0x103: {  	[sflag:s10] =	ssyncset.done @p0 $0x0  }
0x104: {  	s22 =	simm.s32 @p0 $0x13DF8;
	[sflag:s10] =	ssyncadd.s32 @p0 $0xFFFFB000  }
0x105: {  	[tilespmem:s14], [sflag:$0x3] =	stream.indirect.gather.add.f32 @p0 [hbm:s3], $0x80, s22, s9, $0xb8;
	[tilespmem:$0x1E278] =	vst v63  }
0x106: {  	_ =	swait.ge @p0 [sflag:s10], $0x5000  }
0x107: {  	[sflag:s10] =	ssyncset.done @p0 $0x0  }
0x108: {  	s22 =	simm.s32 @p0 $0x13BF8;
	[sflag:s10] =	ssyncadd.s32 @p0 $0xFFFFB000  }
0x109: {  	[spmem:s6] =	stream.indirect.scatter.add.f32 @p0 [tilespmem:s14], [sflag:$0x3], $0x80, s22, s9, $0xb8;
	[tilespmem:$0x1E278] =	vst v63  }
0x10a: {  	_ =	swait.ge @p0 [sflag:s10], $0x5000  }
0x10b: {  	p4 =	slt.u32 s4, $0x3E;
	[sflag:s10] =	ssyncset.done @p0 $0x0  }
0x10c: {  	p5 =	sgt.u32 s4, $0x3D;
	s14 =	simm.s32 @p0 $0x1DEF8;
	[sflag:s10] =	ssyncadd.s32 @p0 $0xFFFFB000  }
0x10d: {  	[spmem:s7] =	stream.indirect.scatter.add.f32 @p0 [tilespmem:s14], [sflag:$0x3], $0x1, s22, s9, $0xb8;
	[tilespmem:$0x1E278] =	vst v63  }
0x10e: {  	p4 =	por !p2, !p4;
	p5 =	por !p5, !p0;
	_ =	swait.ge @p0 [sflag:s10], $0xA0  }
0x10f: {  	p4 =	por !p4, !p4;
	p5 =	por !p5, !p5;
	[sflag:s10] =	ssyncset.done @p0 $0x0  }
0x110: {  	p4 =	por p4, p5;
	[sflag:s10] =	ssyncadd.s32 @p0 $0xFFFFFF60  }
0x111: {  	[tilespmem:s29], [sflag:$0x3] =	stream.indirect.gather @p4 [hbm4b:s1+s28], $0x80, s25, s28, $0xb8;
	[tilespmem:$0x1E278] =	vst v63  }
0x112: {  	_ =	swait.ge @p4 [sflag:s24], $0x5000  }
0x113: {  	[sflag:s24] =	ssyncset.done @p4 $0x0  }
0x114: {  	[sflag:s24] =	ssyncadd.s32 @p4 $0xFFFFB000  }
0x115: {  	[tilespmem:s29], [sflag:$0x3] =	stream.indirect.gather.add.f32 @p4 [hbm:s0], $0x80, s23, s28, $0xb8;
	[tilespmem:$0x1E278] =	vst v63  }
0x116: {  	_ =	swait.ge @p4 [sflag:s24], $0x5000  }
0x117: {  	[sflag:s24] =	ssyncset.done @p4 $0x0  }
0x118: {  	[sflag:s24] =	ssyncadd.s32 @p4 $0xFFFFB000  }
0x119: {  	[hbm4b:s5+s8] =	stream.linear.scatter @p4 [tilespmem:s29], [sflag:$0x2], $0x5000, $0x38;
	[tilespmem:$0x1E278] =	vst v63  }
0x11a: {  	_ =	swait.ge @p4 [sflag:s21], $0x5000  }
0x11b: {  	s31 =	sadd.s32 $0xA0, s31;
	[sflag:s21] =	ssyncset.done @p4 $0x0  }
0x11c: {  	[sflag:s21] =	ssyncadd.s32 @p4 $0xFFFFB000;
	p4 =	sne.s32 s31, $0x4E20  }
.Ltmp3:
0x11d: {  	_ = 	snop;
	(pc) =	sbr.rel @p4 .LBB2_4-.Ltmp3, $3  }
0x11e: {  	_ =	sdelay $0x1  }
0x11f: {  	s4 =	sadd.s32 $0x1, s4;
	s13 =	sadd.s32 $0x14, s13  }
0x120: {  	s12 =	sadd.s32 $0x14, s12;
	s11 =	sadd.s32 $0x14, s11;
	s5 =	sadd.s32 $0xA00, s5  }
.Ltmp4:
0x121: {  	(pc) =	sbr.rel @p1 .LBB2_7-.Ltmp4, $3  }
0x122: {  	_ =	sdelay $0x1  }
0x123: {  	[bflag:$0x0] =	sbarrier.arrive $0xFFFF  }
0x124: {  	s31 =	smov.u32 s15  }
0x125: {  	[tilespmem:s20], [sflag:$0x2] =	stream.linear.gather [spmem:s15], $0x5000, $0x38;
	[tilespmem:$0x1E278] =	vst v63  }
0x126: {  	_ =	swait.ge [sflag:s21], $0x5000  }
0x127: {  	[sflag:s21] =	ssyncset.done $0x0  }
0x128: {  	s4 =	rddreg [dreg:$0x1a];
	[sflag:s21] =	ssyncadd.s32 $0xFFFFB000  }
0x129: {  	[hbm4b:s4+s8] =	stream.linear.scatter [tilespmem:s20], [sflag:$0x2], $0x5000, $0x38;
	[tilespmem:$0x1E278] =	vst v63  }
0x12a: {  	_ =	swait.ge [sflag:s21], $0x5000  }
0x12b: {  	[sflag:s21] =	ssyncset.done $0x0  }
0x12c: {  	[sflag:s21] =	ssyncadd.s32 $0xFFFFB000  }
0x12d: {  	[tilespmem:s20], [sflag:$0x2] =	stream.linear.gather [spmem:s16], $0x5000, $0x38;
	[tilespmem:$0x1E278] =	vst v63  }
0x12e: {  	_ =	swait.ge [sflag:s21], $0x5000  }
0x12f: {  	[sflag:s21] =	ssyncset.done $0x0  }
0x130: {  	s11 =	rddreg [dreg:$0x1b];
	[sflag:s21] =	ssyncadd.s32 $0xFFFFB000  }
0x131: {  	[hbm4b:s11+s8] =	stream.linear.scatter [tilespmem:s20], [sflag:$0x2], $0x5000, $0x38;
	[tilespmem:$0x1E278] =	vst v63  }
0x132: {  	_ =	swait.ge [sflag:s21], $0x5000  }
0x133: {  	[sflag:s21] =	ssyncset.done $0x0  }
0x134: {  	[sflag:s21] =	ssyncadd.s32 $0xFFFFB000  }
0x135: {  	[tilespmem:s20], [sflag:$0x2] =	stream.linear.gather [spmem:s17], $0x5000, $0x38;
	[tilespmem:$0x1E278] =	vst v63  }
0x136: {  	_ =	swait.ge [sflag:s21], $0x5000  }
0x137: {  	[sflag:s21] =	ssyncset.done $0x0  }
0x138: {  	s12 =	rddreg [dreg:$0x1c];
	[sflag:s21] =	ssyncadd.s32 $0xFFFFB000  }
0x139: {  	[hbm4b:s12+s8] =	stream.linear.scatter [tilespmem:s20], [sflag:$0x2], $0x5000, $0x38;
	[tilespmem:$0x1E278] =	vst v63  }
0x13a: {  	_ =	swait.ge [sflag:s21], $0x5000  }
0x13b: {  	[sflag:s21] =	ssyncset.done $0x0  }
0x13c: {  	s13 =	rddreg [dreg:$0x11];
	[sflag:s21] =	ssyncadd.s32 $0xFFFFB000  }
0x13d: {  	[tilespmem:s20], [sflag:$0x2] =	stream.linear.gather [spmem:s13], $0x4800, $0x38;
	[tilespmem:$0x1E278] =	vst v63  }
0x13e: {  	_ =	swait.ge [sflag:s21], $0x4800  }
0x13f: {  	[sflag:s21] =	ssyncset.done $0x0  }
0x140: {  	s15 =	rddreg [dreg:$0x1d];
	[sflag:s21] =	ssyncadd.s32 $0xFFFFB800  }
0x141: {  	[hbm4b:s15+s8] =	stream.linear.scatter [tilespmem:s20], [sflag:$0x2], $0x4800, $0x38;
	[tilespmem:$0x1E278] =	vst v63  }
0x142: {  	_ =	swait.ge [sflag:s21], $0x4800  }
0x143: {  	s10 =	smov.u32 s16;
	[sflag:s21] =	ssyncset.done $0x0  }
0x144: {  	s22 =	simm.s32 $0x1DFF8;
	s16 =	rddreg [dreg:$0x12];
	[sflag:s21] =	ssyncadd.s32 $0xFFFFB800  }
0x145: {  	[tilespmem:s22], [sflag:$0x2] =	stream.linear.gather [spmem:s16], $0x270, $0x38;
	[tilespmem:$0x1E278] =	vst v63  }
0x146: {  	_ =	swait.ge [sflag:s21], $0x270  }
0x147: {  	[sflag:s21] =	ssyncset.done $0x0  }
0x148: {  	s14 =	smov.u32 s17;
	s17 =	rddreg [dreg:$0x1e];
	[sflag:s21] =	ssyncadd.s32 $0xFFFFFD90  }
0x149: {  	[hbm4b:s17+s8] =	stream.linear.scatter [tilespmem:s22], [sflag:$0x2], $0x270, $0x38;
	[tilespmem:$0x1E278] =	vst v63  }
0x14a: {  	_ =	swait.ge [sflag:s21], $0x270  }
0x14b: {  	[sflag:s21] =	ssyncset.done $0x0  }
0x14c: {  	s5 =	simm.s32 @!p3 $0x2;
	s4 =	simm.s32 @!p3 $0x18EF8;
	[sflag:s21] =	ssyncadd.s32 $0xFFFFFD90  }
0x14d: {  	[tilespmem:s4], [sflag:$0x2] =	stream.linear.gather @!p3 [spmem:s18], $0x800, $0x38;
	[tilespmem:$0x1E278] =	vst v63  }
0x14e: {  	_ =	swait.ge @!p3 [sflag:s5], $0x800  }
0x14f: {  	[sflag:s5] =	ssyncset.done @!p3 $0x0  }
0x150: {  	s9 =	simm.s32 @!p3 $0x0;
	s11 =	rddreg [dreg:$0x1f];
	[sflag:s5] =	ssyncadd.s32 @!p3 $0xFFFFF800  }
0x151: {  	[hbm4b:s11+s9] =	stream.linear.scatter @!p3 [tilespmem:s4], [sflag:$0x2], $0x800, $0x38;
	[tilespmem:$0x1E278] =	vst v63  }
0x152: {  	_ =	swait.ge @!p3 [sflag:s5], $0x800  }
0x153: {  	s13 =	sld [smem:$0x7FD]  }
0x154: {  	[sflag:s5] =	ssyncset.done @!p3 $0x0  }
0x155: {  	s4 =	simm.s32 @!p3 $0x1DFF8;
	[sflag:s5] =	ssyncadd.s32 @!p3 $0xFFFFF800  }
0x156: {  	[tilespmem:s4], [sflag:$0x2] =	stream.linear.gather @!p3 [spmem:s13], $0x10, $0x38;
	[tilespmem:$0x1E278] =	vst v63  }
0x157: {  	_ =	swait.ge @!p3 [sflag:s5], $0x10  }
0x158: {  	s11 =	sld [smem:$0x7FA]  }
0x159: {  	[sflag:s5] =	ssyncset.done @!p3 $0x0  }
.Ltmp5:
0x15a: {  	[sflag:s5] =	ssyncadd.s32 @!p3 $0xFFFFFFF0;
	(pc) =	sbr.rel .LBB2_8-.Ltmp5, $4  }
0x15b: {  	[hbm4b:s11+s9] =	stream.linear.scatter @!p3 [tilespmem:s4], [sflag:$0x2], $0x10, $0x38;
	[tilespmem:$0x1E278] =	vst v63  }
0x15c: {  	_ =	swait.ge @!p3 [sflag:s5], $0x10  }
0x15d: {  	[sflag:s5] =	ssyncset.done @!p3 $0x0  }
0x15e: {  	s12 =	smov.u32 s18;
	[sflag:s5] =	ssyncadd.s32 @!p3 $0xFFFFFFF0  }
.LBB2_9:
0x15f: {  	_ =	sfence.sel $0x180000  }
0x160: {  	[bflag:$0x0] =	sbarrier.arrive $0xFFFF  }
0x161: {  	_ =	strace $0x90000047  }
0x162: {  	s0 =	stileid.u32;
	[bflag:$0x2] =	sbarrier.arrive $0xFFFF  }
0x163: {  	p0 =	sne.s32 s0, $0x0;
	s0 =	rddreg [dreg:$0xd]  }
0x164: {  	s0 =	sadd.s32 @!p0 $0x100000, s0  }
0x165: {  	[sflag:s0] =	ssyncadd.tile.s32 @!p0 $0x1;
	_ =	shalt  }
.Lfunc_end2:
_tile_overlayer_lowered:
.L_overlay_start_2:
0x166: {  	(tag) =	ssettag $0x2  }
0x167: {  	s0 =	rddreg [dreg:$0x0];
	s2 =	stileid.u32  }
0x168: {  	s1 =	rddreg [dreg:$0x1];
	p0 =	sne.s32 s2, $0x0  }
0x169: {  	s3 =	rddreg [dreg:$0x2];
	[bflag:$0x3] =	sbarrier.arrive $0xFFFF;
	s2 =	simm.s32 @!p0 $0x1C01  }
0x16a: {  	[timem:s3], [sflag:s2] =	dma.local @!p0 [hbm:s0], s1  }
0x16b: {  	s0 =	simm.s32 @!p0 $0x1  }
0x16c: {  	_ =	swait.ge @!p0 [sflag:s0], s1  }
0x16d: {  	s1 =	ssub.s32 @!p0 $0x0, s1;
	[sflag:s0] =	ssyncset.done @!p0 $0x0  }
0x16e: {  	[sflag:s0] =	ssyncadd.s32 @!p0 s1  }
0x16f: {  	[bflag:$0x3] =	sbarrier.arrive $0xFFFF  }
0x170: {  	_ =	shalt  }

</sc_bundles>
